<compile_context>
chip_gen: v7x
topology: tpu7x:2x2x1
jax: 0.10.2.dev20260603
libtpu: 0.0.44.dev20260713+nightly
codegen_flags: <defaults>
</compile_context>

<pallas_src>
import functools

import jax
import jax.numpy as jnp
from jax import lax
from jax.experimental import pallas as pl
from jax.experimental.pallas import tpu as pltpu
from jax.experimental.pallas import tpu_sc as plsc

B, F_DENSE, F_SPARSE, V, D = 1024, 13, 26, 1000, 128
F = F_DENSE + F_SPARSE
H0, H1, H2 = F * D, 2048, 1024
HD = F_DENSE * D
HS = F_SPARSE * D
H0C = D + HS
R = B * F_SPARSE
NC, NS = 2, 16
NW = NC * NS
RPW = R // NW
CH = 8
RPC = RPW // CH

_EPS = 1e-5
F8 = jnp.float8_e4m3fn
_SC_PARAMS = pltpu.CompilerParams(needs_layout_passes=False)

US = 0.25
MS = 16384.0
LS = 64.0
Y1DS = 4096.0
Y2DS = 64.0


def _sc_gather_call(e1flat, e2flat, idx):
    mesh = plsc.VectorSubcoreMesh(core_axis_name="c", subcore_axis_name="s")

    @functools.partial(
        pl.kernel,
        mesh=mesh,
        out_type=[
            jax.ShapeDtypeStruct((NW, RPW, D), jnp.float32),
            jax.ShapeDtypeStruct((NW, RPW, D), jnp.float32),
        ],
        scratch_types=[
            pltpu.VMEM((RPW,), jnp.int32),
            pltpu.VMEM((2, RPC, D), jnp.float32),
            pltpu.VMEM((2, RPC, D), jnp.float32),
            pltpu.SemaphoreType.DMA,
            pltpu.SemaphoreType.DMA,
        ],
        compiler_params=_SC_PARAMS,
    )
    def k(t1_hbm, t2_hbm, idx_hbm, r1_out, r2_out, idx_v, b1_v, b2_v,
          gsem, wsem):
        wid = lax.axis_index("s") * NC + lax.axis_index("c")
        pltpu.sync_copy(idx_hbm.at[wid], idx_v)
        wb = []
        for c in range(CH):
            sl = c % 2
            if c >= 2:
                wb[2 * (c - 2)].wait()
                wb[2 * (c - 2) + 1].wait()
            ic = idx_v.at[pl.ds(c * RPC, RPC)]
            g1 = pltpu.async_copy(t1_hbm.at[ic], b1_v.at[sl], gsem)
            g2 = pltpu.async_copy(t2_hbm.at[ic], b2_v.at[sl], gsem)
            g1.wait()
            g2.wait()
            dst = pl.ds(c * RPC, RPC)
            wb.append(pltpu.async_copy(b1_v.at[sl], r1_out.at[wid].at[dst], wsem))
            wb.append(pltpu.async_copy(b2_v.at[sl], r2_out.at[wid].at[dst], wsem))
        for c in wb[-4:]:
            c.wait()

    return k(e1flat, e2flat, idx)


def _prep_call(l1w, l2w, w2row, e13):
    tp = 256
    grid = H1 // tp

    def body(l1_ref, l2_ref, w2_ref, e13_ref, l1c_ref, l2c_ref):
        l1 = l1_ref[...]
        w2bd = (e13_ref[...]
                * jnp.broadcast_to(w2_ref[...], (F_DENSE, HD)).astype(jnp.bfloat16))
        m = jnp.dot(w2bd, l1[:HD, :].astype(jnp.bfloat16),
                    preferred_element_type=jnp.float32) * MS
        l1c_ref[0:F_DENSE, :] = jnp.clip(m, -440.0, 440.0).astype(F8)
        l1c_ref[F_DENSE:D, :] = jnp.zeros((D - F_DENSE, tp), F8)
        l1c_ref[D:, :] = (l1[HD:, :] * LS).astype(F8)
        l2c_ref[...] = (l2_ref[...] * LS).astype(F8)

    return pl.pallas_call(
        body,
        grid=(grid,),
        in_specs=[
            pl.BlockSpec((H0, tp), lambda i: (0, i)),
            pl.BlockSpec((H1, H2 // grid), lambda i: (0, i)),
            pl.BlockSpec((1, HD), lambda i: (0, 0)),
            pl.BlockSpec((F_DENSE, HD), lambda i: (0, 0)),
        ],
        out_specs=[
            pl.BlockSpec((H0C, tp), lambda i: (0, i)),
            pl.BlockSpec((H1, H2 // grid), lambda i: (0, i)),
        ],
        out_shape=[
            jax.ShapeDtypeStruct((H0C, H1), F8),
            jax.ShapeDtypeStruct((H1, H2), F8),
        ],
    )(l1w, l2w, w2row, e13)


def _mega_call(r1, r2, xi, xv, w1row, w2row, e39, bias2, l1c, l2c):
    tj = 1024
    grid = H1 // tj
    bc = 256
    nch = B // bc

    def body(r1_ref, r2_ref, xi_ref, xv_ref, w1_ref, w2_ref, e39_ref,
             bias_ref, l1c_ref, l2c_ref, out_ref, deep_ref, h1_ref,
             part_ref, st1_ref, st2_ref, sem1, sem2):
        j = pl.program_id(0)

        @pl.when(j == 0)
        def _build():
            e39 = e39_ref[...]
            for i in range(nch):
                row_sl = pl.ds(i * bc, bc)
                c1 = pltpu.make_async_copy(r1_ref.at[row_sl], st1_ref, sem1)
                c2 = pltpu.make_async_copy(r2_ref.at[row_sl], st2_ref, sem2)
                c1.start()
                c2.start()
                xid = xi_ref[row_sl, :F_DENSE].astype(jnp.float32)
                xvc = xv_ref[row_sl, :]
                xvd = xvc[:, :F_DENSE]
                u = xid * xvd
                z = jnp.concatenate([u, xvc[:, F_DENSE:]], axis=1)

                zh = z.astype(jnp.bfloat16)
                zl = (z - zh.astype(jnp.float32)).astype(jnp.bfloat16)
                zexp = (jnp.dot(zh, e39, preferred_element_type=jnp.float32)
                        + jnp.dot(zl, e39, preferred_element_type=jnp.float32))

                deep_ref[row_sl, 0:F_DENSE] = (u * US).astype(F8)
                deep_ref[row_sl, F_DENSE:D] = jnp.zeros((bc, D - F_DENSE), F8)
                dd = zexp[:, :HD] * w2_ref[...]
                c2.wait()
                sp = st2_ref[...] * zexp[:, HD:]
                deep_ref[row_sl, D:] = (sp * LS).astype(F8)
                s = jnp.zeros((bc, D), jnp.float32)
                q = jnp.zeros((bc, D), jnp.float32)
                for f in range(F_DENSE):
                    a = dd[:, f * D:(f + 1) * D]
                    s = s + a
                    q = q + a * a
                for f in range(F_SPARSE):
                    a = sp[:, f * D:(f + 1) * D]
                    s = s + a
                    q = q + a * a
                fm2 = 0.5 * jnp.sum(s * s - q, axis=1, keepdims=True)
                fm1d = jnp.sum(zexp[:, :HD] * w1_ref[...],
                               axis=1, keepdims=True)
                c1.wait()
                fm1s = jnp.sum(st1_ref[...] * zexp[:, HD:],
                               axis=1, keepdims=True)
                part_ref[row_sl, :] = (fm1d + fm1s + fm2
                                       + bias_ref[row_sl, :])

        y1 = jnp.dot(deep_ref[...], l1c_ref[...],
                     preferred_element_type=jnp.float32)
        m = jnp.mean(y1, axis=0, keepdims=True)
        q2 = jnp.mean(y1 * y1, axis=0, keepdims=True)
        v = q2 - m * m
        a1 = jax.lax.rsqrt(v * (1.0 / (Y1DS * Y1DS)) + _EPS) * (1.0 / Y1DS)
        h1_ref[:, pl.ds(j * tj, tj)] = ((y1 - m) * a1).astype(F8)

        @pl.when(j == grid - 1)
        def _final():
            y2 = jnp.dot(h1_ref[...], l2c_ref[...],
                         preferred_element_type=jnp.float32)
            m2 = jnp.mean(y2, axis=0, keepdims=True)
            q22 = jnp.mean(y2 * y2, axis=0, keepdims=True)
            v2 = q22 - m2 * m2
            a2 = jax.lax.rsqrt(v2 * (1.0 / (Y2DS * Y2DS)) + _EPS) * (1.0 / Y2DS)
            t = jnp.sum((y2 - m2) * a2, axis=1, keepdims=True)
            out_ref[...] = t + part_ref[...]

    return pl.pallas_call(
        body,
        grid=(grid,),
        in_specs=[
            pl.BlockSpec(memory_space=pltpu.MemorySpace.HBM),
            pl.BlockSpec(memory_space=pltpu.MemorySpace.HBM),
            pl.BlockSpec((B, F), lambda j: (0, 0)),
            pl.BlockSpec((B, F), lambda j: (0, 0)),
            pl.BlockSpec((1, HD), lambda j: (0, 0)),
            pl.BlockSpec((1, HD), lambda j: (0, 0)),
            pl.BlockSpec((F, H0), lambda j: (0, 0)),
            pl.BlockSpec((B, 1), lambda j: (0, 0)),
            pl.BlockSpec((H0C, tj), lambda j: (0, j)),
            pl.BlockSpec((H1, H2), lambda j: (0, 0)),
        ],
        out_specs=pl.BlockSpec((B, 1), lambda j: (0, 0)),
        out_shape=jax.ShapeDtypeStruct((B, 1), jnp.float32),
        scratch_shapes=[
            pltpu.VMEM((B, H0C), F8),
            pltpu.VMEM((B, H1), F8),
            pltpu.VMEM((B, 1), jnp.float32),
            pltpu.VMEM((bc, HS), jnp.float32),
            pltpu.VMEM((bc, HS), jnp.float32),
            pltpu.SemaphoreType.DMA,
            pltpu.SemaphoreType.DMA,
        ],
    )(r1, r2, xi, xv, w1row, w2row, e39, bias2, l1c, l2c)


def kernel(Xi, Xv, W1, b1, E1, W2, b2, E2, L1_w, L1_b, g1, be1, L2_w, L2_b, g2, be2, bias):
    del L1_b, L2_b, b1, b2, g1, g2, be1, be2
    xi2 = Xi.reshape(B, F).astype(jnp.int32)
    flat_idx = (xi2[:, F_DENSE:]
                + (jnp.arange(F_SPARSE, dtype=jnp.int32) * V)[None, :])
    idx = flat_idx.reshape(NW, RPW)

    e39 = (jnp.arange(H0, dtype=jnp.int32)[None, :] // D
           == jnp.arange(F, dtype=jnp.int32)[:, None]).astype(jnp.bfloat16)
    e13 = e39[:F_DENSE, :HD]

    rows1, rows2 = _sc_gather_call(E1.reshape(F_SPARSE * V, D),
                                   E2.reshape(F_SPARSE * V, D), idx)
    l1c, l2c = _prep_call(L1_w, L2_w, W2.reshape(1, HD), e13)

    total = _mega_call(
        rows1.reshape(B, HS), rows2.reshape(B, HS), xi2, Xv,
        W1.reshape(1, HD), W2.reshape(1, HD),
        e39, bias.reshape(B, 1), l1c, l2c)
    return total.reshape(B)

# --- scband reference (transcript-rebuilt; emitter-appended) ---
"""Pipeline reference for scband-deep-fm-25366076850614 (READ-ONLY COPY).

The authoritative reference and input builder live on the scoring server;
editing this copy changes nothing except your own understanding.
"""

import jax, jax.numpy as jnp
import numpy as np

B, F_DENSE, F_SPARSE, V, D = 1024, 13, 26, 1000, 128
F = F_DENSE + F_SPARSE
H0, H1, H2 = F * D, 2048, 1024


def setup_inputs(seed: int = 0) -> dict:
    key = jax.random.key(seed)
    ks = jax.random.split(key, 12)

    def n(k, shape, scale=0.02):
        return jax.random.normal(k, shape, dtype=jnp.float32) * scale

    Xi = jax.random.randint(ks[0], (B, F, 1), 0, V)
    Xv = jax.random.uniform(ks[1], (B, F), dtype=jnp.float32)
    W1 = n(ks[2], (F_DENSE, 1, D)); b1 = jnp.zeros((F_DENSE, D), jnp.float32)
    E1 = n(ks[3], (F_SPARSE, V, D))
    W2 = n(ks[4], (F_DENSE, 1, D)); b2 = jnp.zeros((F_DENSE, D), jnp.float32)
    E2 = n(ks[5], (F_SPARSE, V, D))
    L1_w = n(ks[6], (H0, H1)); L1_b = jnp.zeros((H1,), jnp.float32)
    g1 = jnp.ones((H1,), jnp.float32); be1 = jnp.zeros((H1,), jnp.float32)
    L2_w = n(ks[7], (H1, H2)); L2_b = jnp.zeros((H2,), jnp.float32)
    g2 = jnp.ones((H2,), jnp.float32); be2 = jnp.zeros((H2,), jnp.float32)
    bias = jax.random.normal(ks[8], (B,), dtype=jnp.float32)
    return {"Xi": Xi, "Xv": Xv, "W1": W1, "b1": b1, "E1": E1, "W2": W2, "b2": b2, "E2": E2,
            "L1_w": L1_w, "L1_b": L1_b, "g1": g1, "be1": be1,
            "L2_w": L2_w, "L2_b": L2_b, "g2": g2, "be2": be2, "bias": bias}


def _batchnorm(x, g, b, eps=1e-5):
    m = jnp.mean(x, axis=0)
    v = jnp.var(x, axis=0)
    return g * (x - m) / jnp.sqrt(v + eps) + b


def reference(Xi, Xv, W1, b1, E1, W2, b2, E2, L1_w, L1_b, g1, be1, L2_w, L2_b, g2, be2, bias):
    Bn = Xi.shape[0]
    Xi_d = Xi[:, :F_DENSE, :].astype(jnp.float32)   # [B,13,1] dense values fed to per-field Linear
    Xi_s = Xi[:, F_DENSE:, 0]                       # [B,26] sparse indices
    fidx = jnp.arange(F_SPARSE)[None, :]

    def field_emb(W, b, E):
        dense = jnp.einsum('bfi,fid->bfd', Xi_d, W) + b[None]      # [B,13,D]
        dense = dense * Xv[:, :F_DENSE, None]
        sp = E[fidx, Xi_s]                                          # [B,26,D] per-field embedding gather
        sp = sp * Xv[:, F_DENSE:, None]
        return jnp.concatenate([dense, sp], axis=1)                 # [B,39,D]

    arr1 = field_emb(W1, b1, E1)
    fm_first = arr1.reshape(Bn, -1)
    arr2 = field_emb(W2, b2, E2)
    s = arr2.sum(axis=1)
    fm_second = (s * s - (arr2 * arr2).sum(axis=1)) * 0.5
    deep = arr2.reshape(Bn, -1)
    h = _batchnorm(deep @ L1_w + L1_b, g1, be1)
    h = _batchnorm(h @ L2_w + L2_b, g2, be2)
    total = fm_first.sum(axis=1) + fm_second.sum(axis=1) + h.sum(axis=1) + bias
    return total

if __name__ == "__main__":
    import jax
    _d = setup_inputs()
    print(jax.jit(kernel)(*tuple(_d.values())))

</pallas_src>

<mosaic_0001>
#map = affine_map<(d0, d1) -> (0, 0)>
#map1 = affine_map<(d0, d1) -> (0, 0, 0)>
module attributes {stable_mosaic.version = 14 : i64} {
  func.func @k(%arg0: i32, %arg1: i32, %arg2: memref<26000x128xf32, #tpu.memory_space<hbm>>, %arg3: memref<26000x128xf32, #tpu.memory_space<hbm>>, %arg4: memref<32x832xi32, #tpu.memory_space<hbm>>, %arg5: memref<32x832x128xf32, #tpu.memory_space<hbm>>, %arg6: memref<32x832x128xf32, #tpu.memory_space<hbm>>, %arg7: memref<832xi32, #tpu.memory_space<vmem>>, %arg8: memref<2x104x128xf32, #tpu.memory_space<vmem>>, %arg9: memref<2x104x128xf32, #tpu.memory_space<vmem>>, %arg10: memref<!tpu.dma_semaphore, #tpu.memory_space<semaphore_mem>>, %arg11: memref<!tpu.dma_semaphore, #tpu.memory_space<semaphore_mem>>) attributes {dimension_semantics = [#tpu.dimension_semantics<core_parallel>, #tpu.dimension_semantics<subcore_parallel>], iteration_bounds = array<i64: 2, 16>, scalar_prefetch = 0 : i64, scratch_operands = 5 : i64, tpu.core_type = #tpu.core_type<sc_vector_subcore>, window_params = [{transform_indices = #map}, {transform_indices = #map}, {transform_indices = #map}, {transform_indices = #map1}, {transform_indices = #map1}]} {
    %mul3A = arith.constant 2 : i32
    %mul3A_0 = arith.muli %arg1, %mul3A : i32
    %add3A = arith.addi %mul3A_0, %arg0 : i32
    "tpu.region"() ({
      %run_scoped3A = tpu.sem_alloc : memref<!tpu.dma_semaphore, #tpu.memory_space<semaphore_mem>>
      %dma_start3A_1055 = arith.constant 0 : i32
      %dma_start3A_1056 = tpu.memref_slice %arg4[%add3A, %dma_start3A_1055] : memref<32x832xi32, #tpu.memory_space<hbm>> -> memref<1x832xi32, #tpu.memory_space<hbm>>
      %dma_start3A_1057 = tpu.memref_squeeze %dma_start3A_1056 : memref<1x832xi32, #tpu.memory_space<hbm>> -> memref<832xi32, #tpu.memory_space<hbm>>
      %dma_start3A_1058 = arith.constant 0 : i32
      %dma_start3A_1059 = tpu.memref_slice %arg4[%add3A, %dma_start3A_1058] : memref<32x832xi32, #tpu.memory_space<hbm>> -> memref<1x832xi32, #tpu.memory_space<hbm>>
      %dma_start3A_1060 = tpu.memref_squeeze %dma_start3A_1059 : memref<1x832xi32, #tpu.memory_space<hbm>> -> memref<832xi32, #tpu.memory_space<hbm>>
      tpu.enqueue_dma source(%dma_start3A_1060 : memref<832xi32, #tpu.memory_space<hbm>>) target(%arg7 : memref<832xi32, #tpu.memory_space<vmem>>) target_semaphore(%run_scoped3A : memref<!tpu.dma_semaphore, #tpu.memory_space<semaphore_mem>>)
      %dma_wait3A_1061 = arith.constant 0 : i32
      %dma_wait3A_1062 = tpu.memref_slice %arg4[%add3A, %dma_wait3A_1061] : memref<32x832xi32, #tpu.memory_space<hbm>> -> memref<1x832xi32, #tpu.memory_space<hbm>>
      %dma_wait3A_1063 = tpu.memref_squeeze %dma_wait3A_1062 : memref<1x832xi32, #tpu.memory_space<hbm>> -> memref<832xi32, #tpu.memory_space<hbm>>
      %dma_wait3A_1064 = arith.constant 0 : i32
      %dma_wait3A_1065 = tpu.memref_slice %arg4[%add3A, %dma_wait3A_1064] : memref<32x832xi32, #tpu.memory_space<hbm>> -> memref<1x832xi32, #tpu.memory_space<hbm>>
      %dma_wait3A_1066 = tpu.memref_squeeze %dma_wait3A_1065 : memref<1x832xi32, #tpu.memory_space<hbm>> -> memref<832xi32, #tpu.memory_space<hbm>>
      tpu.wait_dma2 semaphore(%run_scoped3A : memref<!tpu.dma_semaphore, #tpu.memory_space<semaphore_mem>>) src(%dma_wait3A_1066 : memref<832xi32, #tpu.memory_space<hbm>>) dst(%arg7 : memref<832xi32, #tpu.memory_space<vmem>>)
      tpu.yield
    }) : () -> ()
    %dma_start3A = arith.constant 0 : i32
    %dma_start3A_1 = arith.constant 0 : i32
    %dma_start3A_2 = arith.constant 0 : i32
    %dma_start3A_3 = tpu.memref_slice %arg8[%dma_start3A, %dma_start3A_1, %dma_start3A_2] : memref<2x104x128xf32, #tpu.memory_space<vmem>> -> memref<1x104x128xf32, #tpu.memory_space<vmem>>
    %dma_start3A_4 = tpu.memref_squeeze %dma_start3A_3 : memref<1x104x128xf32, #tpu.memory_space<vmem>> -> memref<104x128xf32, #tpu.memory_space<vmem>>
    %dma_start3A_5 = arith.constant 0 : i32
    %dma_start3A_6 = tpu.memref_slice %arg7[%dma_start3A_5] : memref<832xi32, #tpu.memory_space<vmem>> -> memref<104xi32, #tpu.memory_space<vmem>>
    %dma_start3A_7 = arith.constant 0 : i32
    %dma_start3A_8 = arith.constant 0 : i32
    %dma_start3A_9 = tpu.memref_slice %arg2[%dma_start3A_7, %dma_start3A_8] : memref<26000x128xf32, #tpu.memory_space<hbm>> -> memref<26000x128xf32, #tpu.memory_space<hbm>>
    tpu.enqueue_indirect_dma source(%dma_start3A_9 : memref<26000x128xf32, #tpu.memory_space<hbm>>) target(%dma_start3A_4 : memref<104x128xf32, #tpu.memory_space<vmem>>) offsets(%dma_start3A_6 : memref<104xi32, #tpu.memory_space<vmem>>) semaphore(%arg10 : memref<!tpu.dma_semaphore, #tpu.memory_space<semaphore_mem>>)
    %dma_start3A_10 = arith.constant 0 : i32
    %dma_start3A_11 = arith.constant 0 : i32
    %dma_start3A_12 = arith.constant 0 : i32
    %dma_start3A_13 = tpu.memref_slice %arg9[%dma_start3A_10, %dma_start3A_11, %dma_start3A_12] : memref<2x104x128xf32, #tpu.memory_space<vmem>> -> memref<1x104x128xf32, #tpu.memory_space<vmem>>
    %dma_start3A_14 = tpu.memref_squeeze %dma_start3A_13 : memref<1x104x128xf32, #tpu.memory_space<vmem>> -> memref<104x128xf32, #tpu.memory_space<vmem>>
    %dma_start3A_15 = arith.constant 0 : i32
    %dma_start3A_16 = tpu.memref_slice %arg7[%dma_start3A_15] : memref<832xi32, #tpu.memory_space<vmem>> -> memref<104xi32, #tpu.memory_space<vmem>>
    %dma_start3A_17 = arith.constant 0 : i32
    %dma_start3A_18 = arith.constant 0 : i32
    %dma_start3A_19 = tpu.memref_slice %arg3[%dma_start3A_17, %dma_start3A_18] : memref<26000x128xf32, #tpu.memory_space<hbm>> -> memref<26000x128xf32, #tpu.memory_space<hbm>>
    tpu.enqueue_indirect_dma source(%dma_start3A_19 : memref<26000x128xf32, #tpu.memory_space<hbm>>) target(%dma_start3A_14 : memref<104x128xf32, #tpu.memory_space<vmem>>) offsets(%dma_start3A_16 : memref<104xi32, #tpu.memory_space<vmem>>) semaphore(%arg10 : memref<!tpu.dma_semaphore, #tpu.memory_space<semaphore_mem>>)
    %dma_wait3A = arith.constant 0 : i32
    %dma_wait3A_20 = arith.constant 0 : i32
    %dma_wait3A_21 = arith.constant 0 : i32
    %dma_wait3A_22 = tpu.memref_slice %arg8[%dma_wait3A, %dma_wait3A_20, %dma_wait3A_21] : memref<2x104x128xf32, #tpu.memory_space<vmem>> -> memref<1x104x128xf32, #tpu.memory_space<vmem>>
    %dma_wait3A_23 = tpu.memref_squeeze %dma_wait3A_22 : memref<1x104x128xf32, #tpu.memory_space<vmem>> -> memref<104x128xf32, #tpu.memory_space<vmem>>
    %dma_wait3A_24 = arith.constant 0 : i32
    %dma_wait3A_25 = tpu.memref_slice %arg7[%dma_wait3A_24] : memref<832xi32, #tpu.memory_space<vmem>> -> memref<104xi32, #tpu.memory_space<vmem>>
    %dma_wait3A_26 = arith.constant 0 : i32
    %dma_wait3A_27 = arith.constant 0 : i32
    %dma_wait3A_28 = tpu.memref_slice %arg2[%dma_wait3A_26, %dma_wait3A_27] : memref<26000x128xf32, #tpu.memory_space<hbm>> -> memref<26000x128xf32, #tpu.memory_space<hbm>>
    tpu.wait_indirect_dma semaphore(%arg10 : memref<!tpu.dma_semaphore, #tpu.memory_space<semaphore_mem>>) src(%dma_wait3A_28 : memref<26000x128xf32, #tpu.memory_space<hbm>>) dst(%dma_wait3A_23 : memref<104x128xf32, #tpu.memory_space<vmem>>)
    %dma_wait3A_29 = arith.constant 0 : i32
    %dma_wait3A_30 = arith.constant 0 : i32
    %dma_wait3A_31 = arith.constant 0 : i32
    %dma_wait3A_32 = tpu.memref_slice %arg9[%dma_wait3A_29, %dma_wait3A_30, %dma_wait3A_31] : memref<2x104x128xf32, #tpu.memory_space<vmem>> -> memref<1x104x128xf32, #tpu.memory_space<vmem>>
    %dma_wait3A_33 = tpu.memref_squeeze %dma_wait3A_32 : memref<1x104x128xf32, #tpu.memory_space<vmem>> -> memref<104x128xf32, #tpu.memory_space<vmem>>
    %dma_wait3A_34 = arith.constant 0 : i32
    %dma_wait3A_35 = tpu.memref_slice %arg7[%dma_wait3A_34] : memref<832xi32, #tpu.memory_space<vmem>> -> memref<104xi32, #tpu.memory_space<vmem>>
    %dma_wait3A_36 = arith.constant 0 : i32
    %dma_wait3A_37 = arith.constant 0 : i32
    %dma_wait3A_38 = tpu.memref_slice %arg3[%dma_wait3A_36, %dma_wait3A_37] : memref<26000x128xf32, #tpu.memory_space<hbm>> -> memref<26000x128xf32, #tpu.memory_space<hbm>>
    tpu.wait_indirect_dma semaphore(%arg10 : memref<!tpu.dma_semaphore, #tpu.memory_space<semaphore_mem>>) src(%dma_wait3A_38 : memref<26000x128xf32, #tpu.memory_space<hbm>>) dst(%dma_wait3A_33 : memref<104x128xf32, #tpu.memory_space<vmem>>)
    %dma_start3A_39 = arith.constant 0 : i32
    %dma_start3A_40 = arith.constant 0 : i32
    %dma_start3A_41 = arith.constant 0 : i32
    %dma_start3A_42 = tpu.memref_slice %arg8[%dma_start3A_39, %dma_start3A_40, %dma_start3A_41] : memref<2x104x128xf32, #tpu.memory_space<vmem>> -> memref<1x104x128xf32, #tpu.memory_space<vmem>>
    %dma_start3A_43 = tpu.memref_squeeze %dma_start3A_42 : memref<1x104x128xf32, #tpu.memory_space<vmem>> -> memref<104x128xf32, #tpu.memory_space<vmem>>
    %dma_start3A_44 = arith.constant 0 : i32
    %dma_start3A_45 = arith.constant 0 : i32
    %dma_start3A_46 = tpu.memref_slice %arg5[%add3A, %dma_start3A_44, %dma_start3A_45] : memref<32x832x128xf32, #tpu.memory_space<hbm>> -> memref<1x832x128xf32, #tpu.memory_space<hbm>>
    %dma_start3A_47 = tpu.memref_squeeze %dma_start3A_46 : memref<1x832x128xf32, #tpu.memory_space<hbm>> -> memref<832x128xf32, #tpu.memory_space<hbm>>
    %dma_start3A_48 = arith.constant 0 : i32
    %dma_start3A_49 = arith.constant 0 : i32
    %dma_start3A_50 = tpu.memref_slice %dma_start3A_47[%dma_start3A_48, %dma_start3A_49] : memref<832x128xf32, #tpu.memory_space<hbm>> -> memref<104x128xf32, #tpu.memory_space<hbm>>
    %dma_start3A_51 = arith.constant 0 : i32
    %dma_start3A_52 = arith.constant 0 : i32
    %dma_start3A_53 = tpu.memref_slice %arg5[%add3A, %dma_start3A_51, %dma_start3A_52] : memref<32x832x128xf32, #tpu.memory_space<hbm>> -> memref<1x832x128xf32, #tpu.memory_space<hbm>>
    %dma_start3A_54 = tpu.memref_squeeze %dma_start3A_53 : memref<1x832x128xf32, #tpu.memory_space<hbm>> -> memref<832x128xf32, #tpu.memory_space<hbm>>
    %dma_start3A_55 = arith.constant 0 : i32
    %dma_start3A_56 = arith.constant 0 : i32
    %dma_start3A_57 = tpu.memref_slice %dma_start3A_54[%dma_start3A_55, %dma_start3A_56] : memref<832x128xf32, #tpu.memory_space<hbm>> -> memref<104x128xf32, #tpu.memory_space<hbm>>
    %dma_start3A_58 = arith.constant 0 : i32
    %dma_start3A_59 = arith.constant 0 : i32
    %dma_start3A_60 = tpu.memref_slice %arg8[%dma_start3A_39, %dma_start3A_58, %dma_start3A_59] : memref<2x104x128xf32, #tpu.memory_space<vmem>> -> memref<1x104x128xf32, #tpu.memory_space<vmem>>
    %dma_start3A_61 = tpu.memref_squeeze %dma_start3A_60 : memref<1x104x128xf32, #tpu.memory_space<vmem>> -> memref<104x128xf32, #tpu.memory_space<vmem>>
    tpu.enqueue_dma source(%dma_start3A_61 : memref<104x128xf32, #tpu.memory_space<vmem>>) target(%dma_start3A_57 : memref<104x128xf32, #tpu.memory_space<hbm>>) target_semaphore(%arg11 : memref<!tpu.dma_semaphore, #tpu.memory_space<semaphore_mem>>)
    %dma_start3A_62 = arith.constant 0 : i32
    %dma_start3A_63 = arith.constant 0 : i32
    %dma_start3A_64 = arith.constant 0 : i32
    %dma_start3A_65 = tpu.memref_slice %arg9[%dma_start3A_62, %dma_start3A_63, %dma_start3A_64] : memref<2x104x128xf32, #tpu.memory_space<vmem>> -> memref<1x104x128xf32, #tpu.memory_space<vmem>>
    %dma_start3A_66 = tpu.memref_squeeze %dma_start3A_65 : memref<1x104x128xf32, #tpu.memory_space<vmem>> -> memref<104x128xf32, #tpu.memory_space<vmem>>
    %dma_start3A_67 = arith.constant 0 : i32
    %dma_start3A_68 = arith.constant 0 : i32
    %dma_start3A_69 = tpu.memref_slice %arg6[%add3A, %dma_start3A_67, %dma_start3A_68] : memref<32x832x128xf32, #tpu.memory_space<hbm>> -> memref<1x832x128xf32, #tpu.memory_space<hbm>>
    %dma_start3A_70 = tpu.memref_squeeze %dma_start3A_69 : memref<1x832x128xf32, #tpu.memory_space<hbm>> -> memref<832x128xf32, #tpu.memory_space<hbm>>
    %dma_start3A_71 = arith.constant 0 : i32
    %dma_start3A_72 = arith.constant 0 : i32
    %dma_start3A_73 = tpu.memref_slice %dma_start3A_70[%dma_start3A_71, %dma_start3A_72] : memref<832x128xf32, #tpu.memory_space<hbm>> -> memref<104x128xf32, #tpu.memory_space<hbm>>
    %dma_start3A_74 = arith.constant 0 : i32
    %dma_start3A_75 = arith.constant 0 : i32
    %dma_start3A_76 = tpu.memref_slice %arg6[%add3A, %dma_start3A_74, %dma_start3A_75] : memref<32x832x128xf32, #tpu.memory_space<hbm>> -> memref<1x832x128xf32, #tpu.memory_space<hbm>>
    %dma_start3A_77 = tpu.memref_squeeze %dma_start3A_76 : memref<1x832x128xf32, #tpu.memory_space<hbm>> -> memref<832x128xf32, #tpu.memory_space<hbm>>
    %dma_start3A_78 = arith.constant 0 : i32
    %dma_start3A_79 = arith.constant 0 : i32
    %dma_start3A_80 = tpu.memref_slice %dma_start3A_77[%dma_start3A_78, %dma_start3A_79] : memref<832x128xf32, #tpu.memory_space<hbm>> -> memref<104x128xf32, #tpu.memory_space<hbm>>
    %dma_start3A_81 = arith.constant 0 : i32
    %dma_start3A_82 = arith.constant 0 : i32
    %dma_start3A_83 = tpu.memref_slice %arg9[%dma_start3A_62, %dma_start3A_81, %dma_start3A_82] : memref<2x104x128xf32, #tpu.memory_space<vmem>> -> memref<1x104x128xf32, #tpu.memory_space<vmem>>
    %dma_start3A_84 = tpu.memref_squeeze %dma_start3A_83 : memref<1x104x128xf32, #tpu.memory_space<vmem>> -> memref<104x128xf32, #tpu.memory_space<vmem>>
    tpu.enqueue_dma source(%dma_start3A_84 : memref<104x128xf32, #tpu.memory_space<vmem>>) target(%dma_start3A_80 : memref<104x128xf32, #tpu.memory_space<hbm>>) target_semaphore(%arg11 : memref<!tpu.dma_semaphore, #tpu.memory_space<semaphore_mem>>)
    %dma_start3A_85 = arith.constant 1 : i32
    %dma_start3A_86 = arith.constant 0 : i32
    %dma_start3A_87 = arith.constant 0 : i32
    %dma_start3A_88 = tpu.memref_slice %arg8[%dma_start3A_85, %dma_start3A_86, %dma_start3A_87] : memref<2x104x128xf32, #tpu.memory_space<vmem>> -> memref<1x104x128xf32, #tpu.memory_space<vmem>>
    %dma_start3A_89 = tpu.memref_squeeze %dma_start3A_88 : memref<1x104x128xf32, #tpu.memory_space<vmem>> -> memref<104x128xf32, #tpu.memory_space<vmem>>
    %dma_start3A_90 = arith.constant 104 : i32
    %dma_start3A_91 = tpu.memref_slice %arg7[%dma_start3A_90] : memref<832xi32, #tpu.memory_space<vmem>> -> memref<104xi32, #tpu.memory_space<vmem>>
    %dma_start3A_92 = arith.constant 0 : i32
    %dma_start3A_93 = arith.constant 0 : i32
    %dma_start3A_94 = tpu.memref_slice %arg2[%dma_start3A_92, %dma_start3A_93] : memref<26000x128xf32, #tpu.memory_space<hbm>> -> memref<26000x128xf32, #tpu.memory_space<hbm>>
    tpu.enqueue_indirect_dma source(%dma_start3A_94 : memref<26000x128xf32, #tpu.memory_space<hbm>>) target(%dma_start3A_89 : memref<104x128xf32, #tpu.memory_space<vmem>>) offsets(%dma_start3A_91 : memref<104xi32, #tpu.memory_space<vmem>>) semaphore(%arg10 : memref<!tpu.dma_semaphore, #tpu.memory_space<semaphore_mem>>)
    %dma_start3A_95 = arith.constant 1 : i32
    %dma_start3A_96 = arith.constant 0 : i32
    %dma_start3A_97 = arith.constant 0 : i32
    %dma_start3A_98 = tpu.memref_slice %arg9[%dma_start3A_95, %dma_start3A_96, %dma_start3A_97] : memref<2x104x128xf32, #tpu.memory_space<vmem>> -> memref<1x104x128xf32, #tpu.memory_space<vmem>>
    %dma_start3A_99 = tpu.memref_squeeze %dma_start3A_98 : memref<1x104x128xf32, #tpu.memory_space<vmem>> -> memref<104x128xf32, #tpu.memory_space<vmem>>
    %dma_start3A_100 = arith.constant 104 : i32
    %dma_start3A_101 = tpu.memref_slice %arg7[%dma_start3A_100] : memref<832xi32, #tpu.memory_space<vmem>> -> memref<104xi32, #tpu.memory_space<vmem>>
    %dma_start3A_102 = arith.constant 0 : i32
    %dma_start3A_103 = arith.constant 0 : i32
    %dma_start3A_104 = tpu.memref_slice %arg3[%dma_start3A_102, %dma_start3A_103] : memref<26000x128xf32, #tpu.memory_space<hbm>> -> memref<26000x128xf32, #tpu.memory_space<hbm>>
    tpu.enqueue_indirect_dma source(%dma_start3A_104 : memref<26000x128xf32, #tpu.memory_space<hbm>>) target(%dma_start3A_99 : memref<104x128xf32, #tpu.memory_space<vmem>>) offsets(%dma_start3A_101 : memref<104xi32, #tpu.memory_space<vmem>>) semaphore(%arg10 : memref<!tpu.dma_semaphore, #tpu.memory_space<semaphore_mem>>)
    %dma_wait3A_105 = arith.constant 1 : i32
    %dma_wait3A_106 = arith.constant 0 : i32
    %dma_wait3A_107 = arith.constant 0 : i32
    %dma_wait3A_108 = tpu.memref_slice %arg8[%dma_wait3A_105, %dma_wait3A_106, %dma_wait3A_107] : memref<2x104x128xf32, #tpu.memory_space<vmem>> -> memref<1x104x128xf32, #tpu.memory_space<vmem>>
    %dma_wait3A_109 = tpu.memref_squeeze %dma_wait3A_108 : memref<1x104x128xf32, #tpu.memory_space<vmem>> -> memref<104x128xf32, #tpu.memory_space<vmem>>
    %dma_wait3A_110 = arith.constant 104 : i32
    %dma_wait3A_111 = tpu.memref_slice %arg7[%dma_wait3A_110] : memref<832xi32, #tpu.memory_space<vmem>> -> memref<104xi32, #tpu.memory_space<vmem>>
    %dma_wait3A_112 = arith.constant 0 : i32
    %dma_wait3A_113 = arith.constant 0 : i32
    %dma_wait3A_114 = tpu.memref_slice %arg2[%dma_wait3A_112, %dma_wait3A_113] : memref<26000x128xf32, #tpu.memory_space<hbm>> -> memref<26000x128xf32, #tpu.memory_space<hbm>>
    tpu.wait_indirect_dma semaphore(%arg10 : memref<!tpu.dma_semaphore, #tpu.memory_space<semaphore_mem>>) src(%dma_wait3A_114 : memref<26000x128xf32, #tpu.memory_space<hbm>>) dst(%dma_wait3A_109 : memref<104x128xf32, #tpu.memory_space<vmem>>)
    %dma_wait3A_115 = arith.constant 1 : i32
    %dma_wait3A_116 = arith.constant 0 : i32
    %dma_wait3A_117 = arith.constant 0 : i32
    %dma_wait3A_118 = tpu.memref_slice %arg9[%dma_wait3A_115, %dma_wait3A_116, %dma_wait3A_117] : memref<2x104x128xf32, #tpu.memory_space<vmem>> -> memref<1x104x128xf32, #tpu.memory_space<vmem>>
    %dma_wait3A_119 = tpu.memref_squeeze %dma_wait3A_118 : memref<1x104x128xf32, #tpu.memory_space<vmem>> -> memref<104x128xf32, #tpu.memory_space<vmem>>
    %dma_wait3A_120 = arith.constant 104 : i32
    %dma_wait3A_121 = tpu.memref_slice %arg7[%dma_wait3A_120] : memref<832xi32, #tpu.memory_space<vmem>> -> memref<104xi32, #tpu.memory_space<vmem>>
    %dma_wait3A_122 = arith.constant 0 : i32
    %dma_wait3A_123 = arith.constant 0 : i32
    %dma_wait3A_124 = tpu.memref_slice %arg3[%dma_wait3A_122, %dma_wait3A_123] : memref<26000x128xf32, #tpu.memory_space<hbm>> -> memref<26000x128xf32, #tpu.memory_space<hbm>>
    tpu.wait_indirect_dma semaphore(%arg10 : memref<!tpu.dma_semaphore, #tpu.memory_space<semaphore_mem>>) src(%dma_wait3A_124 : memref<26000x128xf32, #tpu.memory_space<hbm>>) dst(%dma_wait3A_119 : memref<104x128xf32, #tpu.memory_space<vmem>>)
    %dma_start3A_125 = arith.constant 1 : i32
    %dma_start3A_126 = arith.constant 0 : i32
    %dma_start3A_127 = arith.constant 0 : i32
    %dma_start3A_128 = tpu.memref_slice %arg8[%dma_start3A_125, %dma_start3A_126, %dma_start3A_127] : memref<2x104x128xf32, #tpu.memory_space<vmem>> -> memref<1x104x128xf32, #tpu.memory_space<vmem>>
    %dma_start3A_129 = tpu.memref_squeeze %dma_start3A_128 : memref<1x104x128xf32, #tpu.memory_space<vmem>> -> memref<104x128xf32, #tpu.memory_space<vmem>>
    %dma_start3A_130 = arith.constant 0 : i32
    %dma_start3A_131 = arith.constant 0 : i32
    %dma_start3A_132 = tpu.memref_slice %arg5[%add3A, %dma_start3A_130, %dma_start3A_131] : memref<32x832x128xf32, #tpu.memory_space<hbm>> -> memref<1x832x128xf32, #tpu.memory_space<hbm>>
    %dma_start3A_133 = tpu.memref_squeeze %dma_start3A_132 : memref<1x832x128xf32, #tpu.memory_space<hbm>> -> memref<832x128xf32, #tpu.memory_space<hbm>>
    %dma_start3A_134 = arith.constant 104 : i32
    %dma_start3A_135 = arith.constant 0 : i32
    %dma_start3A_136 = tpu.memref_slice %dma_start3A_133[%dma_start3A_134, %dma_start3A_135] : memref<832x128xf32, #tpu.memory_space<hbm>> -> memref<104x128xf32, #tpu.memory_space<hbm>>
    %dma_start3A_137 = arith.constant 0 : i32
    %dma_start3A_138 = arith.constant 0 : i32
    %dma_start3A_139 = tpu.memref_slice %arg5[%add3A, %dma_start3A_137, %dma_start3A_138] : memref<32x832x128xf32, #tpu.memory_space<hbm>> -> memref<1x832x128xf32, #tpu.memory_space<hbm>>
    %dma_start3A_140 = tpu.memref_squeeze %dma_start3A_139 : memref<1x832x128xf32, #tpu.memory_space<hbm>> -> memref<832x128xf32, #tpu.memory_space<hbm>>
    %dma_start3A_141 = arith.constant 104 : i32
    %dma_start3A_142 = arith.constant 0 : i32
    %dma_start3A_143 = tpu.memref_slice %dma_start3A_140[%dma_start3A_141, %dma_start3A_142] : memref<832x128xf32, #tpu.memory_space<hbm>> -> memref<104x128xf32, #tpu.memory_space<hbm>>
    %dma_start3A_144 = arith.constant 0 : i32
    %dma_start3A_145 = arith.constant 0 : i32
    %dma_start3A_146 = tpu.memref_slice %arg8[%dma_start3A_125, %dma_start3A_144, %dma_start3A_145] : memref<2x104x128xf32, #tpu.memory_space<vmem>> -> memref<1x104x128xf32, #tpu.memory_space<vmem>>
    %dma_start3A_147 = tpu.memref_squeeze %dma_start3A_146 : memref<1x104x128xf32, #tpu.memory_space<vmem>> -> memref<104x128xf32, #tpu.memory_space<vmem>>
    tpu.enqueue_dma source(%dma_start3A_147 : memref<104x128xf32, #tpu.memory_space<vmem>>) target(%dma_start3A_143 : memref<104x128xf32, #tpu.memory_space<hbm>>) target_semaphore(%arg11 : memref<!tpu.dma_semaphore, #tpu.memory_space<semaphore_mem>>)
    %dma_start3A_148 = arith.constant 1 : i32
    %dma_start3A_149 = arith.constant 0 : i32
    %dma_start3A_150 = arith.constant 0 : i32
    %dma_start3A_151 = tpu.memref_slice %arg9[%dma_start3A_148, %dma_start3A_149, %dma_start3A_150] : memref<2x104x128xf32, #tpu.memory_space<vmem>> -> memref<1x104x128xf32, #tpu.memory_space<vmem>>
    %dma_start3A_152 = tpu.memref_squeeze %dma_start3A_151 : memref<1x104x128xf32, #tpu.memory_space<vmem>> -> memref<104x128xf32, #tpu.memory_space<vmem>>
    %dma_start3A_153 = arith.constant 0 : i32
    %dma_start3A_154 = arith.constant 0 : i32
    %dma_start3A_155 = tpu.memref_slice %arg6[%add3A, %dma_start3A_153, %dma_start3A_154] : memref<32x832x128xf32, #tpu.memory_space<hbm>> -> memref<1x832x128xf32, #tpu.memory_space<hbm>>
    %dma_start3A_156 = tpu.memref_squeeze %dma_start3A_155 : memref<1x832x128xf32, #tpu.memory_space<hbm>> -> memref<832x128xf32, #tpu.memory_space<hbm>>
    %dma_start3A_157 = arith.constant 104 : i32
    %dma_start3A_158 = arith.constant 0 : i32
    %dma_start3A_159 = tpu.memref_slice %dma_start3A_156[%dma_start3A_157, %dma_start3A_158] : memref<832x128xf32, #tpu.memory_space<hbm>> -> memref<104x128xf32, #tpu.memory_space<hbm>>
    %dma_start3A_160 = arith.constant 0 : i32
    %dma_start3A_161 = arith.constant 0 : i32
    %dma_start3A_162 = tpu.memref_slice %arg6[%add3A, %dma_start3A_160, %dma_start3A_161] : memref<32x832x128xf32, #tpu.memory_space<hbm>> -> memref<1x832x128xf32, #tpu.memory_space<hbm>>
    %dma_start3A_163 = tpu.memref_squeeze %dma_start3A_162 : memref<1x832x128xf32, #tpu.memory_space<hbm>> -> memref<832x128xf32, #tpu.memory_space<hbm>>
    %dma_start3A_164 = arith.constant 104 : i32
    %dma_start3A_165 = arith.constant 0 : i32
    %dma_start3A_166 = tpu.memref_slice %dma_start3A_163[%dma_start3A_164, %dma_start3A_165] : memref<832x128xf32, #tpu.memory_space<hbm>> -> memref<104x128xf32, #tpu.memory_space<hbm>>
    %dma_start3A_167 = arith.constant 0 : i32
    %dma_start3A_168 = arith.constant 0 : i32
    %dma_start3A_169 = tpu.memref_slice %arg9[%dma_start3A_148, %dma_start3A_167, %dma_start3A_168] : memref<2x104x128xf32, #tpu.memory_space<vmem>> -> memref<1x104x128xf32, #tpu.memory_space<vmem>>
    %dma_start3A_170 = tpu.memref_squeeze %dma_start3A_169 : memref<1x104x128xf32, #tpu.memory_space<vmem>> -> memref<104x128xf32, #tpu.memory_space<vmem>>
    tpu.enqueue_dma source(%dma_start3A_170 : memref<104x128xf32, #tpu.memory_space<vmem>>) target(%dma_start3A_166 : memref<104x128xf32, #tpu.memory_space<hbm>>) target_semaphore(%arg11 : memref<!tpu.dma_semaphore, #tpu.memory_space<semaphore_mem>>)
    %dma_wait3A_171 = arith.constant 0 : i32
    %dma_wait3A_172 = arith.constant 0 : i32
    %dma_wait3A_173 = arith.constant 0 : i32
    %dma_wait3A_174 = tpu.memref_slice %arg8[%dma_wait3A_171, %dma_wait3A_172, %dma_wait3A_173] : memref<2x104x128xf32, #tpu.memory_space<vmem>> -> memref<1x104x128xf32, #tpu.memory_space<vmem>>
    %dma_wait3A_175 = tpu.memref_squeeze %dma_wait3A_174 : memref<1x104x128xf32, #tpu.memory_space<vmem>> -> memref<104x128xf32, #tpu.memory_space<vmem>>
    %dma_wait3A_176 = arith.constant 0 : i32
    %dma_wait3A_177 = arith.constant 0 : i32
    %dma_wait3A_178 = tpu.memref_slice %arg5[%add3A, %dma_wait3A_176, %dma_wait3A_177] : memref<32x832x128xf32, #tpu.memory_space<hbm>> -> memref<1x832x128xf32, #tpu.memory_space<hbm>>
    %dma_wait3A_179 = tpu.memref_squeeze %dma_wait3A_178 : memref<1x832x128xf32, #tpu.memory_space<hbm>> -> memref<832x128xf32, #tpu.memory_space<hbm>>
    %dma_wait3A_180 = arith.constant 0 : i32
    %dma_wait3A_181 = arith.constant 0 : i32
    %dma_wait3A_182 = tpu.memref_slice %dma_wait3A_179[%dma_wait3A_180, %dma_wait3A_181] : memref<832x128xf32, #tpu.memory_space<hbm>> -> memref<104x128xf32, #tpu.memory_space<hbm>>
    %dma_wait3A_183 = arith.constant 0 : i32
    %dma_wait3A_184 = arith.constant 0 : i32
    %dma_wait3A_185 = tpu.memref_slice %arg5[%add3A, %dma_wait3A_183, %dma_wait3A_184] : memref<32x832x128xf32, #tpu.memory_space<hbm>> -> memref<1x832x128xf32, #tpu.memory_space<hbm>>
    %dma_wait3A_186 = tpu.memref_squeeze %dma_wait3A_185 : memref<1x832x128xf32, #tpu.memory_space<hbm>> -> memref<832x128xf32, #tpu.memory_space<hbm>>
    %dma_wait3A_187 = arith.constant 0 : i32
    %dma_wait3A_188 = arith.constant 0 : i32
    %dma_wait3A_189 = tpu.memref_slice %dma_wait3A_186[%dma_wait3A_187, %dma_wait3A_188] : memref<832x128xf32, #tpu.memory_space<hbm>> -> memref<104x128xf32, #tpu.memory_space<hbm>>
    %dma_wait3A_190 = arith.constant 0 : i32
    %dma_wait3A_191 = arith.constant 0 : i32
    %dma_wait3A_192 = tpu.memref_slice %arg8[%dma_wait3A_171, %dma_wait3A_190, %dma_wait3A_191] : memref<2x104x128xf32, #tpu.memory_space<vmem>> -> memref<1x104x128xf32, #tpu.memory_space<vmem>>
    %dma_wait3A_193 = tpu.memref_squeeze %dma_wait3A_192 : memref<1x104x128xf32, #tpu.memory_space<vmem>> -> memref<104x128xf32, #tpu.memory_space<vmem>>
    tpu.wait_dma2 semaphore(%arg11 : memref<!tpu.dma_semaphore, #tpu.memory_space<semaphore_mem>>) src(%dma_wait3A_193 : memref<104x128xf32, #tpu.memory_space<vmem>>) dst(%dma_wait3A_189 : memref<104x128xf32, #tpu.memory_space<hbm>>)
    %dma_wait3A_194 = arith.constant 0 : i32
    %dma_wait3A_195 = arith.constant 0 : i32
    %dma_wait3A_196 = arith.constant 0 : i32
    %dma_wait3A_197 = tpu.memref_slice %arg9[%dma_wait3A_194, %dma_wait3A_195, %dma_wait3A_196] : memref<2x104x128xf32, #tpu.memory_space<vmem>> -> memref<1x104x128xf32, #tpu.memory_space<vmem>>
    %dma_wait3A_198 = tpu.memref_squeeze %dma_wait3A_197 : memref<1x104x128xf32, #tpu.memory_space<vmem>> -> memref<104x128xf32, #tpu.memory_space<vmem>>
    %dma_wait3A_199 = arith.constant 0 : i32
    %dma_wait3A_200 = arith.constant 0 : i32
    %dma_wait3A_201 = tpu.memref_slice %arg6[%add3A, %dma_wait3A_199, %dma_wait3A_200] : memref<32x832x128xf32, #tpu.memory_space<hbm>> -> memref<1x832x128xf32, #tpu.memory_space<hbm>>
    %dma_wait3A_202 = tpu.memref_squeeze %dma_wait3A_201 : memref<1x832x128xf32, #tpu.memory_space<hbm>> -> memref<832x128xf32, #tpu.memory_space<hbm>>
    %dma_wait3A_203 = arith.constant 0 : i32
    %dma_wait3A_204 = arith.constant 0 : i32
    %dma_wait3A_205 = tpu.memref_slice %dma_wait3A_202[%dma_wait3A_203, %dma_wait3A_204] : memref<832x128xf32, #tpu.memory_space<hbm>> -> memref<104x128xf32, #tpu.memory_space<hbm>>
    %dma_wait3A_206 = arith.constant 0 : i32
    %dma_wait3A_207 = arith.constant 0 : i32
    %dma_wait3A_208 = tpu.memref_slice %arg6[%add3A, %dma_wait3A_206, %dma_wait3A_207] : memref<32x832x128xf32, #tpu.memory_space<hbm>> -> memref<1x832x128xf32, #tpu.memory_space<hbm>>
    %dma_wait3A_209 = tpu.memref_squeeze %dma_wait3A_208 : memref<1x832x128xf32, #tpu.memory_space<hbm>> -> memref<832x128xf32, #tpu.memory_space<hbm>>
    %dma_wait3A_210 = arith.constant 0 : i32
    %dma_wait3A_211 = arith.constant 0 : i32
    %dma_wait3A_212 = tpu.memref_slice %dma_wait3A_209[%dma_wait3A_210, %dma_wait3A_211] : memref<832x128xf32, #tpu.memory_space<hbm>> -> memref<104x128xf32, #tpu.memory_space<hbm>>
    %dma_wait3A_213 = arith.constant 0 : i32
    %dma_wait3A_214 = arith.constant 0 : i32
    %dma_wait3A_215 = tpu.memref_slice %arg9[%dma_wait3A_194, %dma_wait3A_213, %dma_wait3A_214] : memref<2x104x128xf32, #tpu.memory_space<vmem>> -> memref<1x104x128xf32, #tpu.memory_space<vmem>>
    %dma_wait3A_216 = tpu.memref_squeeze %dma_wait3A_215 : memref<1x104x128xf32, #tpu.memory_space<vmem>> -> memref<104x128xf32, #tpu.memory_space<vmem>>
    tpu.wait_dma2 semaphore(%arg11 : memref<!tpu.dma_semaphore, #tpu.memory_space<semaphore_mem>>) src(%dma_wait3A_216 : memref<104x128xf32, #tpu.memory_space<vmem>>) dst(%dma_wait3A_212 : memref<104x128xf32, #tpu.memory_space<hbm>>)
    %dma_start3A_217 = arith.constant 0 : i32
    %dma_start3A_218 = arith.constant 0 : i32
    %dma_start3A_219 = arith.constant 0 : i32
    %dma_start3A_220 = tpu.memref_slice %arg8[%dma_start3A_217, %dma_start3A_218, %dma_start3A_219] : memref<2x104x128xf32, #tpu.memory_space<vmem>> -> memref<1x104x128xf32, #tpu.memory_space<vmem>>
    %dma_start3A_221 = tpu.memref_squeeze %dma_start3A_220 : memref<1x104x128xf32, #tpu.memory_space<vmem>> -> memref<104x128xf32, #tpu.memory_space<vmem>>
    %dma_start3A_222 = arith.constant 208 : i32
    %dma_start3A_223 = tpu.memref_slice %arg7[%dma_start3A_222] : memref<832xi32, #tpu.memory_space<vmem>> -> memref<104xi32, #tpu.memory_space<vmem>>
    %dma_start3A_224 = arith.constant 0 : i32
    %dma_start3A_225 = arith.constant 0 : i32
    %dma_start3A_226 = tpu.memref_slice %arg2[%dma_start3A_224, %dma_start3A_225] : memref<26000x128xf32, #tpu.memory_space<hbm>> -> memref<26000x128xf32, #tpu.memory_space<hbm>>
    tpu.enqueue_indirect_dma source(%dma_start3A_226 : memref<26000x128xf32, #tpu.memory_space<hbm>>) target(%dma_start3A_221 : memref<104x128xf32, #tpu.memory_space<vmem>>) offsets(%dma_start3A_223 : memref<104xi32, #tpu.memory_space<vmem>>) semaphore(%arg10 : memref<!tpu.dma_semaphore, #tpu.memory_space<semaphore_mem>>)
    %dma_start3A_227 = arith.constant 0 : i32
    %dma_start3A_228 = arith.constant 0 : i32
    %dma_start3A_229 = arith.constant 0 : i32
    %dma_start3A_230 = tpu.memref_slice %arg9[%dma_start3A_227, %dma_start3A_228, %dma_start3A_229] : memref<2x104x128xf32, #tpu.memory_space<vmem>> -> memref<1x104x128xf32, #tpu.memory_space<vmem>>
    %dma_start3A_231 = tpu.memref_squeeze %dma_start3A_230 : memref<1x104x128xf32, #tpu.memory_space<vmem>> -> memref<104x128xf32, #tpu.memory_space<vmem>>
    %dma_start3A_232 = arith.constant 208 : i32
    %dma_start3A_233 = tpu.memref_slice %arg7[%dma_start3A_232] : memref<832xi32, #tpu.memory_space<vmem>> -> memref<104xi32, #tpu.memory_space<vmem>>
    %dma_start3A_234 = arith.constant 0 : i32
    %dma_start3A_235 = arith.constant 0 : i32
    %dma_start3A_236 = tpu.memref_slice %arg3[%dma_start3A_234, %dma_start3A_235] : memref<26000x128xf32, #tpu.memory_space<hbm>> -> memref<26000x128xf32, #tpu.memory_space<hbm>>
    tpu.enqueue_indirect_dma source(%dma_start3A_236 : memref<26000x128xf32, #tpu.memory_space<hbm>>) target(%dma_start3A_231 : memref<104x128xf32, #tpu.memory_space<vmem>>) offsets(%dma_start3A_233 : memref<104xi32, #tpu.memory_space<vmem>>) semaphore(%arg10 : memref<!tpu.dma_semaphore, #tpu.memory_space<semaphore_mem>>)
    %dma_wait3A_237 = arith.constant 0 : i32
    %dma_wait3A_238 = arith.constant 0 : i32
    %dma_wait3A_239 = arith.constant 0 : i32
    %dma_wait3A_240 = tpu.memref_slice %arg8[%dma_wait3A_237, %dma_wait3A_238, %dma_wait3A_239] : memref<2x104x128xf32, #tpu.memory_space<vmem>> -> memref<1x104x128xf32, #tpu.memory_space<vmem>>
    %dma_wait3A_241 = tpu.memref_squeeze %dma_wait3A_240 : memref<1x104x128xf32, #tpu.memory_space<vmem>> -> memref<104x128xf32, #tpu.memory_space<vmem>>
    %dma_wait3A_242 = arith.constant 208 : i32
    %dma_wait3A_243 = tpu.memref_slice %arg7[%dma_wait3A_242] : memref<832xi32, #tpu.memory_space<vmem>> -> memref<104xi32, #tpu.memory_space<vmem>>
    %dma_wait3A_244 = arith.constant 0 : i32
    %dma_wait3A_245 = arith.constant 0 : i32
    %dma_wait3A_246 = tpu.memref_slice %arg2[%dma_wait3A_244, %dma_wait3A_245] : memref<26000x128xf32, #tpu.memory_space<hbm>> -> memref<26000x128xf32, #tpu.memory_space<hbm>>
    tpu.wait_indirect_dma semaphore(%arg10 : memref<!tpu.dma_semaphore, #tpu.memory_space<semaphore_mem>>) src(%dma_wait3A_246 : memref<26000x128xf32, #tpu.memory_space<hbm>>) dst(%dma_wait3A_241 : memref<104x128xf32, #tpu.memory_space<vmem>>)
    %dma_wait3A_247 = arith.constant 0 : i32
    %dma_wait3A_248 = arith.constant 0 : i32
    %dma_wait3A_249 = arith.constant 0 : i32
    %dma_wait3A_250 = tpu.memref_slice %arg9[%dma_wait3A_247, %dma_wait3A_248, %dma_wait3A_249] : memref<2x104x128xf32, #tpu.memory_space<vmem>> -> memref<1x104x128xf32, #tpu.memory_space<vmem>>
    %dma_wait3A_251 = tpu.memref_squeeze %dma_wait3A_250 : memref<1x104x128xf32, #tpu.memory_space<vmem>> -> memref<104x128xf32, #tpu.memory_space<vmem>>
    %dma_wait3A_252 = arith.constant 208 : i32
    %dma_wait3A_253 = tpu.memref_slice %arg7[%dma_wait3A_252] : memref<832xi32, #tpu.memory_space<vmem>> -> memref<104xi32, #tpu.memory_space<vmem>>
    %dma_wait3A_254 = arith.constant 0 : i32
    %dma_wait3A_255 = arith.constant 0 : i32
    %dma_wait3A_256 = tpu.memref_slice %arg3[%dma_wait3A_254, %dma_wait3A_255] : memref<26000x128xf32, #tpu.memory_space<hbm>> -> memref<26000x128xf32, #tpu.memory_space<hbm>>
    tpu.wait_indirect_dma semaphore(%arg10 : memref<!tpu.dma_semaphore, #tpu.memory_space<semaphore_mem>>) src(%dma_wait3A_256 : memref<26000x128xf32, #tpu.memory_space<hbm>>) dst(%dma_wait3A_251 : memref<104x128xf32, #tpu.memory_space<vmem>>)
    %dma_start3A_257 = arith.constant 0 : i32
    %dma_start3A_258 = arith.constant 0 : i32
    %dma_start3A_259 = arith.constant 0 : i32
    %dma_start3A_260 = tpu.memref_slice %arg8[%dma_start3A_257, %dma_start3A_258, %dma_start3A_259] : memref<2x104x128xf32, #tpu.memory_space<vmem>> -> memref<1x104x128xf32, #tpu.memory_space<vmem>>
    %dma_start3A_261 = tpu.memref_squeeze %dma_start3A_260 : memref<1x104x128xf32, #tpu.memory_space<vmem>> -> memref<104x128xf32, #tpu.memory_space<vmem>>
    %dma_start3A_262 = arith.constant 0 : i32
    %dma_start3A_263 = arith.constant 0 : i32
    %dma_start3A_264 = tpu.memref_slice %arg5[%add3A, %dma_start3A_262, %dma_start3A_263] : memref<32x832x128xf32, #tpu.memory_space<hbm>> -> memref<1x832x128xf32, #tpu.memory_space<hbm>>
    %dma_start3A_265 = tpu.memref_squeeze %dma_start3A_264 : memref<1x832x128xf32, #tpu.memory_space<hbm>> -> memref<832x128xf32, #tpu.memory_space<hbm>>
    %dma_start3A_266 = arith.constant 208 : i32
    %dma_start3A_267 = arith.constant 0 : i32
    %dma_start3A_268 = tpu.memref_slice %dma_start3A_265[%dma_start3A_266, %dma_start3A_267] : memref<832x128xf32, #tpu.memory_space<hbm>> -> memref<104x128xf32, #tpu.memory_space<hbm>>
    %dma_start3A_269 = arith.constant 0 : i32
    %dma_start3A_270 = arith.constant 0 : i32
    %dma_start3A_271 = tpu.memref_slice %arg5[%add3A, %dma_start3A_269, %dma_start3A_270] : memref<32x832x128xf32, #tpu.memory_space<hbm>> -> memref<1x832x128xf32, #tpu.memory_space<hbm>>
    %dma_start3A_272 = tpu.memref_squeeze %dma_start3A_271 : memref<1x832x128xf32, #tpu.memory_space<hbm>> -> memref<832x128xf32, #tpu.memory_space<hbm>>
    %dma_start3A_273 = arith.constant 208 : i32
    %dma_start3A_274 = arith.constant 0 : i32
    %dma_start3A_275 = tpu.memref_slice %dma_start3A_272[%dma_start3A_273, %dma_start3A_274] : memref<832x128xf32, #tpu.memory_space<hbm>> -> memref<104x128xf32, #tpu.memory_space<hbm>>
    %dma_start3A_276 = arith.constant 0 : i32
    %dma_start3A_277 = arith.constant 0 : i32
    %dma_start3A_278 = tpu.memref_slice %arg8[%dma_start3A_257, %dma_start3A_276, %dma_start3A_277] : memref<2x104x128xf32, #tpu.memory_space<vmem>> -> memref<1x104x128xf32, #tpu.memory_space<vmem>>
    %dma_start3A_279 = tpu.memref_squeeze %dma_start3A_278 : memref<1x104x128xf32, #tpu.memory_space<vmem>> -> memref<104x128xf32, #tpu.memory_space<vmem>>
    tpu.enqueue_dma source(%dma_start3A_279 : memref<104x128xf32, #tpu.memory_space<vmem>>) target(%dma_start3A_275 : memref<104x128xf32, #tpu.memory_space<hbm>>) target_semaphore(%arg11 : memref<!tpu.dma_semaphore, #tpu.memory_space<semaphore_mem>>)
    %dma_start3A_280 = arith.constant 0 : i32
    %dma_start3A_281 = arith.constant 0 : i32
    %dma_start3A_282 = arith.constant 0 : i32
    %dma_start3A_283 = tpu.memref_slice %arg9[%dma_start3A_280, %dma_start3A_281, %dma_start3A_282] : memref<2x104x128xf32, #tpu.memory_space<vmem>> -> memref<1x104x128xf32, #tpu.memory_space<vmem>>
    %dma_start3A_284 = tpu.memref_squeeze %dma_start3A_283 : memref<1x104x128xf32, #tpu.memory_space<vmem>> -> memref<104x128xf32, #tpu.memory_space<vmem>>
    %dma_start3A_285 = arith.constant 0 : i32
    %dma_start3A_286 = arith.constant 0 : i32
    %dma_start3A_287 = tpu.memref_slice %arg6[%add3A, %dma_start3A_285, %dma_start3A_286] : memref<32x832x128xf32, #tpu.memory_space<hbm>> -> memref<1x832x128xf32, #tpu.memory_space<hbm>>
    %dma_start3A_288 = tpu.memref_squeeze %dma_start3A_287 : memref<1x832x128xf32, #tpu.memory_space<hbm>> -> memref<832x128xf32, #tpu.memory_space<hbm>>
    %dma_start3A_289 = arith.constant 208 : i32
    %dma_start3A_290 = arith.constant 0 : i32
    %dma_start3A_291 = tpu.memref_slice %dma_start3A_288[%dma_start3A_289, %dma_start3A_290] : memref<832x128xf32, #tpu.memory_space<hbm>> -> memref<104x128xf32, #tpu.memory_space<hbm>>
    %dma_start3A_292 = arith.constant 0 : i32
    %dma_start3A_293 = arith.constant 0 : i32
    %dma_start3A_294 = tpu.memref_slice %arg6[%add3A, %dma_start3A_292, %dma_start3A_293] : memref<32x832x128xf32, #tpu.memory_space<hbm>> -> memref<1x832x128xf32, #tpu.memory_space<hbm>>
    %dma_start3A_295 = tpu.memref_squeeze %dma_start3A_294 : memref<1x832x128xf32, #tpu.memory_space<hbm>> -> memref<832x128xf32, #tpu.memory_space<hbm>>
    %dma_start3A_296 = arith.constant 208 : i32
    %dma_start3A_297 = arith.constant 0 : i32
    %dma_start3A_298 = tpu.memref_slice %dma_start3A_295[%dma_start3A_296, %dma_start3A_297] : memref<832x128xf32, #tpu.memory_space<hbm>> -> memref<104x128xf32, #tpu.memory_space<hbm>>
    %dma_start3A_299 = arith.constant 0 : i32
    %dma_start3A_300 = arith.constant 0 : i32
    %dma_start3A_301 = tpu.memref_slice %arg9[%dma_start3A_280, %dma_start3A_299, %dma_start3A_300] : memref<2x104x128xf32, #tpu.memory_space<vmem>> -> memref<1x104x128xf32, #tpu.memory_space<vmem>>
    %dma_start3A_302 = tpu.memref_squeeze %dma_start3A_301 : memref<1x104x128xf32, #tpu.memory_space<vmem>> -> memref<104x128xf32, #tpu.memory_space<vmem>>
    tpu.enqueue_dma source(%dma_start3A_302 : memref<104x128xf32, #tpu.memory_space<vmem>>) target(%dma_start3A_298 : memref<104x128xf32, #tpu.memory_space<hbm>>) target_semaphore(%arg11 : memref<!tpu.dma_semaphore, #tpu.memory_space<semaphore_mem>>)
    %dma_wait3A_303 = arith.constant 1 : i32
    %dma_wait3A_304 = arith.constant 0 : i32
    %dma_wait3A_305 = arith.constant 0 : i32
    %dma_wait3A_306 = tpu.memref_slice %arg8[%dma_wait3A_303, %dma_wait3A_304, %dma_wait3A_305] : memref<2x104x128xf32, #tpu.memory_space<vmem>> -> memref<1x104x128xf32, #tpu.memory_space<vmem>>
    %dma_wait3A_307 = tpu.memref_squeeze %dma_wait3A_306 : memref<1x104x128xf32, #tpu.memory_space<vmem>> -> memref<104x128xf32, #tpu.memory_space<vmem>>
    %dma_wait3A_308 = arith.constant 0 : i32
    %dma_wait3A_309 = arith.constant 0 : i32
    %dma_wait3A_310 = tpu.memref_slice %arg5[%add3A, %dma_wait3A_308, %dma_wait3A_309] : memref<32x832x128xf32, #tpu.memory_space<hbm>> -> memref<1x832x128xf32, #tpu.memory_space<hbm>>
    %dma_wait3A_311 = tpu.memref_squeeze %dma_wait3A_310 : memref<1x832x128xf32, #tpu.memory_space<hbm>> -> memref<832x128xf32, #tpu.memory_space<hbm>>
    %dma_wait3A_312 = arith.constant 104 : i32
    %dma_wait3A_313 = arith.constant 0 : i32
    %dma_wait3A_314 = tpu.memref_slice %dma_wait3A_311[%dma_wait3A_312, %dma_wait3A_313] : memref<832x128xf32, #tpu.memory_space<hbm>> -> memref<104x128xf32, #tpu.memory_space<hbm>>
    %dma_wait3A_315 = arith.constant 0 : i32
    %dma_wait3A_316 = arith.constant 0 : i32
    %dma_wait3A_317 = tpu.memref_slice %arg5[%add3A, %dma_wait3A_315, %dma_wait3A_316] : memref<32x832x128xf32, #tpu.memory_space<hbm>> -> memref<1x832x128xf32, #tpu.memory_space<hbm>>
    %dma_wait3A_318 = tpu.memref_squeeze %dma_wait3A_317 : memref<1x832x128xf32, #tpu.memory_space<hbm>> -> memref<832x128xf32, #tpu.memory_space<hbm>>
    %dma_wait3A_319 = arith.constant 104 : i32
    %dma_wait3A_320 = arith.constant 0 : i32
    %dma_wait3A_321 = tpu.memref_slice %dma_wait3A_318[%dma_wait3A_319, %dma_wait3A_320] : memref<832x128xf32, #tpu.memory_space<hbm>> -> memref<104x128xf32, #tpu.memory_space<hbm>>
    %dma_wait3A_322 = arith.constant 0 : i32
    %dma_wait3A_323 = arith.constant 0 : i32
    %dma_wait3A_324 = tpu.memref_slice %arg8[%dma_wait3A_303, %dma_wait3A_322, %dma_wait3A_323] : memref<2x104x128xf32, #tpu.memory_space<vmem>> -> memref<1x104x128xf32, #tpu.memory_space<vmem>>
    %dma_wait3A_325 = tpu.memref_squeeze %dma_wait3A_324 : memref<1x104x128xf32, #tpu.memory_space<vmem>> -> memref<104x128xf32, #tpu.memory_space<vmem>>
    tpu.wait_dma2 semaphore(%arg11 : memref<!tpu.dma_semaphore, #tpu.memory_space<semaphore_mem>>) src(%dma_wait3A_325 : memref<104x128xf32, #tpu.memory_space<vmem>>) dst(%dma_wait3A_321 : memref<104x128xf32, #tpu.memory_space<hbm>>)
    %dma_wait3A_326 = arith.constant 1 : i32
    %dma_wait3A_327 = arith.constant 0 : i32
    %dma_wait3A_328 = arith.constant 0 : i32
    %dma_wait3A_329 = tpu.memref_slice %arg9[%dma_wait3A_326, %dma_wait3A_327, %dma_wait3A_328] : memref<2x104x128xf32, #tpu.memory_space<vmem>> -> memref<1x104x128xf32, #tpu.memory_space<vmem>>
    %dma_wait3A_330 = tpu.memref_squeeze %dma_wait3A_329 : memref<1x104x128xf32, #tpu.memory_space<vmem>> -> memref<104x128xf32, #tpu.memory_space<vmem>>
    %dma_wait3A_331 = arith.constant 0 : i32
    %dma_wait3A_332 = arith.constant 0 : i32
    %dma_wait3A_333 = tpu.memref_slice %arg6[%add3A, %dma_wait3A_331, %dma_wait3A_332] : memref<32x832x128xf32, #tpu.memory_space<hbm>> -> memref<1x832x128xf32, #tpu.memory_space<hbm>>
    %dma_wait3A_334 = tpu.memref_squeeze %dma_wait3A_333 : memref<1x832x128xf32, #tpu.memory_space<hbm>> -> memref<832x128xf32, #tpu.memory_space<hbm>>
    %dma_wait3A_335 = arith.constant 104 : i32
    %dma_wait3A_336 = arith.constant 0 : i32
    %dma_wait3A_337 = tpu.memref_slice %dma_wait3A_334[%dma_wait3A_335, %dma_wait3A_336] : memref<832x128xf32, #tpu.memory_space<hbm>> -> memref<104x128xf32, #tpu.memory_space<hbm>>
    %dma_wait3A_338 = arith.constant 0 : i32
    %dma_wait3A_339 = arith.constant 0 : i32
    %dma_wait3A_340 = tpu.memref_slice %arg6[%add3A, %dma_wait3A_338, %dma_wait3A_339] : memref<32x832x128xf32, #tpu.memory_space<hbm>> -> memref<1x832x128xf32, #tpu.memory_space<hbm>>
    %dma_wait3A_341 = tpu.memref_squeeze %dma_wait3A_340 : memref<1x832x128xf32, #tpu.memory_space<hbm>> -> memref<832x128xf32, #tpu.memory_space<hbm>>
    %dma_wait3A_342 = arith.constant 104 : i32
    %dma_wait3A_343 = arith.constant 0 : i32
    %dma_wait3A_344 = tpu.memref_slice %dma_wait3A_341[%dma_wait3A_342, %dma_wait3A_343] : memref<832x128xf32, #tpu.memory_space<hbm>> -> memref<104x128xf32, #tpu.memory_space<hbm>>
    %dma_wait3A_345 = arith.constant 0 : i32
    %dma_wait3A_346 = arith.constant 0 : i32
    %dma_wait3A_347 = tpu.memref_slice %arg9[%dma_wait3A_326, %dma_wait3A_345, %dma_wait3A_346] : memref<2x104x128xf32, #tpu.memory_space<vmem>> -> memref<1x104x128xf32, #tpu.memory_space<vmem>>
    %dma_wait3A_348 = tpu.memref_squeeze %dma_wait3A_347 : memref<1x104x128xf32, #tpu.memory_space<vmem>> -> memref<104x128xf32, #tpu.memory_space<vmem>>
    tpu.wait_dma2 semaphore(%arg11 : memref<!tpu.dma_semaphore, #tpu.memory_space<semaphore_mem>>) src(%dma_wait3A_348 : memref<104x128xf32, #tpu.memory_space<vmem>>) dst(%dma_wait3A_344 : memref<104x128xf32, #tpu.memory_space<hbm>>)
    %dma_start3A_349 = arith.constant 1 : i32
    %dma_start3A_350 = arith.constant 0 : i32
    %dma_start3A_351 = arith.constant 0 : i32
    %dma_start3A_352 = tpu.memref_slice %arg8[%dma_start3A_349, %dma_start3A_350, %dma_start3A_351] : memref<2x104x128xf32, #tpu.memory_space<vmem>> -> memref<1x104x128xf32, #tpu.memory_space<vmem>>
    %dma_start3A_353 = tpu.memref_squeeze %dma_start3A_352 : memref<1x104x128xf32, #tpu.memory_space<vmem>> -> memref<104x128xf32, #tpu.memory_space<vmem>>
    %dma_start3A_354 = arith.constant 312 : i32
    %dma_start3A_355 = tpu.memref_slice %arg7[%dma_start3A_354] : memref<832xi32, #tpu.memory_space<vmem>> -> memref<104xi32, #tpu.memory_space<vmem>>
    %dma_start3A_356 = arith.constant 0 : i32
    %dma_start3A_357 = arith.constant 0 : i32
    %dma_start3A_358 = tpu.memref_slice %arg2[%dma_start3A_356, %dma_start3A_357] : memref<26000x128xf32, #tpu.memory_space<hbm>> -> memref<26000x128xf32, #tpu.memory_space<hbm>>
    tpu.enqueue_indirect_dma source(%dma_start3A_358 : memref<26000x128xf32, #tpu.memory_space<hbm>>) target(%dma_start3A_353 : memref<104x128xf32, #tpu.memory_space<vmem>>) offsets(%dma_start3A_355 : memref<104xi32, #tpu.memory_space<vmem>>) semaphore(%arg10 : memref<!tpu.dma_semaphore, #tpu.memory_space<semaphore_mem>>)
    %dma_start3A_359 = arith.constant 1 : i32
    %dma_start3A_360 = arith.constant 0 : i32
    %dma_start3A_361 = arith.constant 0 : i32
    %dma_start3A_362 = tpu.memref_slice %arg9[%dma_start3A_359, %dma_start3A_360, %dma_start3A_361] : memref<2x104x128xf32, #tpu.memory_space<vmem>> -> memref<1x104x128xf32, #tpu.memory_space<vmem>>
    %dma_start3A_363 = tpu.memref_squeeze %dma_start3A_362 : memref<1x104x128xf32, #tpu.memory_space<vmem>> -> memref<104x128xf32, #tpu.memory_space<vmem>>
    %dma_start3A_364 = arith.constant 312 : i32
    %dma_start3A_365 = tpu.memref_slice %arg7[%dma_start3A_364] : memref<832xi32, #tpu.memory_space<vmem>> -> memref<104xi32, #tpu.memory_space<vmem>>
    %dma_start3A_366 = arith.constant 0 : i32
    %dma_start3A_367 = arith.constant 0 : i32
    %dma_start3A_368 = tpu.memref_slice %arg3[%dma_start3A_366, %dma_start3A_367] : memref<26000x128xf32, #tpu.memory_space<hbm>> -> memref<26000x128xf32, #tpu.memory_space<hbm>>
    tpu.enqueue_indirect_dma source(%dma_start3A_368 : memref<26000x128xf32, #tpu.memory_space<hbm>>) target(%dma_start3A_363 : memref<104x128xf32, #tpu.memory_space<vmem>>) offsets(%dma_start3A_365 : memref<104xi32, #tpu.memory_space<vmem>>) semaphore(%arg10 : memref<!tpu.dma_semaphore, #tpu.memory_space<semaphore_mem>>)
    %dma_wait3A_369 = arith.constant 1 : i32
    %dma_wait3A_370 = arith.constant 0 : i32
    %dma_wait3A_371 = arith.constant 0 : i32
    %dma_wait3A_372 = tpu.memref_slice %arg8[%dma_wait3A_369, %dma_wait3A_370, %dma_wait3A_371] : memref<2x104x128xf32, #tpu.memory_space<vmem>> -> memref<1x104x128xf32, #tpu.memory_space<vmem>>
    %dma_wait3A_373 = tpu.memref_squeeze %dma_wait3A_372 : memref<1x104x128xf32, #tpu.memory_space<vmem>> -> memref<104x128xf32, #tpu.memory_space<vmem>>
    %dma_wait3A_374 = arith.constant 312 : i32
    %dma_wait3A_375 = tpu.memref_slice %arg7[%dma_wait3A_374] : memref<832xi32, #tpu.memory_space<vmem>> -> memref<104xi32, #tpu.memory_space<vmem>>
    %dma_wait3A_376 = arith.constant 0 : i32
    %dma_wait3A_377 = arith.constant 0 : i32
    %dma_wait3A_378 = tpu.memref_slice %arg2[%dma_wait3A_376, %dma_wait3A_377] : memref<26000x128xf32, #tpu.memory_space<hbm>> -> memref<26000x128xf32, #tpu.memory_space<hbm>>
    tpu.wait_indirect_dma semaphore(%arg10 : memref<!tpu.dma_semaphore, #tpu.memory_space<semaphore_mem>>) src(%dma_wait3A_378 : memref<26000x128xf32, #tpu.memory_space<hbm>>) dst(%dma_wait3A_373 : memref<104x128xf32, #tpu.memory_space<vmem>>)
    %dma_wait3A_379 = arith.constant 1 : i32
    %dma_wait3A_380 = arith.constant 0 : i32
    %dma_wait3A_381 = arith.constant 0 : i32
    %dma_wait3A_382 = tpu.memref_slice %arg9[%dma_wait3A_379, %dma_wait3A_380, %dma_wait3A_381] : memref<2x104x128xf32, #tpu.memory_space<vmem>> -> memref<1x104x128xf32, #tpu.memory_space<vmem>>
    %dma_wait3A_383 = tpu.memref_squeeze %dma_wait3A_382 : memref<1x104x128xf32, #tpu.memory_space<vmem>> -> memref<104x128xf32, #tpu.memory_space<vmem>>
    %dma_wait3A_384 = arith.constant 312 : i32
    %dma_wait3A_385 = tpu.memref_slice %arg7[%dma_wait3A_384] : memref<832xi32, #tpu.memory_space<vmem>> -> memref<104xi32, #tpu.memory_space<vmem>>
    %dma_wait3A_386 = arith.constant 0 : i32
    %dma_wait3A_387 = arith.constant 0 : i32
    %dma_wait3A_388 = tpu.memref_slice %arg3[%dma_wait3A_386, %dma_wait3A_387] : memref<26000x128xf32, #tpu.memory_space<hbm>> -> memref<26000x128xf32, #tpu.memory_space<hbm>>
    tpu.wait_indirect_dma semaphore(%arg10 : memref<!tpu.dma_semaphore, #tpu.memory_space<semaphore_mem>>) src(%dma_wait3A_388 : memref<26000x128xf32, #tpu.memory_space<hbm>>) dst(%dma_wait3A_383 : memref<104x128xf32, #tpu.memory_space<vmem>>)
    %dma_start3A_389 = arith.constant 1 : i32
    %dma_start3A_390 = arith.constant 0 : i32
    %dma_start3A_391 = arith.constant 0 : i32
    %dma_start3A_392 = tpu.memref_slice %arg8[%dma_start3A_389, %dma_start3A_390, %dma_start3A_391] : memref<2x104x128xf32, #tpu.memory_space<vmem>> -> memref<1x104x128xf32, #tpu.memory_space<vmem>>
    %dma_start3A_393 = tpu.memref_squeeze %dma_start3A_392 : memref<1x104x128xf32, #tpu.memory_space<vmem>> -> memref<104x128xf32, #tpu.memory_space<vmem>>
    %dma_start3A_394 = arith.constant 0 : i32
    %dma_start3A_395 = arith.constant 0 : i32
    %dma_start3A_396 = tpu.memref_slice %arg5[%add3A, %dma_start3A_394, %dma_start3A_395] : memref<32x832x128xf32, #tpu.memory_space<hbm>> -> memref<1x832x128xf32, #tpu.memory_space<hbm>>
    %dma_start3A_397 = tpu.memref_squeeze %dma_start3A_396 : memref<1x832x128xf32, #tpu.memory_space<hbm>> -> memref<832x128xf32, #tpu.memory_space<hbm>>
    %dma_start3A_398 = arith.constant 312 : i32
    %dma_start3A_399 = arith.constant 0 : i32
    %dma_start3A_400 = tpu.memref_slice %dma_start3A_397[%dma_start3A_398, %dma_start3A_399] : memref<832x128xf32, #tpu.memory_space<hbm>> -> memref<104x128xf32, #tpu.memory_space<hbm>>
    %dma_start3A_401 = arith.constant 0 : i32
    %dma_start3A_402 = arith.constant 0 : i32
    %dma_start3A_403 = tpu.memref_slice %arg5[%add3A, %dma_start3A_401, %dma_start3A_402] : memref<32x832x128xf32, #tpu.memory_space<hbm>> -> memref<1x832x128xf32, #tpu.memory_space<hbm>>
    %dma_start3A_404 = tpu.memref_squeeze %dma_start3A_403 : memref<1x832x128xf32, #tpu.memory_space<hbm>> -> memref<832x128xf32, #tpu.memory_space<hbm>>
    %dma_start3A_405 = arith.constant 312 : i32
    %dma_start3A_406 = arith.constant 0 : i32
    %dma_start3A_407 = tpu.memref_slice %dma_start3A_404[%dma_start3A_405, %dma_start3A_406] : memref<832x128xf32, #tpu.memory_space<hbm>> -> memref<104x128xf32, #tpu.memory_space<hbm>>
    %dma_start3A_408 = arith.constant 0 : i32
    %dma_start3A_409 = arith.constant 0 : i32
    %dma_start3A_410 = tpu.memref_slice %arg8[%dma_start3A_389, %dma_start3A_408, %dma_start3A_409] : memref<2x104x128xf32, #tpu.memory_space<vmem>> -> memref<1x104x128xf32, #tpu.memory_space<vmem>>
    %dma_start3A_411 = tpu.memref_squeeze %dma_start3A_410 : memref<1x104x128xf32, #tpu.memory_space<vmem>> -> memref<104x128xf32, #tpu.memory_space<vmem>>
    tpu.enqueue_dma source(%dma_start3A_411 : memref<104x128xf32, #tpu.memory_space<vmem>>) target(%dma_start3A_407 : memref<104x128xf32, #tpu.memory_space<hbm>>) target_semaphore(%arg11 : memref<!tpu.dma_semaphore, #tpu.memory_space<semaphore_mem>>)
    %dma_start3A_412 = arith.constant 1 : i32
    %dma_start3A_413 = arith.constant 0 : i32
    %dma_start3A_414 = arith.constant 0 : i32
    %dma_start3A_415 = tpu.memref_slice %arg9[%dma_start3A_412, %dma_start3A_413, %dma_start3A_414] : memref<2x104x128xf32, #tpu.memory_space<vmem>> -> memref<1x104x128xf32, #tpu.memory_space<vmem>>
    %dma_start3A_416 = tpu.memref_squeeze %dma_start3A_415 : memref<1x104x128xf32, #tpu.memory_space<vmem>> -> memref<104x128xf32, #tpu.memory_space<vmem>>
    %dma_start3A_417 = arith.constant 0 : i32
    %dma_start3A_418 = arith.constant 0 : i32
    %dma_start3A_419 = tpu.memref_slice %arg6[%add3A, %dma_start3A_417, %dma_start3A_418] : memref<32x832x128xf32, #tpu.memory_space<hbm>> -> memref<1x832x128xf32, #tpu.memory_space<hbm>>
    %dma_start3A_420 = tpu.memref_squeeze %dma_start3A_419 : memref<1x832x128xf32, #tpu.memory_space<hbm>> -> memref<832x128xf32, #tpu.memory_space<hbm>>
    %dma_start3A_421 = arith.constant 312 : i32
    %dma_start3A_422 = arith.constant 0 : i32
    %dma_start3A_423 = tpu.memref_slice %dma_start3A_420[%dma_start3A_421, %dma_start3A_422] : memref<832x128xf32, #tpu.memory_space<hbm>> -> memref<104x128xf32, #tpu.memory_space<hbm>>
    %dma_start3A_424 = arith.constant 0 : i32
    %dma_start3A_425 = arith.constant 0 : i32
    %dma_start3A_426 = tpu.memref_slice %arg6[%add3A, %dma_start3A_424, %dma_start3A_425] : memref<32x832x128xf32, #tpu.memory_space<hbm>> -> memref<1x832x128xf32, #tpu.memory_space<hbm>>
    %dma_start3A_427 = tpu.memref_squeeze %dma_start3A_426 : memref<1x832x128xf32, #tpu.memory_space<hbm>> -> memref<832x128xf32, #tpu.memory_space<hbm>>
    %dma_start3A_428 = arith.constant 312 : i32
    %dma_start3A_429 = arith.constant 0 : i32
    %dma_start3A_430 = tpu.memref_slice %dma_start3A_427[%dma_start3A_428, %dma_start3A_429] : memref<832x128xf32, #tpu.memory_space<hbm>> -> memref<104x128xf32, #tpu.memory_space<hbm>>
    %dma_start3A_431 = arith.constant 0 : i32
    %dma_start3A_432 = arith.constant 0 : i32
    %dma_start3A_433 = tpu.memref_slice %arg9[%dma_start3A_412, %dma_start3A_431, %dma_start3A_432] : memref<2x104x128xf32, #tpu.memory_space<vmem>> -> memref<1x104x128xf32, #tpu.memory_space<vmem>>
    %dma_start3A_434 = tpu.memref_squeeze %dma_start3A_433 : memref<1x104x128xf32, #tpu.memory_space<vmem>> -> memref<104x128xf32, #tpu.memory_space<vmem>>
    tpu.enqueue_dma source(%dma_start3A_434 : memref<104x128xf32, #tpu.memory_space<vmem>>) target(%dma_start3A_430 : memref<104x128xf32, #tpu.memory_space<hbm>>) target_semaphore(%arg11 : memref<!tpu.dma_semaphore, #tpu.memory_space<semaphore_mem>>)
    %dma_wait3A_435 = arith.constant 0 : i32
    %dma_wait3A_436 = arith.constant 0 : i32
    %dma_wait3A_437 = arith.constant 0 : i32
    %dma_wait3A_438 = tpu.memref_slice %arg8[%dma_wait3A_435, %dma_wait3A_436, %dma_wait3A_437] : memref<2x104x128xf32, #tpu.memory_space<vmem>> -> memref<1x104x128xf32, #tpu.memory_space<vmem>>
    %dma_wait3A_439 = tpu.memref_squeeze %dma_wait3A_438 : memref<1x104x128xf32, #tpu.memory_space<vmem>> -> memref<104x128xf32, #tpu.memory_space<vmem>>
    %dma_wait3A_440 = arith.constant 0 : i32
    %dma_wait3A_441 = arith.constant 0 : i32
    %dma_wait3A_442 = tpu.memref_slice %arg5[%add3A, %dma_wait3A_440, %dma_wait3A_441] : memref<32x832x128xf32, #tpu.memory_space<hbm>> -> memref<1x832x128xf32, #tpu.memory_space<hbm>>
    %dma_wait3A_443 = tpu.memref_squeeze %dma_wait3A_442 : memref<1x832x128xf32, #tpu.memory_space<hbm>> -> memref<832x128xf32, #tpu.memory_space<hbm>>
    %dma_wait3A_444 = arith.constant 208 : i32
    %dma_wait3A_445 = arith.constant 0 : i32
    %dma_wait3A_446 = tpu.memref_slice %dma_wait3A_443[%dma_wait3A_444, %dma_wait3A_445] : memref<832x128xf32, #tpu.memory_space<hbm>> -> memref<104x128xf32, #tpu.memory_space<hbm>>
    %dma_wait3A_447 = arith.constant 0 : i32
    %dma_wait3A_448 = arith.constant 0 : i32
    %dma_wait3A_449 = tpu.memref_slice %arg5[%add3A, %dma_wait3A_447, %dma_wait3A_448] : memref<32x832x128xf32, #tpu.memory_space<hbm>> -> memref<1x832x128xf32, #tpu.memory_space<hbm>>
    %dma_wait3A_450 = tpu.memref_squeeze %dma_wait3A_449 : memref<1x832x128xf32, #tpu.memory_space<hbm>> -> memref<832x128xf32, #tpu.memory_space<hbm>>
    %dma_wait3A_451 = arith.constant 208 : i32
    %dma_wait3A_452 = arith.constant 0 : i32
    %dma_wait3A_453 = tpu.memref_slice %dma_wait3A_450[%dma_wait3A_451, %dma_wait3A_452] : memref<832x128xf32, #tpu.memory_space<hbm>> -> memref<104x128xf32, #tpu.memory_space<hbm>>
    %dma_wait3A_454 = arith.constant 0 : i32
    %dma_wait3A_455 = arith.constant 0 : i32
    %dma_wait3A_456 = tpu.memref_slice %arg8[%dma_wait3A_435, %dma_wait3A_454, %dma_wait3A_455] : memref<2x104x128xf32, #tpu.memory_space<vmem>> -> memref<1x104x128xf32, #tpu.memory_space<vmem>>
    %dma_wait3A_457 = tpu.memref_squeeze %dma_wait3A_456 : memref<1x104x128xf32, #tpu.memory_space<vmem>> -> memref<104x128xf32, #tpu.memory_space<vmem>>
    tpu.wait_dma2 semaphore(%arg11 : memref<!tpu.dma_semaphore, #tpu.memory_space<semaphore_mem>>) src(%dma_wait3A_457 : memref<104x128xf32, #tpu.memory_space<vmem>>) dst(%dma_wait3A_453 : memref<104x128xf32, #tpu.memory_space<hbm>>)
    %dma_wait3A_458 = arith.constant 0 : i32
    %dma_wait3A_459 = arith.constant 0 : i32
    %dma_wait3A_460 = arith.constant 0 : i32
    %dma_wait3A_461 = tpu.memref_slice %arg9[%dma_wait3A_458, %dma_wait3A_459, %dma_wait3A_460] : memref<2x104x128xf32, #tpu.memory_space<vmem>> -> memref<1x104x128xf32, #tpu.memory_space<vmem>>
    %dma_wait3A_462 = tpu.memref_squeeze %dma_wait3A_461 : memref<1x104x128xf32, #tpu.memory_space<vmem>> -> memref<104x128xf32, #tpu.memory_space<vmem>>
    %dma_wait3A_463 = arith.constant 0 : i32
    %dma_wait3A_464 = arith.constant 0 : i32
    %dma_wait3A_465 = tpu.memref_slice %arg6[%add3A, %dma_wait3A_463, %dma_wait3A_464] : memref<32x832x128xf32, #tpu.memory_space<hbm>> -> memref<1x832x128xf32, #tpu.memory_space<hbm>>
    %dma_wait3A_466 = tpu.memref_squeeze %dma_wait3A_465 : memref<1x832x128xf32, #tpu.memory_space<hbm>> -> memref<832x128xf32, #tpu.memory_space<hbm>>
    %dma_wait3A_467 = arith.constant 208 : i32
    %dma_wait3A_468 = arith.constant 0 : i32
    %dma_wait3A_469 = tpu.memref_slice %dma_wait3A_466[%dma_wait3A_467, %dma_wait3A_468] : memref<832x128xf32, #tpu.memory_space<hbm>> -> memref<104x128xf32, #tpu.memory_space<hbm>>
    %dma_wait3A_470 = arith.constant 0 : i32
    %dma_wait3A_471 = arith.constant 0 : i32
    %dma_wait3A_472 = tpu.memref_slice %arg6[%add3A, %dma_wait3A_470, %dma_wait3A_471] : memref<32x832x128xf32, #tpu.memory_space<hbm>> -> memref<1x832x128xf32, #tpu.memory_space<hbm>>
    %dma_wait3A_473 = tpu.memref_squeeze %dma_wait3A_472 : memref<1x832x128xf32, #tpu.memory_space<hbm>> -> memref<832x128xf32, #tpu.memory_space<hbm>>
    %dma_wait3A_474 = arith.constant 208 : i32
    %dma_wait3A_475 = arith.constant 0 : i32
    %dma_wait3A_476 = tpu.memref_slice %dma_wait3A_473[%dma_wait3A_474, %dma_wait3A_475] : memref<832x128xf32, #tpu.memory_space<hbm>> -> memref<104x128xf32, #tpu.memory_space<hbm>>
    %dma_wait3A_477 = arith.constant 0 : i32
    %dma_wait3A_478 = arith.constant 0 : i32
    %dma_wait3A_479 = tpu.memref_slice %arg9[%dma_wait3A_458, %dma_wait3A_477, %dma_wait3A_478] : memref<2x104x128xf32, #tpu.memory_space<vmem>> -> memref<1x104x128xf32, #tpu.memory_space<vmem>>
    %dma_wait3A_480 = tpu.memref_squeeze %dma_wait3A_479 : memref<1x104x128xf32, #tpu.memory_space<vmem>> -> memref<104x128xf32, #tpu.memory_space<vmem>>
    tpu.wait_dma2 semaphore(%arg11 : memref<!tpu.dma_semaphore, #tpu.memory_space<semaphore_mem>>) src(%dma_wait3A_480 : memref<104x128xf32, #tpu.memory_space<vmem>>) dst(%dma_wait3A_476 : memref<104x128xf32, #tpu.memory_space<hbm>>)
    %dma_start3A_481 = arith.constant 0 : i32
    %dma_start3A_482 = arith.constant 0 : i32
    %dma_start3A_483 = arith.constant 0 : i32
    %dma_start3A_484 = tpu.memref_slice %arg8[%dma_start3A_481, %dma_start3A_482, %dma_start3A_483] : memref<2x104x128xf32, #tpu.memory_space<vmem>> -> memref<1x104x128xf32, #tpu.memory_space<vmem>>
    %dma_start3A_485 = tpu.memref_squeeze %dma_start3A_484 : memref<1x104x128xf32, #tpu.memory_space<vmem>> -> memref<104x128xf32, #tpu.memory_space<vmem>>
    %dma_start3A_486 = arith.constant 416 : i32
    %dma_start3A_487 = tpu.memref_slice %arg7[%dma_start3A_486] : memref<832xi32, #tpu.memory_space<vmem>> -> memref<104xi32, #tpu.memory_space<vmem>>
    %dma_start3A_488 = arith.constant 0 : i32
    %dma_start3A_489 = arith.constant 0 : i32
    %dma_start3A_490 = tpu.memref_slice %arg2[%dma_start3A_488, %dma_start3A_489] : memref<26000x128xf32, #tpu.memory_space<hbm>> -> memref<26000x128xf32, #tpu.memory_space<hbm>>
    tpu.enqueue_indirect_dma source(%dma_start3A_490 : memref<26000x128xf32, #tpu.memory_space<hbm>>) target(%dma_start3A_485 : memref<104x128xf32, #tpu.memory_space<vmem>>) offsets(%dma_start3A_487 : memref<104xi32, #tpu.memory_space<vmem>>) semaphore(%arg10 : memref<!tpu.dma_semaphore, #tpu.memory_space<semaphore_mem>>)
    %dma_start3A_491 = arith.constant 0 : i32
    %dma_start3A_492 = arith.constant 0 : i32
    %dma_start3A_493 = arith.constant 0 : i32
    %dma_start3A_494 = tpu.memref_slice %arg9[%dma_start3A_491, %dma_start3A_492, %dma_start3A_493] : memref<2x104x128xf32, #tpu.memory_space<vmem>> -> memref<1x104x128xf32, #tpu.memory_space<vmem>>
    %dma_start3A_495 = tpu.memref_squeeze %dma_start3A_494 : memref<1x104x128xf32, #tpu.memory_space<vmem>> -> memref<104x128xf32, #tpu.memory_space<vmem>>
    %dma_start3A_496 = arith.constant 416 : i32
    %dma_start3A_497 = tpu.memref_slice %arg7[%dma_start3A_496] : memref<832xi32, #tpu.memory_space<vmem>> -> memref<104xi32, #tpu.memory_space<vmem>>
    %dma_start3A_498 = arith.constant 0 : i32
    %dma_start3A_499 = arith.constant 0 : i32
    %dma_start3A_500 = tpu.memref_slice %arg3[%dma_start3A_498, %dma_start3A_499] : memref<26000x128xf32, #tpu.memory_space<hbm>> -> memref<26000x128xf32, #tpu.memory_space<hbm>>
    tpu.enqueue_indirect_dma source(%dma_start3A_500 : memref<26000x128xf32, #tpu.memory_space<hbm>>) target(%dma_start3A_495 : memref<104x128xf32, #tpu.memory_space<vmem>>) offsets(%dma_start3A_497 : memref<104xi32, #tpu.memory_space<vmem>>) semaphore(%arg10 : memref<!tpu.dma_semaphore, #tpu.memory_space<semaphore_mem>>)
    %dma_wait3A_501 = arith.constant 0 : i32
    %dma_wait3A_502 = arith.constant 0 : i32
    %dma_wait3A_503 = arith.constant 0 : i32
    %dma_wait3A_504 = tpu.memref_slice %arg8[%dma_wait3A_501, %dma_wait3A_502, %dma_wait3A_503] : memref<2x104x128xf32, #tpu.memory_space<vmem>> -> memref<1x104x128xf32, #tpu.memory_space<vmem>>
    %dma_wait3A_505 = tpu.memref_squeeze %dma_wait3A_504 : memref<1x104x128xf32, #tpu.memory_space<vmem>> -> memref<104x128xf32, #tpu.memory_space<vmem>>
    %dma_wait3A_506 = arith.constant 416 : i32
    %dma_wait3A_507 = tpu.memref_slice %arg7[%dma_wait3A_506] : memref<832xi32, #tpu.memory_space<vmem>> -> memref<104xi32, #tpu.memory_space<vmem>>
    %dma_wait3A_508 = arith.constant 0 : i32
    %dma_wait3A_509 = arith.constant 0 : i32
    %dma_wait3A_510 = tpu.memref_slice %arg2[%dma_wait3A_508, %dma_wait3A_509] : memref<26000x128xf32, #tpu.memory_space<hbm>> -> memref<26000x128xf32, #tpu.memory_space<hbm>>
    tpu.wait_indirect_dma semaphore(%arg10 : memref<!tpu.dma_semaphore, #tpu.memory_space<semaphore_mem>>) src(%dma_wait3A_510 : memref<26000x128xf32, #tpu.memory_space<hbm>>) dst(%dma_wait3A_505 : memref<104x128xf32, #tpu.memory_space<vmem>>)
    %dma_wait3A_511 = arith.constant 0 : i32
    %dma_wait3A_512 = arith.constant 0 : i32
    %dma_wait3A_513 = arith.constant 0 : i32
    %dma_wait3A_514 = tpu.memref_slice %arg9[%dma_wait3A_511, %dma_wait3A_512, %dma_wait3A_513] : memref<2x104x128xf32, #tpu.memory_space<vmem>> -> memref<1x104x128xf32, #tpu.memory_space<vmem>>
    %dma_wait3A_515 = tpu.memref_squeeze %dma_wait3A_514 : memref<1x104x128xf32, #tpu.memory_space<vmem>> -> memref<104x128xf32, #tpu.memory_space<vmem>>
    %dma_wait3A_516 = arith.constant 416 : i32
    %dma_wait3A_517 = tpu.memref_slice %arg7[%dma_wait3A_516] : memref<832xi32, #tpu.memory_space<vmem>> -> memref<104xi32, #tpu.memory_space<vmem>>
    %dma_wait3A_518 = arith.constant 0 : i32
    %dma_wait3A_519 = arith.constant 0 : i32
    %dma_wait3A_520 = tpu.memref_slice %arg3[%dma_wait3A_518, %dma_wait3A_519] : memref<26000x128xf32, #tpu.memory_space<hbm>> -> memref<26000x128xf32, #tpu.memory_space<hbm>>
    tpu.wait_indirect_dma semaphore(%arg10 : memref<!tpu.dma_semaphore, #tpu.memory_space<semaphore_mem>>) src(%dma_wait3A_520 : memref<26000x128xf32, #tpu.memory_space<hbm>>) dst(%dma_wait3A_515 : memref<104x128xf32, #tpu.memory_space<vmem>>)
    %dma_start3A_521 = arith.constant 0 : i32
    %dma_start3A_522 = arith.constant 0 : i32
    %dma_start3A_523 = arith.constant 0 : i32
    %dma_start3A_524 = tpu.memref_slice %arg8[%dma_start3A_521, %dma_start3A_522, %dma_start3A_523] : memref<2x104x128xf32, #tpu.memory_space<vmem>> -> memref<1x104x128xf32, #tpu.memory_space<vmem>>
    %dma_start3A_525 = tpu.memref_squeeze %dma_start3A_524 : memref<1x104x128xf32, #tpu.memory_space<vmem>> -> memref<104x128xf32, #tpu.memory_space<vmem>>
    %dma_start3A_526 = arith.constant 0 : i32
    %dma_start3A_527 = arith.constant 0 : i32
    %dma_start3A_528 = tpu.memref_slice %arg5[%add3A, %dma_start3A_526, %dma_start3A_527] : memref<32x832x128xf32, #tpu.memory_space<hbm>> -> memref<1x832x128xf32, #tpu.memory_space<hbm>>
    %dma_start3A_529 = tpu.memref_squeeze %dma_start3A_528 : memref<1x832x128xf32, #tpu.memory_space<hbm>> -> memref<832x128xf32, #tpu.memory_space<hbm>>
    %dma_start3A_530 = arith.constant 416 : i32
    %dma_start3A_531 = arith.constant 0 : i32
    %dma_start3A_532 = tpu.memref_slice %dma_start3A_529[%dma_start3A_530, %dma_start3A_531] : memref<832x128xf32, #tpu.memory_space<hbm>> -> memref<104x128xf32, #tpu.memory_space<hbm>>
    %dma_start3A_533 = arith.constant 0 : i32
    %dma_start3A_534 = arith.constant 0 : i32
    %dma_start3A_535 = tpu.memref_slice %arg5[%add3A, %dma_start3A_533, %dma_start3A_534] : memref<32x832x128xf32, #tpu.memory_space<hbm>> -> memref<1x832x128xf32, #tpu.memory_space<hbm>>
    %dma_start3A_536 = tpu.memref_squeeze %dma_start3A_535 : memref<1x832x128xf32, #tpu.memory_space<hbm>> -> memref<832x128xf32, #tpu.memory_space<hbm>>
    %dma_start3A_537 = arith.constant 416 : i32
    %dma_start3A_538 = arith.constant 0 : i32
    %dma_start3A_539 = tpu.memref_slice %dma_start3A_536[%dma_start3A_537, %dma_start3A_538] : memref<832x128xf32, #tpu.memory_space<hbm>> -> memref<104x128xf32, #tpu.memory_space<hbm>>
    %dma_start3A_540 = arith.constant 0 : i32
    %dma_start3A_541 = arith.constant 0 : i32
    %dma_start3A_542 = tpu.memref_slice %arg8[%dma_start3A_521, %dma_start3A_540, %dma_start3A_541] : memref<2x104x128xf32, #tpu.memory_space<vmem>> -> memref<1x104x128xf32, #tpu.memory_space<vmem>>
    %dma_start3A_543 = tpu.memref_squeeze %dma_start3A_542 : memref<1x104x128xf32, #tpu.memory_space<vmem>> -> memref<104x128xf32, #tpu.memory_space<vmem>>
    tpu.enqueue_dma source(%dma_start3A_543 : memref<104x128xf32, #tpu.memory_space<vmem>>) target(%dma_start3A_539 : memref<104x128xf32, #tpu.memory_space<hbm>>) target_semaphore(%arg11 : memref<!tpu.dma_semaphore, #tpu.memory_space<semaphore_mem>>)
    %dma_start3A_544 = arith.constant 0 : i32
    %dma_start3A_545 = arith.constant 0 : i32
    %dma_start3A_546 = arith.constant 0 : i32
    %dma_start3A_547 = tpu.memref_slice %arg9[%dma_start3A_544, %dma_start3A_545, %dma_start3A_546] : memref<2x104x128xf32, #tpu.memory_space<vmem>> -> memref<1x104x128xf32, #tpu.memory_space<vmem>>
    %dma_start3A_548 = tpu.memref_squeeze %dma_start3A_547 : memref<1x104x128xf32, #tpu.memory_space<vmem>> -> memref<104x128xf32, #tpu.memory_space<vmem>>
    %dma_start3A_549 = arith.constant 0 : i32
    %dma_start3A_550 = arith.constant 0 : i32
    %dma_start3A_551 = tpu.memref_slice %arg6[%add3A, %dma_start3A_549, %dma_start3A_550] : memref<32x832x128xf32, #tpu.memory_space<hbm>> -> memref<1x832x128xf32, #tpu.memory_space<hbm>>
    %dma_start3A_552 = tpu.memref_squeeze %dma_start3A_551 : memref<1x832x128xf32, #tpu.memory_space<hbm>> -> memref<832x128xf32, #tpu.memory_space<hbm>>
    %dma_start3A_553 = arith.constant 416 : i32
    %dma_start3A_554 = arith.constant 0 : i32
    %dma_start3A_555 = tpu.memref_slice %dma_start3A_552[%dma_start3A_553, %dma_start3A_554] : memref<832x128xf32, #tpu.memory_space<hbm>> -> memref<104x128xf32, #tpu.memory_space<hbm>>
    %dma_start3A_556 = arith.constant 0 : i32
    %dma_start3A_557 = arith.constant 0 : i32
    %dma_start3A_558 = tpu.memref_slice %arg6[%add3A, %dma_start3A_556, %dma_start3A_557] : memref<32x832x128xf32, #tpu.memory_space<hbm>> -> memref<1x832x128xf32, #tpu.memory_space<hbm>>
    %dma_start3A_559 = tpu.memref_squeeze %dma_start3A_558 : memref<1x832x128xf32, #tpu.memory_space<hbm>> -> memref<832x128xf32, #tpu.memory_space<hbm>>
    %dma_start3A_560 = arith.constant 416 : i32
    %dma_start3A_561 = arith.constant 0 : i32
    %dma_start3A_562 = tpu.memref_slice %dma_start3A_559[%dma_start3A_560, %dma_start3A_561] : memref<832x128xf32, #tpu.memory_space<hbm>> -> memref<104x128xf32, #tpu.memory_space<hbm>>
    %dma_start3A_563 = arith.constant 0 : i32
    %dma_start3A_564 = arith.constant 0 : i32
    %dma_start3A_565 = tpu.memref_slice %arg9[%dma_start3A_544, %dma_start3A_563, %dma_start3A_564] : memref<2x104x128xf32, #tpu.memory_space<vmem>> -> memref<1x104x128xf32, #tpu.memory_space<vmem>>
    %dma_start3A_566 = tpu.memref_squeeze %dma_start3A_565 : memref<1x104x128xf32, #tpu.memory_space<vmem>> -> memref<104x128xf32, #tpu.memory_space<vmem>>
    tpu.enqueue_dma source(%dma_start3A_566 : memref<104x128xf32, #tpu.memory_space<vmem>>) target(%dma_start3A_562 : memref<104x128xf32, #tpu.memory_space<hbm>>) target_semaphore(%arg11 : memref<!tpu.dma_semaphore, #tpu.memory_space<semaphore_mem>>)
    %dma_wait3A_567 = arith.constant 1 : i32
    %dma_wait3A_568 = arith.constant 0 : i32
    %dma_wait3A_569 = arith.constant 0 : i32
    %dma_wait3A_570 = tpu.memref_slice %arg8[%dma_wait3A_567, %dma_wait3A_568, %dma_wait3A_569] : memref<2x104x128xf32, #tpu.memory_space<vmem>> -> memref<1x104x128xf32, #tpu.memory_space<vmem>>
    %dma_wait3A_571 = tpu.memref_squeeze %dma_wait3A_570 : memref<1x104x128xf32, #tpu.memory_space<vmem>> -> memref<104x128xf32, #tpu.memory_space<vmem>>
    %dma_wait3A_572 = arith.constant 0 : i32
    %dma_wait3A_573 = arith.constant 0 : i32
    %dma_wait3A_574 = tpu.memref_slice %arg5[%add3A, %dma_wait3A_572, %dma_wait3A_573] : memref<32x832x128xf32, #tpu.memory_space<hbm>> -> memref<1x832x128xf32, #tpu.memory_space<hbm>>
    %dma_wait3A_575 = tpu.memref_squeeze %dma_wait3A_574 : memref<1x832x128xf32, #tpu.memory_space<hbm>> -> memref<832x128xf32, #tpu.memory_space<hbm>>
    %dma_wait3A_576 = arith.constant 312 : i32
    %dma_wait3A_577 = arith.constant 0 : i32
    %dma_wait3A_578 = tpu.memref_slice %dma_wait3A_575[%dma_wait3A_576, %dma_wait3A_577] : memref<832x128xf32, #tpu.memory_space<hbm>> -> memref<104x128xf32, #tpu.memory_space<hbm>>
    %dma_wait3A_579 = arith.constant 0 : i32
    %dma_wait3A_580 = arith.constant 0 : i32
    %dma_wait3A_581 = tpu.memref_slice %arg5[%add3A, %dma_wait3A_579, %dma_wait3A_580] : memref<32x832x128xf32, #tpu.memory_space<hbm>> -> memref<1x832x128xf32, #tpu.memory_space<hbm>>
    %dma_wait3A_582 = tpu.memref_squeeze %dma_wait3A_581 : memref<1x832x128xf32, #tpu.memory_space<hbm>> -> memref<832x128xf32, #tpu.memory_space<hbm>>
    %dma_wait3A_583 = arith.constant 312 : i32
    %dma_wait3A_584 = arith.constant 0 : i32
    %dma_wait3A_585 = tpu.memref_slice %dma_wait3A_582[%dma_wait3A_583, %dma_wait3A_584] : memref<832x128xf32, #tpu.memory_space<hbm>> -> memref<104x128xf32, #tpu.memory_space<hbm>>
    %dma_wait3A_586 = arith.constant 0 : i32
    %dma_wait3A_587 = arith.constant 0 : i32
    %dma_wait3A_588 = tpu.memref_slice %arg8[%dma_wait3A_567, %dma_wait3A_586, %dma_wait3A_587] : memref<2x104x128xf32, #tpu.memory_space<vmem>> -> memref<1x104x128xf32, #tpu.memory_space<vmem>>
    %dma_wait3A_589 = tpu.memref_squeeze %dma_wait3A_588 : memref<1x104x128xf32, #tpu.memory_space<vmem>> -> memref<104x128xf32, #tpu.memory_space<vmem>>
    tpu.wait_dma2 semaphore(%arg11 : memref<!tpu.dma_semaphore, #tpu.memory_space<semaphore_mem>>) src(%dma_wait3A_589 : memref<104x128xf32, #tpu.memory_space<vmem>>) dst(%dma_wait3A_585 : memref<104x128xf32, #tpu.memory_space<hbm>>)
    %dma_wait3A_590 = arith.constant 1 : i32
    %dma_wait3A_591 = arith.constant 0 : i32
    %dma_wait3A_592 = arith.constant 0 : i32
    %dma_wait3A_593 = tpu.memref_slice %arg9[%dma_wait3A_590, %dma_wait3A_591, %dma_wait3A_592] : memref<2x104x128xf32, #tpu.memory_space<vmem>> -> memref<1x104x128xf32, #tpu.memory_space<vmem>>
    %dma_wait3A_594 = tpu.memref_squeeze %dma_wait3A_593 : memref<1x104x128xf32, #tpu.memory_space<vmem>> -> memref<104x128xf32, #tpu.memory_space<vmem>>
    %dma_wait3A_595 = arith.constant 0 : i32
    %dma_wait3A_596 = arith.constant 0 : i32
    %dma_wait3A_597 = tpu.memref_slice %arg6[%add3A, %dma_wait3A_595, %dma_wait3A_596] : memref<32x832x128xf32, #tpu.memory_space<hbm>> -> memref<1x832x128xf32, #tpu.memory_space<hbm>>
    %dma_wait3A_598 = tpu.memref_squeeze %dma_wait3A_597 : memref<1x832x128xf32, #tpu.memory_space<hbm>> -> memref<832x128xf32, #tpu.memory_space<hbm>>
    %dma_wait3A_599 = arith.constant 312 : i32
    %dma_wait3A_600 = arith.constant 0 : i32
    %dma_wait3A_601 = tpu.memref_slice %dma_wait3A_598[%dma_wait3A_599, %dma_wait3A_600] : memref<832x128xf32, #tpu.memory_space<hbm>> -> memref<104x128xf32, #tpu.memory_space<hbm>>
    %dma_wait3A_602 = arith.constant 0 : i32
    %dma_wait3A_603 = arith.constant 0 : i32
    %dma_wait3A_604 = tpu.memref_slice %arg6[%add3A, %dma_wait3A_602, %dma_wait3A_603] : memref<32x832x128xf32, #tpu.memory_space<hbm>> -> memref<1x832x128xf32, #tpu.memory_space<hbm>>
    %dma_wait3A_605 = tpu.memref_squeeze %dma_wait3A_604 : memref<1x832x128xf32, #tpu.memory_space<hbm>> -> memref<832x128xf32, #tpu.memory_space<hbm>>
    %dma_wait3A_606 = arith.constant 312 : i32
    %dma_wait3A_607 = arith.constant 0 : i32
    %dma_wait3A_608 = tpu.memref_slice %dma_wait3A_605[%dma_wait3A_606, %dma_wait3A_607] : memref<832x128xf32, #tpu.memory_space<hbm>> -> memref<104x128xf32, #tpu.memory_space<hbm>>
    %dma_wait3A_609 = arith.constant 0 : i32
    %dma_wait3A_610 = arith.constant 0 : i32
    %dma_wait3A_611 = tpu.memref_slice %arg9[%dma_wait3A_590, %dma_wait3A_609, %dma_wait3A_610] : memref<2x104x128xf32, #tpu.memory_space<vmem>> -> memref<1x104x128xf32, #tpu.memory_space<vmem>>
    %dma_wait3A_612 = tpu.memref_squeeze %dma_wait3A_611 : memref<1x104x128xf32, #tpu.memory_space<vmem>> -> memref<104x128xf32, #tpu.memory_space<vmem>>
    tpu.wait_dma2 semaphore(%arg11 : memref<!tpu.dma_semaphore, #tpu.memory_space<semaphore_mem>>) src(%dma_wait3A_612 : memref<104x128xf32, #tpu.memory_space<vmem>>) dst(%dma_wait3A_608 : memref<104x128xf32, #tpu.memory_space<hbm>>)
    %dma_start3A_613 = arith.constant 1 : i32
    %dma_start3A_614 = arith.constant 0 : i32
    %dma_start3A_615 = arith.constant 0 : i32
    %dma_start3A_616 = tpu.memref_slice %arg8[%dma_start3A_613, %dma_start3A_614, %dma_start3A_615] : memref<2x104x128xf32, #tpu.memory_space<vmem>> -> memref<1x104x128xf32, #tpu.memory_space<vmem>>
    %dma_start3A_617 = tpu.memref_squeeze %dma_start3A_616 : memref<1x104x128xf32, #tpu.memory_space<vmem>> -> memref<104x128xf32, #tpu.memory_space<vmem>>
    %dma_start3A_618 = arith.constant 520 : i32
    %dma_start3A_619 = tpu.memref_slice %arg7[%dma_start3A_618] : memref<832xi32, #tpu.memory_space<vmem>> -> memref<104xi32, #tpu.memory_space<vmem>>
    %dma_start3A_620 = arith.constant 0 : i32
    %dma_start3A_621 = arith.constant 0 : i32
    %dma_start3A_622 = tpu.memref_slice %arg2[%dma_start3A_620, %dma_start3A_621] : memref<26000x128xf32, #tpu.memory_space<hbm>> -> memref<26000x128xf32, #tpu.memory_space<hbm>>
    tpu.enqueue_indirect_dma source(%dma_start3A_622 : memref<26000x128xf32, #tpu.memory_space<hbm>>) target(%dma_start3A_617 : memref<104x128xf32, #tpu.memory_space<vmem>>) offsets(%dma_start3A_619 : memref<104xi32, #tpu.memory_space<vmem>>) semaphore(%arg10 : memref<!tpu.dma_semaphore, #tpu.memory_space<semaphore_mem>>)
    %dma_start3A_623 = arith.constant 1 : i32
    %dma_start3A_624 = arith.constant 0 : i32
    %dma_start3A_625 = arith.constant 0 : i32
    %dma_start3A_626 = tpu.memref_slice %arg9[%dma_start3A_623, %dma_start3A_624, %dma_start3A_625] : memref<2x104x128xf32, #tpu.memory_space<vmem>> -> memref<1x104x128xf32, #tpu.memory_space<vmem>>
    %dma_start3A_627 = tpu.memref_squeeze %dma_start3A_626 : memref<1x104x128xf32, #tpu.memory_space<vmem>> -> memref<104x128xf32, #tpu.memory_space<vmem>>
    %dma_start3A_628 = arith.constant 520 : i32
    %dma_start3A_629 = tpu.memref_slice %arg7[%dma_start3A_628] : memref<832xi32, #tpu.memory_space<vmem>> -> memref<104xi32, #tpu.memory_space<vmem>>
    %dma_start3A_630 = arith.constant 0 : i32
    %dma_start3A_631 = arith.constant 0 : i32
    %dma_start3A_632 = tpu.memref_slice %arg3[%dma_start3A_630, %dma_start3A_631] : memref<26000x128xf32, #tpu.memory_space<hbm>> -> memref<26000x128xf32, #tpu.memory_space<hbm>>
    tpu.enqueue_indirect_dma source(%dma_start3A_632 : memref<26000x128xf32, #tpu.memory_space<hbm>>) target(%dma_start3A_627 : memref<104x128xf32, #tpu.memory_space<vmem>>) offsets(%dma_start3A_629 : memref<104xi32, #tpu.memory_space<vmem>>) semaphore(%arg10 : memref<!tpu.dma_semaphore, #tpu.memory_space<semaphore_mem>>)
    %dma_wait3A_633 = arith.constant 1 : i32
    %dma_wait3A_634 = arith.constant 0 : i32
    %dma_wait3A_635 = arith.constant 0 : i32
    %dma_wait3A_636 = tpu.memref_slice %arg8[%dma_wait3A_633, %dma_wait3A_634, %dma_wait3A_635] : memref<2x104x128xf32, #tpu.memory_space<vmem>> -> memref<1x104x128xf32, #tpu.memory_space<vmem>>
    %dma_wait3A_637 = tpu.memref_squeeze %dma_wait3A_636 : memref<1x104x128xf32, #tpu.memory_space<vmem>> -> memref<104x128xf32, #tpu.memory_space<vmem>>
    %dma_wait3A_638 = arith.constant 520 : i32
    %dma_wait3A_639 = tpu.memref_slice %arg7[%dma_wait3A_638] : memref<832xi32, #tpu.memory_space<vmem>> -> memref<104xi32, #tpu.memory_space<vmem>>
    %dma_wait3A_640 = arith.constant 0 : i32
    %dma_wait3A_641 = arith.constant 0 : i32
    %dma_wait3A_642 = tpu.memref_slice %arg2[%dma_wait3A_640, %dma_wait3A_641] : memref<26000x128xf32, #tpu.memory_space<hbm>> -> memref<26000x128xf32, #tpu.memory_space<hbm>>
    tpu.wait_indirect_dma semaphore(%arg10 : memref<!tpu.dma_semaphore, #tpu.memory_space<semaphore_mem>>) src(%dma_wait3A_642 : memref<26000x128xf32, #tpu.memory_space<hbm>>) dst(%dma_wait3A_637 : memref<104x128xf32, #tpu.memory_space<vmem>>)
    %dma_wait3A_643 = arith.constant 1 : i32
    %dma_wait3A_644 = arith.constant 0 : i32
    %dma_wait3A_645 = arith.constant 0 : i32
    %dma_wait3A_646 = tpu.memref_slice %arg9[%dma_wait3A_643, %dma_wait3A_644, %dma_wait3A_645] : memref<2x104x128xf32, #tpu.memory_space<vmem>> -> memref<1x104x128xf32, #tpu.memory_space<vmem>>
    %dma_wait3A_647 = tpu.memref_squeeze %dma_wait3A_646 : memref<1x104x128xf32, #tpu.memory_space<vmem>> -> memref<104x128xf32, #tpu.memory_space<vmem>>
    %dma_wait3A_648 = arith.constant 520 : i32
    %dma_wait3A_649 = tpu.memref_slice %arg7[%dma_wait3A_648] : memref<832xi32, #tpu.memory_space<vmem>> -> memref<104xi32, #tpu.memory_space<vmem>>
    %dma_wait3A_650 = arith.constant 0 : i32
    %dma_wait3A_651 = arith.constant 0 : i32
    %dma_wait3A_652 = tpu.memref_slice %arg3[%dma_wait3A_650, %dma_wait3A_651] : memref<26000x128xf32, #tpu.memory_space<hbm>> -> memref<26000x128xf32, #tpu.memory_space<hbm>>
    tpu.wait_indirect_dma semaphore(%arg10 : memref<!tpu.dma_semaphore, #tpu.memory_space<semaphore_mem>>) src(%dma_wait3A_652 : memref<26000x128xf32, #tpu.memory_space<hbm>>) dst(%dma_wait3A_647 : memref<104x128xf32, #tpu.memory_space<vmem>>)
    %dma_start3A_653 = arith.constant 1 : i32
    %dma_start3A_654 = arith.constant 0 : i32
    %dma_start3A_655 = arith.constant 0 : i32
    %dma_start3A_656 = tpu.memref_slice %arg8[%dma_start3A_653, %dma_start3A_654, %dma_start3A_655] : memref<2x104x128xf32, #tpu.memory_space<vmem>> -> memref<1x104x128xf32, #tpu.memory_space<vmem>>
    %dma_start3A_657 = tpu.memref_squeeze %dma_start3A_656 : memref<1x104x128xf32, #tpu.memory_space<vmem>> -> memref<104x128xf32, #tpu.memory_space<vmem>>
    %dma_start3A_658 = arith.constant 0 : i32
    %dma_start3A_659 = arith.constant 0 : i32
    %dma_start3A_660 = tpu.memref_slice %arg5[%add3A, %dma_start3A_658, %dma_start3A_659] : memref<32x832x128xf32, #tpu.memory_space<hbm>> -> memref<1x832x128xf32, #tpu.memory_space<hbm>>
    %dma_start3A_661 = tpu.memref_squeeze %dma_start3A_660 : memref<1x832x128xf32, #tpu.memory_space<hbm>> -> memref<832x128xf32, #tpu.memory_space<hbm>>
    %dma_start3A_662 = arith.constant 520 : i32
    %dma_start3A_663 = arith.constant 0 : i32
    %dma_start3A_664 = tpu.memref_slice %dma_start3A_661[%dma_start3A_662, %dma_start3A_663] : memref<832x128xf32, #tpu.memory_space<hbm>> -> memref<104x128xf32, #tpu.memory_space<hbm>>
    %dma_start3A_665 = arith.constant 0 : i32
    %dma_start3A_666 = arith.constant 0 : i32
    %dma_start3A_667 = tpu.memref_slice %arg5[%add3A, %dma_start3A_665, %dma_start3A_666] : memref<32x832x128xf32, #tpu.memory_space<hbm>> -> memref<1x832x128xf32, #tpu.memory_space<hbm>>
    %dma_start3A_668 = tpu.memref_squeeze %dma_start3A_667 : memref<1x832x128xf32, #tpu.memory_space<hbm>> -> memref<832x128xf32, #tpu.memory_space<hbm>>
    %dma_start3A_669 = arith.constant 520 : i32
    %dma_start3A_670 = arith.constant 0 : i32
    %dma_start3A_671 = tpu.memref_slice %dma_start3A_668[%dma_start3A_669, %dma_start3A_670] : memref<832x128xf32, #tpu.memory_space<hbm>> -> memref<104x128xf32, #tpu.memory_space<hbm>>
    %dma_start3A_672 = arith.constant 0 : i32
    %dma_start3A_673 = arith.constant 0 : i32
    %dma_start3A_674 = tpu.memref_slice %arg8[%dma_start3A_653, %dma_start3A_672, %dma_start3A_673] : memref<2x104x128xf32, #tpu.memory_space<vmem>> -> memref<1x104x128xf32, #tpu.memory_space<vmem>>
    %dma_start3A_675 = tpu.memref_squeeze %dma_start3A_674 : memref<1x104x128xf32, #tpu.memory_space<vmem>> -> memref<104x128xf32, #tpu.memory_space<vmem>>
    tpu.enqueue_dma source(%dma_start3A_675 : memref<104x128xf32, #tpu.memory_space<vmem>>) target(%dma_start3A_671 : memref<104x128xf32, #tpu.memory_space<hbm>>) target_semaphore(%arg11 : memref<!tpu.dma_semaphore, #tpu.memory_space<semaphore_mem>>)
    %dma_start3A_676 = arith.constant 1 : i32
    %dma_start3A_677 = arith.constant 0 : i32
    %dma_start3A_678 = arith.constant 0 : i32
    %dma_start3A_679 = tpu.memref_slice %arg9[%dma_start3A_676, %dma_start3A_677, %dma_start3A_678] : memref<2x104x128xf32, #tpu.memory_space<vmem>> -> memref<1x104x128xf32, #tpu.memory_space<vmem>>
    %dma_start3A_680 = tpu.memref_squeeze %dma_start3A_679 : memref<1x104x128xf32, #tpu.memory_space<vmem>> -> memref<104x128xf32, #tpu.memory_space<vmem>>
    %dma_start3A_681 = arith.constant 0 : i32
    %dma_start3A_682 = arith.constant 0 : i32
    %dma_start3A_683 = tpu.memref_slice %arg6[%add3A, %dma_start3A_681, %dma_start3A_682] : memref<32x832x128xf32, #tpu.memory_space<hbm>> -> memref<1x832x128xf32, #tpu.memory_space<hbm>>
    %dma_start3A_684 = tpu.memref_squeeze %dma_start3A_683 : memref<1x832x128xf32, #tpu.memory_space<hbm>> -> memref<832x128xf32, #tpu.memory_space<hbm>>
    %dma_start3A_685 = arith.constant 520 : i32
    %dma_start3A_686 = arith.constant 0 : i32
    %dma_start3A_687 = tpu.memref_slice %dma_start3A_684[%dma_start3A_685, %dma_start3A_686] : memref<832x128xf32, #tpu.memory_space<hbm>> -> memref<104x128xf32, #tpu.memory_space<hbm>>
    %dma_start3A_688 = arith.constant 0 : i32
    %dma_start3A_689 = arith.constant 0 : i32
    %dma_start3A_690 = tpu.memref_slice %arg6[%add3A, %dma_start3A_688, %dma_start3A_689] : memref<32x832x128xf32, #tpu.memory_space<hbm>> -> memref<1x832x128xf32, #tpu.memory_space<hbm>>
    %dma_start3A_691 = tpu.memref_squeeze %dma_start3A_690 : memref<1x832x128xf32, #tpu.memory_space<hbm>> -> memref<832x128xf32, #tpu.memory_space<hbm>>
    %dma_start3A_692 = arith.constant 520 : i32
    %dma_start3A_693 = arith.constant 0 : i32
    %dma_start3A_694 = tpu.memref_slice %dma_start3A_691[%dma_start3A_692, %dma_start3A_693] : memref<832x128xf32, #tpu.memory_space<hbm>> -> memref<104x128xf32, #tpu.memory_space<hbm>>
    %dma_start3A_695 = arith.constant 0 : i32
    %dma_start3A_696 = arith.constant 0 : i32
    %dma_start3A_697 = tpu.memref_slice %arg9[%dma_start3A_676, %dma_start3A_695, %dma_start3A_696] : memref<2x104x128xf32, #tpu.memory_space<vmem>> -> memref<1x104x128xf32, #tpu.memory_space<vmem>>
    %dma_start3A_698 = tpu.memref_squeeze %dma_start3A_697 : memref<1x104x128xf32, #tpu.memory_space<vmem>> -> memref<104x128xf32, #tpu.memory_space<vmem>>
    tpu.enqueue_dma source(%dma_start3A_698 : memref<104x128xf32, #tpu.memory_space<vmem>>) target(%dma_start3A_694 : memref<104x128xf32, #tpu.memory_space<hbm>>) target_semaphore(%arg11 : memref<!tpu.dma_semaphore, #tpu.memory_space<semaphore_mem>>)
    %dma_wait3A_699 = arith.constant 0 : i32
    %dma_wait3A_700 = arith.constant 0 : i32
    %dma_wait3A_701 = arith.constant 0 : i32
    %dma_wait3A_702 = tpu.memref_slice %arg8[%dma_wait3A_699, %dma_wait3A_700, %dma_wait3A_701] : memref<2x104x128xf32, #tpu.memory_space<vmem>> -> memref<1x104x128xf32, #tpu.memory_space<vmem>>
    %dma_wait3A_703 = tpu.memref_squeeze %dma_wait3A_702 : memref<1x104x128xf32, #tpu.memory_space<vmem>> -> memref<104x128xf32, #tpu.memory_space<vmem>>
    %dma_wait3A_704 = arith.constant 0 : i32
    %dma_wait3A_705 = arith.constant 0 : i32
    %dma_wait3A_706 = tpu.memref_slice %arg5[%add3A, %dma_wait3A_704, %dma_wait3A_705] : memref<32x832x128xf32, #tpu.memory_space<hbm>> -> memref<1x832x128xf32, #tpu.memory_space<hbm>>
    %dma_wait3A_707 = tpu.memref_squeeze %dma_wait3A_706 : memref<1x832x128xf32, #tpu.memory_space<hbm>> -> memref<832x128xf32, #tpu.memory_space<hbm>>
    %dma_wait3A_708 = arith.constant 416 : i32
    %dma_wait3A_709 = arith.constant 0 : i32
    %dma_wait3A_710 = tpu.memref_slice %dma_wait3A_707[%dma_wait3A_708, %dma_wait3A_709] : memref<832x128xf32, #tpu.memory_space<hbm>> -> memref<104x128xf32, #tpu.memory_space<hbm>>
    %dma_wait3A_711 = arith.constant 0 : i32
    %dma_wait3A_712 = arith.constant 0 : i32
    %dma_wait3A_713 = tpu.memref_slice %arg5[%add3A, %dma_wait3A_711, %dma_wait3A_712] : memref<32x832x128xf32, #tpu.memory_space<hbm>> -> memref<1x832x128xf32, #tpu.memory_space<hbm>>
    %dma_wait3A_714 = tpu.memref_squeeze %dma_wait3A_713 : memref<1x832x128xf32, #tpu.memory_space<hbm>> -> memref<832x128xf32, #tpu.memory_space<hbm>>
    %dma_wait3A_715 = arith.constant 416 : i32
    %dma_wait3A_716 = arith.constant 0 : i32
    %dma_wait3A_717 = tpu.memref_slice %dma_wait3A_714[%dma_wait3A_715, %dma_wait3A_716] : memref<832x128xf32, #tpu.memory_space<hbm>> -> memref<104x128xf32, #tpu.memory_space<hbm>>
    %dma_wait3A_718 = arith.constant 0 : i32
    %dma_wait3A_719 = arith.constant 0 : i32
    %dma_wait3A_720 = tpu.memref_slice %arg8[%dma_wait3A_699, %dma_wait3A_718, %dma_wait3A_719] : memref<2x104x128xf32, #tpu.memory_space<vmem>> -> memref<1x104x128xf32, #tpu.memory_space<vmem>>
    %dma_wait3A_721 = tpu.memref_squeeze %dma_wait3A_720 : memref<1x104x128xf32, #tpu.memory_space<vmem>> -> memref<104x128xf32, #tpu.memory_space<vmem>>
    tpu.wait_dma2 semaphore(%arg11 : memref<!tpu.dma_semaphore, #tpu.memory_space<semaphore_mem>>) src(%dma_wait3A_721 : memref<104x128xf32, #tpu.memory_space<vmem>>) dst(%dma_wait3A_717 : memref<104x128xf32, #tpu.memory_space<hbm>>)
    %dma_wait3A_722 = arith.constant 0 : i32
    %dma_wait3A_723 = arith.constant 0 : i32
    %dma_wait3A_724 = arith.constant 0 : i32
    %dma_wait3A_725 = tpu.memref_slice %arg9[%dma_wait3A_722, %dma_wait3A_723, %dma_wait3A_724] : memref<2x104x128xf32, #tpu.memory_space<vmem>> -> memref<1x104x128xf32, #tpu.memory_space<vmem>>
    %dma_wait3A_726 = tpu.memref_squeeze %dma_wait3A_725 : memref<1x104x128xf32, #tpu.memory_space<vmem>> -> memref<104x128xf32, #tpu.memory_space<vmem>>
    %dma_wait3A_727 = arith.constant 0 : i32
    %dma_wait3A_728 = arith.constant 0 : i32
    %dma_wait3A_729 = tpu.memref_slice %arg6[%add3A, %dma_wait3A_727, %dma_wait3A_728] : memref<32x832x128xf32, #tpu.memory_space<hbm>> -> memref<1x832x128xf32, #tpu.memory_space<hbm>>
    %dma_wait3A_730 = tpu.memref_squeeze %dma_wait3A_729 : memref<1x832x128xf32, #tpu.memory_space<hbm>> -> memref<832x128xf32, #tpu.memory_space<hbm>>
    %dma_wait3A_731 = arith.constant 416 : i32
    %dma_wait3A_732 = arith.constant 0 : i32
    %dma_wait3A_733 = tpu.memref_slice %dma_wait3A_730[%dma_wait3A_731, %dma_wait3A_732] : memref<832x128xf32, #tpu.memory_space<hbm>> -> memref<104x128xf32, #tpu.memory_space<hbm>>
    %dma_wait3A_734 = arith.constant 0 : i32
    %dma_wait3A_735 = arith.constant 0 : i32
    %dma_wait3A_736 = tpu.memref_slice %arg6[%add3A, %dma_wait3A_734, %dma_wait3A_735] : memref<32x832x128xf32, #tpu.memory_space<hbm>> -> memref<1x832x128xf32, #tpu.memory_space<hbm>>
    %dma_wait3A_737 = tpu.memref_squeeze %dma_wait3A_736 : memref<1x832x128xf32, #tpu.memory_space<hbm>> -> memref<832x128xf32, #tpu.memory_space<hbm>>
    %dma_wait3A_738 = arith.constant 416 : i32
    %dma_wait3A_739 = arith.constant 0 : i32
    %dma_wait3A_740 = tpu.memref_slice %dma_wait3A_737[%dma_wait3A_738, %dma_wait3A_739] : memref<832x128xf32, #tpu.memory_space<hbm>> -> memref<104x128xf32, #tpu.memory_space<hbm>>
    %dma_wait3A_741 = arith.constant 0 : i32
    %dma_wait3A_742 = arith.constant 0 : i32
    %dma_wait3A_743 = tpu.memref_slice %arg9[%dma_wait3A_722, %dma_wait3A_741, %dma_wait3A_742] : memref<2x104x128xf32, #tpu.memory_space<vmem>> -> memref<1x104x128xf32, #tpu.memory_space<vmem>>
    %dma_wait3A_744 = tpu.memref_squeeze %dma_wait3A_743 : memref<1x104x128xf32, #tpu.memory_space<vmem>> -> memref<104x128xf32, #tpu.memory_space<vmem>>
    tpu.wait_dma2 semaphore(%arg11 : memref<!tpu.dma_semaphore, #tpu.memory_space<semaphore_mem>>) src(%dma_wait3A_744 : memref<104x128xf32, #tpu.memory_space<vmem>>) dst(%dma_wait3A_740 : memref<104x128xf32, #tpu.memory_space<hbm>>)
    %dma_start3A_745 = arith.constant 0 : i32
    %dma_start3A_746 = arith.constant 0 : i32
    %dma_start3A_747 = arith.constant 0 : i32
    %dma_start3A_748 = tpu.memref_slice %arg8[%dma_start3A_745, %dma_start3A_746, %dma_start3A_747] : memref<2x104x128xf32, #tpu.memory_space<vmem>> -> memref<1x104x128xf32, #tpu.memory_space<vmem>>
    %dma_start3A_749 = tpu.memref_squeeze %dma_start3A_748 : memref<1x104x128xf32, #tpu.memory_space<vmem>> -> memref<104x128xf32, #tpu.memory_space<vmem>>
    %dma_start3A_750 = arith.constant 624 : i32
    %dma_start3A_751 = tpu.memref_slice %arg7[%dma_start3A_750] : memref<832xi32, #tpu.memory_space<vmem>> -> memref<104xi32, #tpu.memory_space<vmem>>
    %dma_start3A_752 = arith.constant 0 : i32
    %dma_start3A_753 = arith.constant 0 : i32
    %dma_start3A_754 = tpu.memref_slice %arg2[%dma_start3A_752, %dma_start3A_753] : memref<26000x128xf32, #tpu.memory_space<hbm>> -> memref<26000x128xf32, #tpu.memory_space<hbm>>
    tpu.enqueue_indirect_dma source(%dma_start3A_754 : memref<26000x128xf32, #tpu.memory_space<hbm>>) target(%dma_start3A_749 : memref<104x128xf32, #tpu.memory_space<vmem>>) offsets(%dma_start3A_751 : memref<104xi32, #tpu.memory_space<vmem>>) semaphore(%arg10 : memref<!tpu.dma_semaphore, #tpu.memory_space<semaphore_mem>>)
    %dma_start3A_755 = arith.constant 0 : i32
    %dma_start3A_756 = arith.constant 0 : i32
    %dma_start3A_757 = arith.constant 0 : i32
    %dma_start3A_758 = tpu.memref_slice %arg9[%dma_start3A_755, %dma_start3A_756, %dma_start3A_757] : memref<2x104x128xf32, #tpu.memory_space<vmem>> -> memref<1x104x128xf32, #tpu.memory_space<vmem>>
    %dma_start3A_759 = tpu.memref_squeeze %dma_start3A_758 : memref<1x104x128xf32, #tpu.memory_space<vmem>> -> memref<104x128xf32, #tpu.memory_space<vmem>>
    %dma_start3A_760 = arith.constant 624 : i32
    %dma_start3A_761 = tpu.memref_slice %arg7[%dma_start3A_760] : memref<832xi32, #tpu.memory_space<vmem>> -> memref<104xi32, #tpu.memory_space<vmem>>
    %dma_start3A_762 = arith.constant 0 : i32
    %dma_start3A_763 = arith.constant 0 : i32
    %dma_start3A_764 = tpu.memref_slice %arg3[%dma_start3A_762, %dma_start3A_763] : memref<26000x128xf32, #tpu.memory_space<hbm>> -> memref<26000x128xf32, #tpu.memory_space<hbm>>
    tpu.enqueue_indirect_dma source(%dma_start3A_764 : memref<26000x128xf32, #tpu.memory_space<hbm>>) target(%dma_start3A_759 : memref<104x128xf32, #tpu.memory_space<vmem>>) offsets(%dma_start3A_761 : memref<104xi32, #tpu.memory_space<vmem>>) semaphore(%arg10 : memref<!tpu.dma_semaphore, #tpu.memory_space<semaphore_mem>>)
    %dma_wait3A_765 = arith.constant 0 : i32
    %dma_wait3A_766 = arith.constant 0 : i32
    %dma_wait3A_767 = arith.constant 0 : i32
    %dma_wait3A_768 = tpu.memref_slice %arg8[%dma_wait3A_765, %dma_wait3A_766, %dma_wait3A_767] : memref<2x104x128xf32, #tpu.memory_space<vmem>> -> memref<1x104x128xf32, #tpu.memory_space<vmem>>
    %dma_wait3A_769 = tpu.memref_squeeze %dma_wait3A_768 : memref<1x104x128xf32, #tpu.memory_space<vmem>> -> memref<104x128xf32, #tpu.memory_space<vmem>>
    %dma_wait3A_770 = arith.constant 624 : i32
    %dma_wait3A_771 = tpu.memref_slice %arg7[%dma_wait3A_770] : memref<832xi32, #tpu.memory_space<vmem>> -> memref<104xi32, #tpu.memory_space<vmem>>
    %dma_wait3A_772 = arith.constant 0 : i32
    %dma_wait3A_773 = arith.constant 0 : i32
    %dma_wait3A_774 = tpu.memref_slice %arg2[%dma_wait3A_772, %dma_wait3A_773] : memref<26000x128xf32, #tpu.memory_space<hbm>> -> memref<26000x128xf32, #tpu.memory_space<hbm>>
    tpu.wait_indirect_dma semaphore(%arg10 : memref<!tpu.dma_semaphore, #tpu.memory_space<semaphore_mem>>) src(%dma_wait3A_774 : memref<26000x128xf32, #tpu.memory_space<hbm>>) dst(%dma_wait3A_769 : memref<104x128xf32, #tpu.memory_space<vmem>>)
    %dma_wait3A_775 = arith.constant 0 : i32
    %dma_wait3A_776 = arith.constant 0 : i32
    %dma_wait3A_777 = arith.constant 0 : i32
    %dma_wait3A_778 = tpu.memref_slice %arg9[%dma_wait3A_775, %dma_wait3A_776, %dma_wait3A_777] : memref<2x104x128xf32, #tpu.memory_space<vmem>> -> memref<1x104x128xf32, #tpu.memory_space<vmem>>
    %dma_wait3A_779 = tpu.memref_squeeze %dma_wait3A_778 : memref<1x104x128xf32, #tpu.memory_space<vmem>> -> memref<104x128xf32, #tpu.memory_space<vmem>>
    %dma_wait3A_780 = arith.constant 624 : i32
    %dma_wait3A_781 = tpu.memref_slice %arg7[%dma_wait3A_780] : memref<832xi32, #tpu.memory_space<vmem>> -> memref<104xi32, #tpu.memory_space<vmem>>
    %dma_wait3A_782 = arith.constant 0 : i32
    %dma_wait3A_783 = arith.constant 0 : i32
    %dma_wait3A_784 = tpu.memref_slice %arg3[%dma_wait3A_782, %dma_wait3A_783] : memref<26000x128xf32, #tpu.memory_space<hbm>> -> memref<26000x128xf32, #tpu.memory_space<hbm>>
    tpu.wait_indirect_dma semaphore(%arg10 : memref<!tpu.dma_semaphore, #tpu.memory_space<semaphore_mem>>) src(%dma_wait3A_784 : memref<26000x128xf32, #tpu.memory_space<hbm>>) dst(%dma_wait3A_779 : memref<104x128xf32, #tpu.memory_space<vmem>>)
    %dma_start3A_785 = arith.constant 0 : i32
    %dma_start3A_786 = arith.constant 0 : i32
    %dma_start3A_787 = arith.constant 0 : i32
    %dma_start3A_788 = tpu.memref_slice %arg8[%dma_start3A_785, %dma_start3A_786, %dma_start3A_787] : memref<2x104x128xf32, #tpu.memory_space<vmem>> -> memref<1x104x128xf32, #tpu.memory_space<vmem>>
    %dma_start3A_789 = tpu.memref_squeeze %dma_start3A_788 : memref<1x104x128xf32, #tpu.memory_space<vmem>> -> memref<104x128xf32, #tpu.memory_space<vmem>>
    %dma_start3A_790 = arith.constant 0 : i32
    %dma_start3A_791 = arith.constant 0 : i32
    %dma_start3A_792 = tpu.memref_slice %arg5[%add3A, %dma_start3A_790, %dma_start3A_791] : memref<32x832x128xf32, #tpu.memory_space<hbm>> -> memref<1x832x128xf32, #tpu.memory_space<hbm>>
    %dma_start3A_793 = tpu.memref_squeeze %dma_start3A_792 : memref<1x832x128xf32, #tpu.memory_space<hbm>> -> memref<832x128xf32, #tpu.memory_space<hbm>>
    %dma_start3A_794 = arith.constant 624 : i32
    %dma_start3A_795 = arith.constant 0 : i32
    %dma_start3A_796 = tpu.memref_slice %dma_start3A_793[%dma_start3A_794, %dma_start3A_795] : memref<832x128xf32, #tpu.memory_space<hbm>> -> memref<104x128xf32, #tpu.memory_space<hbm>>
    %dma_start3A_797 = arith.constant 0 : i32
    %dma_start3A_798 = arith.constant 0 : i32
    %dma_start3A_799 = tpu.memref_slice %arg5[%add3A, %dma_start3A_797, %dma_start3A_798] : memref<32x832x128xf32, #tpu.memory_space<hbm>> -> memref<1x832x128xf32, #tpu.memory_space<hbm>>
    %dma_start3A_800 = tpu.memref_squeeze %dma_start3A_799 : memref<1x832x128xf32, #tpu.memory_space<hbm>> -> memref<832x128xf32, #tpu.memory_space<hbm>>
    %dma_start3A_801 = arith.constant 624 : i32
    %dma_start3A_802 = arith.constant 0 : i32
    %dma_start3A_803 = tpu.memref_slice %dma_start3A_800[%dma_start3A_801, %dma_start3A_802] : memref<832x128xf32, #tpu.memory_space<hbm>> -> memref<104x128xf32, #tpu.memory_space<hbm>>
    %dma_start3A_804 = arith.constant 0 : i32
    %dma_start3A_805 = arith.constant 0 : i32
    %dma_start3A_806 = tpu.memref_slice %arg8[%dma_start3A_785, %dma_start3A_804, %dma_start3A_805] : memref<2x104x128xf32, #tpu.memory_space<vmem>> -> memref<1x104x128xf32, #tpu.memory_space<vmem>>
    %dma_start3A_807 = tpu.memref_squeeze %dma_start3A_806 : memref<1x104x128xf32, #tpu.memory_space<vmem>> -> memref<104x128xf32, #tpu.memory_space<vmem>>
    tpu.enqueue_dma source(%dma_start3A_807 : memref<104x128xf32, #tpu.memory_space<vmem>>) target(%dma_start3A_803 : memref<104x128xf32, #tpu.memory_space<hbm>>) target_semaphore(%arg11 : memref<!tpu.dma_semaphore, #tpu.memory_space<semaphore_mem>>)
    %dma_start3A_808 = arith.constant 0 : i32
    %dma_start3A_809 = arith.constant 0 : i32
    %dma_start3A_810 = arith.constant 0 : i32
    %dma_start3A_811 = tpu.memref_slice %arg9[%dma_start3A_808, %dma_start3A_809, %dma_start3A_810] : memref<2x104x128xf32, #tpu.memory_space<vmem>> -> memref<1x104x128xf32, #tpu.memory_space<vmem>>
    %dma_start3A_812 = tpu.memref_squeeze %dma_start3A_811 : memref<1x104x128xf32, #tpu.memory_space<vmem>> -> memref<104x128xf32, #tpu.memory_space<vmem>>
    %dma_start3A_813 = arith.constant 0 : i32
    %dma_start3A_814 = arith.constant 0 : i32
    %dma_start3A_815 = tpu.memref_slice %arg6[%add3A, %dma_start3A_813, %dma_start3A_814] : memref<32x832x128xf32, #tpu.memory_space<hbm>> -> memref<1x832x128xf32, #tpu.memory_space<hbm>>
    %dma_start3A_816 = tpu.memref_squeeze %dma_start3A_815 : memref<1x832x128xf32, #tpu.memory_space<hbm>> -> memref<832x128xf32, #tpu.memory_space<hbm>>
    %dma_start3A_817 = arith.constant 624 : i32
    %dma_start3A_818 = arith.constant 0 : i32
    %dma_start3A_819 = tpu.memref_slice %dma_start3A_816[%dma_start3A_817, %dma_start3A_818] : memref<832x128xf32, #tpu.memory_space<hbm>> -> memref<104x128xf32, #tpu.memory_space<hbm>>
    %dma_start3A_820 = arith.constant 0 : i32
    %dma_start3A_821 = arith.constant 0 : i32
    %dma_start3A_822 = tpu.memref_slice %arg6[%add3A, %dma_start3A_820, %dma_start3A_821] : memref<32x832x128xf32, #tpu.memory_space<hbm>> -> memref<1x832x128xf32, #tpu.memory_space<hbm>>
    %dma_start3A_823 = tpu.memref_squeeze %dma_start3A_822 : memref<1x832x128xf32, #tpu.memory_space<hbm>> -> memref<832x128xf32, #tpu.memory_space<hbm>>
    %dma_start3A_824 = arith.constant 624 : i32
    %dma_start3A_825 = arith.constant 0 : i32
    %dma_start3A_826 = tpu.memref_slice %dma_start3A_823[%dma_start3A_824, %dma_start3A_825] : memref<832x128xf32, #tpu.memory_space<hbm>> -> memref<104x128xf32, #tpu.memory_space<hbm>>
    %dma_start3A_827 = arith.constant 0 : i32
    %dma_start3A_828 = arith.constant 0 : i32
    %dma_start3A_829 = tpu.memref_slice %arg9[%dma_start3A_808, %dma_start3A_827, %dma_start3A_828] : memref<2x104x128xf32, #tpu.memory_space<vmem>> -> memref<1x104x128xf32, #tpu.memory_space<vmem>>
    %dma_start3A_830 = tpu.memref_squeeze %dma_start3A_829 : memref<1x104x128xf32, #tpu.memory_space<vmem>> -> memref<104x128xf32, #tpu.memory_space<vmem>>
    tpu.enqueue_dma source(%dma_start3A_830 : memref<104x128xf32, #tpu.memory_space<vmem>>) target(%dma_start3A_826 : memref<104x128xf32, #tpu.memory_space<hbm>>) target_semaphore(%arg11 : memref<!tpu.dma_semaphore, #tpu.memory_space<semaphore_mem>>)
    %dma_wait3A_831 = arith.constant 1 : i32
    %dma_wait3A_832 = arith.constant 0 : i32
    %dma_wait3A_833 = arith.constant 0 : i32
    %dma_wait3A_834 = tpu.memref_slice %arg8[%dma_wait3A_831, %dma_wait3A_832, %dma_wait3A_833] : memref<2x104x128xf32, #tpu.memory_space<vmem>> -> memref<1x104x128xf32, #tpu.memory_space<vmem>>
    %dma_wait3A_835 = tpu.memref_squeeze %dma_wait3A_834 : memref<1x104x128xf32, #tpu.memory_space<vmem>> -> memref<104x128xf32, #tpu.memory_space<vmem>>
    %dma_wait3A_836 = arith.constant 0 : i32
    %dma_wait3A_837 = arith.constant 0 : i32
    %dma_wait3A_838 = tpu.memref_slice %arg5[%add3A, %dma_wait3A_836, %dma_wait3A_837] : memref<32x832x128xf32, #tpu.memory_space<hbm>> -> memref<1x832x128xf32, #tpu.memory_space<hbm>>
    %dma_wait3A_839 = tpu.memref_squeeze %dma_wait3A_838 : memref<1x832x128xf32, #tpu.memory_space<hbm>> -> memref<832x128xf32, #tpu.memory_space<hbm>>
    %dma_wait3A_840 = arith.constant 520 : i32
    %dma_wait3A_841 = arith.constant 0 : i32
    %dma_wait3A_842 = tpu.memref_slice %dma_wait3A_839[%dma_wait3A_840, %dma_wait3A_841] : memref<832x128xf32, #tpu.memory_space<hbm>> -> memref<104x128xf32, #tpu.memory_space<hbm>>
    %dma_wait3A_843 = arith.constant 0 : i32
    %dma_wait3A_844 = arith.constant 0 : i32
    %dma_wait3A_845 = tpu.memref_slice %arg5[%add3A, %dma_wait3A_843, %dma_wait3A_844] : memref<32x832x128xf32, #tpu.memory_space<hbm>> -> memref<1x832x128xf32, #tpu.memory_space<hbm>>
    %dma_wait3A_846 = tpu.memref_squeeze %dma_wait3A_845 : memref<1x832x128xf32, #tpu.memory_space<hbm>> -> memref<832x128xf32, #tpu.memory_space<hbm>>
    %dma_wait3A_847 = arith.constant 520 : i32
    %dma_wait3A_848 = arith.constant 0 : i32
    %dma_wait3A_849 = tpu.memref_slice %dma_wait3A_846[%dma_wait3A_847, %dma_wait3A_848] : memref<832x128xf32, #tpu.memory_space<hbm>> -> memref<104x128xf32, #tpu.memory_space<hbm>>
    %dma_wait3A_850 = arith.constant 0 : i32
    %dma_wait3A_851 = arith.constant 0 : i32
    %dma_wait3A_852 = tpu.memref_slice %arg8[%dma_wait3A_831, %dma_wait3A_850, %dma_wait3A_851] : memref<2x104x128xf32, #tpu.memory_space<vmem>> -> memref<1x104x128xf32, #tpu.memory_space<vmem>>
    %dma_wait3A_853 = tpu.memref_squeeze %dma_wait3A_852 : memref<1x104x128xf32, #tpu.memory_space<vmem>> -> memref<104x128xf32, #tpu.memory_space<vmem>>
    tpu.wait_dma2 semaphore(%arg11 : memref<!tpu.dma_semaphore, #tpu.memory_space<semaphore_mem>>) src(%dma_wait3A_853 : memref<104x128xf32, #tpu.memory_space<vmem>>) dst(%dma_wait3A_849 : memref<104x128xf32, #tpu.memory_space<hbm>>)
    %dma_wait3A_854 = arith.constant 1 : i32
    %dma_wait3A_855 = arith.constant 0 : i32
    %dma_wait3A_856 = arith.constant 0 : i32
    %dma_wait3A_857 = tpu.memref_slice %arg9[%dma_wait3A_854, %dma_wait3A_855, %dma_wait3A_856] : memref<2x104x128xf32, #tpu.memory_space<vmem>> -> memref<1x104x128xf32, #tpu.memory_space<vmem>>
    %dma_wait3A_858 = tpu.memref_squeeze %dma_wait3A_857 : memref<1x104x128xf32, #tpu.memory_space<vmem>> -> memref<104x128xf32, #tpu.memory_space<vmem>>
    %dma_wait3A_859 = arith.constant 0 : i32
    %dma_wait3A_860 = arith.constant 0 : i32
    %dma_wait3A_861 = tpu.memref_slice %arg6[%add3A, %dma_wait3A_859, %dma_wait3A_860] : memref<32x832x128xf32, #tpu.memory_space<hbm>> -> memref<1x832x128xf32, #tpu.memory_space<hbm>>
    %dma_wait3A_862 = tpu.memref_squeeze %dma_wait3A_861 : memref<1x832x128xf32, #tpu.memory_space<hbm>> -> memref<832x128xf32, #tpu.memory_space<hbm>>
    %dma_wait3A_863 = arith.constant 520 : i32
    %dma_wait3A_864 = arith.constant 0 : i32
    %dma_wait3A_865 = tpu.memref_slice %dma_wait3A_862[%dma_wait3A_863, %dma_wait3A_864] : memref<832x128xf32, #tpu.memory_space<hbm>> -> memref<104x128xf32, #tpu.memory_space<hbm>>
    %dma_wait3A_866 = arith.constant 0 : i32
    %dma_wait3A_867 = arith.constant 0 : i32
    %dma_wait3A_868 = tpu.memref_slice %arg6[%add3A, %dma_wait3A_866, %dma_wait3A_867] : memref<32x832x128xf32, #tpu.memory_space<hbm>> -> memref<1x832x128xf32, #tpu.memory_space<hbm>>
    %dma_wait3A_869 = tpu.memref_squeeze %dma_wait3A_868 : memref<1x832x128xf32, #tpu.memory_space<hbm>> -> memref<832x128xf32, #tpu.memory_space<hbm>>
    %dma_wait3A_870 = arith.constant 520 : i32
    %dma_wait3A_871 = arith.constant 0 : i32
    %dma_wait3A_872 = tpu.memref_slice %dma_wait3A_869[%dma_wait3A_870, %dma_wait3A_871] : memref<832x128xf32, #tpu.memory_space<hbm>> -> memref<104x128xf32, #tpu.memory_space<hbm>>
    %dma_wait3A_873 = arith.constant 0 : i32
    %dma_wait3A_874 = arith.constant 0 : i32
    %dma_wait3A_875 = tpu.memref_slice %arg9[%dma_wait3A_854, %dma_wait3A_873, %dma_wait3A_874] : memref<2x104x128xf32, #tpu.memory_space<vmem>> -> memref<1x104x128xf32, #tpu.memory_space<vmem>>
    %dma_wait3A_876 = tpu.memref_squeeze %dma_wait3A_875 : memref<1x104x128xf32, #tpu.memory_space<vmem>> -> memref<104x128xf32, #tpu.memory_space<vmem>>
    tpu.wait_dma2 semaphore(%arg11 : memref<!tpu.dma_semaphore, #tpu.memory_space<semaphore_mem>>) src(%dma_wait3A_876 : memref<104x128xf32, #tpu.memory_space<vmem>>) dst(%dma_wait3A_872 : memref<104x128xf32, #tpu.memory_space<hbm>>)
    %dma_start3A_877 = arith.constant 1 : i32
    %dma_start3A_878 = arith.constant 0 : i32
    %dma_start3A_879 = arith.constant 0 : i32
    %dma_start3A_880 = tpu.memref_slice %arg8[%dma_start3A_877, %dma_start3A_878, %dma_start3A_879] : memref<2x104x128xf32, #tpu.memory_space<vmem>> -> memref<1x104x128xf32, #tpu.memory_space<vmem>>
    %dma_start3A_881 = tpu.memref_squeeze %dma_start3A_880 : memref<1x104x128xf32, #tpu.memory_space<vmem>> -> memref<104x128xf32, #tpu.memory_space<vmem>>
    %dma_start3A_882 = arith.constant 728 : i32
    %dma_start3A_883 = tpu.memref_slice %arg7[%dma_start3A_882] : memref<832xi32, #tpu.memory_space<vmem>> -> memref<104xi32, #tpu.memory_space<vmem>>
    %dma_start3A_884 = arith.constant 0 : i32
    %dma_start3A_885 = arith.constant 0 : i32
    %dma_start3A_886 = tpu.memref_slice %arg2[%dma_start3A_884, %dma_start3A_885] : memref<26000x128xf32, #tpu.memory_space<hbm>> -> memref<26000x128xf32, #tpu.memory_space<hbm>>
    tpu.enqueue_indirect_dma source(%dma_start3A_886 : memref<26000x128xf32, #tpu.memory_space<hbm>>) target(%dma_start3A_881 : memref<104x128xf32, #tpu.memory_space<vmem>>) offsets(%dma_start3A_883 : memref<104xi32, #tpu.memory_space<vmem>>) semaphore(%arg10 : memref<!tpu.dma_semaphore, #tpu.memory_space<semaphore_mem>>)
    %dma_start3A_887 = arith.constant 1 : i32
    %dma_start3A_888 = arith.constant 0 : i32
    %dma_start3A_889 = arith.constant 0 : i32
    %dma_start3A_890 = tpu.memref_slice %arg9[%dma_start3A_887, %dma_start3A_888, %dma_start3A_889] : memref<2x104x128xf32, #tpu.memory_space<vmem>> -> memref<1x104x128xf32, #tpu.memory_space<vmem>>
    %dma_start3A_891 = tpu.memref_squeeze %dma_start3A_890 : memref<1x104x128xf32, #tpu.memory_space<vmem>> -> memref<104x128xf32, #tpu.memory_space<vmem>>
    %dma_start3A_892 = arith.constant 728 : i32
    %dma_start3A_893 = tpu.memref_slice %arg7[%dma_start3A_892] : memref<832xi32, #tpu.memory_space<vmem>> -> memref<104xi32, #tpu.memory_space<vmem>>
    %dma_start3A_894 = arith.constant 0 : i32
    %dma_start3A_895 = arith.constant 0 : i32
    %dma_start3A_896 = tpu.memref_slice %arg3[%dma_start3A_894, %dma_start3A_895] : memref<26000x128xf32, #tpu.memory_space<hbm>> -> memref<26000x128xf32, #tpu.memory_space<hbm>>
    tpu.enqueue_indirect_dma source(%dma_start3A_896 : memref<26000x128xf32, #tpu.memory_space<hbm>>) target(%dma_start3A_891 : memref<104x128xf32, #tpu.memory_space<vmem>>) offsets(%dma_start3A_893 : memref<104xi32, #tpu.memory_space<vmem>>) semaphore(%arg10 : memref<!tpu.dma_semaphore, #tpu.memory_space<semaphore_mem>>)
    %dma_wait3A_897 = arith.constant 1 : i32
    %dma_wait3A_898 = arith.constant 0 : i32
    %dma_wait3A_899 = arith.constant 0 : i32
    %dma_wait3A_900 = tpu.memref_slice %arg8[%dma_wait3A_897, %dma_wait3A_898, %dma_wait3A_899] : memref<2x104x128xf32, #tpu.memory_space<vmem>> -> memref<1x104x128xf32, #tpu.memory_space<vmem>>
    %dma_wait3A_901 = tpu.memref_squeeze %dma_wait3A_900 : memref<1x104x128xf32, #tpu.memory_space<vmem>> -> memref<104x128xf32, #tpu.memory_space<vmem>>
    %dma_wait3A_902 = arith.constant 728 : i32
    %dma_wait3A_903 = tpu.memref_slice %arg7[%dma_wait3A_902] : memref<832xi32, #tpu.memory_space<vmem>> -> memref<104xi32, #tpu.memory_space<vmem>>
    %dma_wait3A_904 = arith.constant 0 : i32
    %dma_wait3A_905 = arith.constant 0 : i32
    %dma_wait3A_906 = tpu.memref_slice %arg2[%dma_wait3A_904, %dma_wait3A_905] : memref<26000x128xf32, #tpu.memory_space<hbm>> -> memref<26000x128xf32, #tpu.memory_space<hbm>>
    tpu.wait_indirect_dma semaphore(%arg10 : memref<!tpu.dma_semaphore, #tpu.memory_space<semaphore_mem>>) src(%dma_wait3A_906 : memref<26000x128xf32, #tpu.memory_space<hbm>>) dst(%dma_wait3A_901 : memref<104x128xf32, #tpu.memory_space<vmem>>)
    %dma_wait3A_907 = arith.constant 1 : i32
    %dma_wait3A_908 = arith.constant 0 : i32
    %dma_wait3A_909 = arith.constant 0 : i32
    %dma_wait3A_910 = tpu.memref_slice %arg9[%dma_wait3A_907, %dma_wait3A_908, %dma_wait3A_909] : memref<2x104x128xf32, #tpu.memory_space<vmem>> -> memref<1x104x128xf32, #tpu.memory_space<vmem>>
    %dma_wait3A_911 = tpu.memref_squeeze %dma_wait3A_910 : memref<1x104x128xf32, #tpu.memory_space<vmem>> -> memref<104x128xf32, #tpu.memory_space<vmem>>
    %dma_wait3A_912 = arith.constant 728 : i32
    %dma_wait3A_913 = tpu.memref_slice %arg7[%dma_wait3A_912] : memref<832xi32, #tpu.memory_space<vmem>> -> memref<104xi32, #tpu.memory_space<vmem>>
    %dma_wait3A_914 = arith.constant 0 : i32
    %dma_wait3A_915 = arith.constant 0 : i32
    %dma_wait3A_916 = tpu.memref_slice %arg3[%dma_wait3A_914, %dma_wait3A_915] : memref<26000x128xf32, #tpu.memory_space<hbm>> -> memref<26000x128xf32, #tpu.memory_space<hbm>>
    tpu.wait_indirect_dma semaphore(%arg10 : memref<!tpu.dma_semaphore, #tpu.memory_space<semaphore_mem>>) src(%dma_wait3A_916 : memref<26000x128xf32, #tpu.memory_space<hbm>>) dst(%dma_wait3A_911 : memref<104x128xf32, #tpu.memory_space<vmem>>)
    %dma_start3A_917 = arith.constant 1 : i32
    %dma_start3A_918 = arith.constant 0 : i32
    %dma_start3A_919 = arith.constant 0 : i32
    %dma_start3A_920 = tpu.memref_slice %arg8[%dma_start3A_917, %dma_start3A_918, %dma_start3A_919] : memref<2x104x128xf32, #tpu.memory_space<vmem>> -> memref<1x104x128xf32, #tpu.memory_space<vmem>>
    %dma_start3A_921 = tpu.memref_squeeze %dma_start3A_920 : memref<1x104x128xf32, #tpu.memory_space<vmem>> -> memref<104x128xf32, #tpu.memory_space<vmem>>
    %dma_start3A_922 = arith.constant 0 : i32
    %dma_start3A_923 = arith.constant 0 : i32
    %dma_start3A_924 = tpu.memref_slice %arg5[%add3A, %dma_start3A_922, %dma_start3A_923] : memref<32x832x128xf32, #tpu.memory_space<hbm>> -> memref<1x832x128xf32, #tpu.memory_space<hbm>>
    %dma_start3A_925 = tpu.memref_squeeze %dma_start3A_924 : memref<1x832x128xf32, #tpu.memory_space<hbm>> -> memref<832x128xf32, #tpu.memory_space<hbm>>
    %dma_start3A_926 = arith.constant 728 : i32
    %dma_start3A_927 = arith.constant 0 : i32
    %dma_start3A_928 = tpu.memref_slice %dma_start3A_925[%dma_start3A_926, %dma_start3A_927] : memref<832x128xf32, #tpu.memory_space<hbm>> -> memref<104x128xf32, #tpu.memory_space<hbm>>
    %dma_start3A_929 = arith.constant 0 : i32
    %dma_start3A_930 = arith.constant 0 : i32
    %dma_start3A_931 = tpu.memref_slice %arg5[%add3A, %dma_start3A_929, %dma_start3A_930] : memref<32x832x128xf32, #tpu.memory_space<hbm>> -> memref<1x832x128xf32, #tpu.memory_space<hbm>>
    %dma_start3A_932 = tpu.memref_squeeze %dma_start3A_931 : memref<1x832x128xf32, #tpu.memory_space<hbm>> -> memref<832x128xf32, #tpu.memory_space<hbm>>
    %dma_start3A_933 = arith.constant 728 : i32
    %dma_start3A_934 = arith.constant 0 : i32
    %dma_start3A_935 = tpu.memref_slice %dma_start3A_932[%dma_start3A_933, %dma_start3A_934] : memref<832x128xf32, #tpu.memory_space<hbm>> -> memref<104x128xf32, #tpu.memory_space<hbm>>
    %dma_start3A_936 = arith.constant 0 : i32
    %dma_start3A_937 = arith.constant 0 : i32
    %dma_start3A_938 = tpu.memref_slice %arg8[%dma_start3A_917, %dma_start3A_936, %dma_start3A_937] : memref<2x104x128xf32, #tpu.memory_space<vmem>> -> memref<1x104x128xf32, #tpu.memory_space<vmem>>
    %dma_start3A_939 = tpu.memref_squeeze %dma_start3A_938 : memref<1x104x128xf32, #tpu.memory_space<vmem>> -> memref<104x128xf32, #tpu.memory_space<vmem>>
    tpu.enqueue_dma source(%dma_start3A_939 : memref<104x128xf32, #tpu.memory_space<vmem>>) target(%dma_start3A_935 : memref<104x128xf32, #tpu.memory_space<hbm>>) target_semaphore(%arg11 : memref<!tpu.dma_semaphore, #tpu.memory_space<semaphore_mem>>)
    %dma_start3A_940 = arith.constant 1 : i32
    %dma_start3A_941 = arith.constant 0 : i32
    %dma_start3A_942 = arith.constant 0 : i32
    %dma_start3A_943 = tpu.memref_slice %arg9[%dma_start3A_940, %dma_start3A_941, %dma_start3A_942] : memref<2x104x128xf32, #tpu.memory_space<vmem>> -> memref<1x104x128xf32, #tpu.memory_space<vmem>>
    %dma_start3A_944 = tpu.memref_squeeze %dma_start3A_943 : memref<1x104x128xf32, #tpu.memory_space<vmem>> -> memref<104x128xf32, #tpu.memory_space<vmem>>
    %dma_start3A_945 = arith.constant 0 : i32
    %dma_start3A_946 = arith.constant 0 : i32
    %dma_start3A_947 = tpu.memref_slice %arg6[%add3A, %dma_start3A_945, %dma_start3A_946] : memref<32x832x128xf32, #tpu.memory_space<hbm>> -> memref<1x832x128xf32, #tpu.memory_space<hbm>>
    %dma_start3A_948 = tpu.memref_squeeze %dma_start3A_947 : memref<1x832x128xf32, #tpu.memory_space<hbm>> -> memref<832x128xf32, #tpu.memory_space<hbm>>
    %dma_start3A_949 = arith.constant 728 : i32
    %dma_start3A_950 = arith.constant 0 : i32
    %dma_start3A_951 = tpu.memref_slice %dma_start3A_948[%dma_start3A_949, %dma_start3A_950] : memref<832x128xf32, #tpu.memory_space<hbm>> -> memref<104x128xf32, #tpu.memory_space<hbm>>
    %dma_start3A_952 = arith.constant 0 : i32
    %dma_start3A_953 = arith.constant 0 : i32
    %dma_start3A_954 = tpu.memref_slice %arg6[%add3A, %dma_start3A_952, %dma_start3A_953] : memref<32x832x128xf32, #tpu.memory_space<hbm>> -> memref<1x832x128xf32, #tpu.memory_space<hbm>>
    %dma_start3A_955 = tpu.memref_squeeze %dma_start3A_954 : memref<1x832x128xf32, #tpu.memory_space<hbm>> -> memref<832x128xf32, #tpu.memory_space<hbm>>
    %dma_start3A_956 = arith.constant 728 : i32
    %dma_start3A_957 = arith.constant 0 : i32
    %dma_start3A_958 = tpu.memref_slice %dma_start3A_955[%dma_start3A_956, %dma_start3A_957] : memref<832x128xf32, #tpu.memory_space<hbm>> -> memref<104x128xf32, #tpu.memory_space<hbm>>
    %dma_start3A_959 = arith.constant 0 : i32
    %dma_start3A_960 = arith.constant 0 : i32
    %dma_start3A_961 = tpu.memref_slice %arg9[%dma_start3A_940, %dma_start3A_959, %dma_start3A_960] : memref<2x104x128xf32, #tpu.memory_space<vmem>> -> memref<1x104x128xf32, #tpu.memory_space<vmem>>
    %dma_start3A_962 = tpu.memref_squeeze %dma_start3A_961 : memref<1x104x128xf32, #tpu.memory_space<vmem>> -> memref<104x128xf32, #tpu.memory_space<vmem>>
    tpu.enqueue_dma source(%dma_start3A_962 : memref<104x128xf32, #tpu.memory_space<vmem>>) target(%dma_start3A_958 : memref<104x128xf32, #tpu.memory_space<hbm>>) target_semaphore(%arg11 : memref<!tpu.dma_semaphore, #tpu.memory_space<semaphore_mem>>)
    %dma_wait3A_963 = arith.constant 0 : i32
    %dma_wait3A_964 = arith.constant 0 : i32
    %dma_wait3A_965 = arith.constant 0 : i32
    %dma_wait3A_966 = tpu.memref_slice %arg8[%dma_wait3A_963, %dma_wait3A_964, %dma_wait3A_965] : memref<2x104x128xf32, #tpu.memory_space<vmem>> -> memref<1x104x128xf32, #tpu.memory_space<vmem>>
    %dma_wait3A_967 = tpu.memref_squeeze %dma_wait3A_966 : memref<1x104x128xf32, #tpu.memory_space<vmem>> -> memref<104x128xf32, #tpu.memory_space<vmem>>
    %dma_wait3A_968 = arith.constant 0 : i32
    %dma_wait3A_969 = arith.constant 0 : i32
    %dma_wait3A_970 = tpu.memref_slice %arg5[%add3A, %dma_wait3A_968, %dma_wait3A_969] : memref<32x832x128xf32, #tpu.memory_space<hbm>> -> memref<1x832x128xf32, #tpu.memory_space<hbm>>
    %dma_wait3A_971 = tpu.memref_squeeze %dma_wait3A_970 : memref<1x832x128xf32, #tpu.memory_space<hbm>> -> memref<832x128xf32, #tpu.memory_space<hbm>>
    %dma_wait3A_972 = arith.constant 624 : i32
    %dma_wait3A_973 = arith.constant 0 : i32
    %dma_wait3A_974 = tpu.memref_slice %dma_wait3A_971[%dma_wait3A_972, %dma_wait3A_973] : memref<832x128xf32, #tpu.memory_space<hbm>> -> memref<104x128xf32, #tpu.memory_space<hbm>>
    %dma_wait3A_975 = arith.constant 0 : i32
    %dma_wait3A_976 = arith.constant 0 : i32
    %dma_wait3A_977 = tpu.memref_slice %arg5[%add3A, %dma_wait3A_975, %dma_wait3A_976] : memref<32x832x128xf32, #tpu.memory_space<hbm>> -> memref<1x832x128xf32, #tpu.memory_space<hbm>>
    %dma_wait3A_978 = tpu.memref_squeeze %dma_wait3A_977 : memref<1x832x128xf32, #tpu.memory_space<hbm>> -> memref<832x128xf32, #tpu.memory_space<hbm>>
    %dma_wait3A_979 = arith.constant 624 : i32
    %dma_wait3A_980 = arith.constant 0 : i32
    %dma_wait3A_981 = tpu.memref_slice %dma_wait3A_978[%dma_wait3A_979, %dma_wait3A_980] : memref<832x128xf32, #tpu.memory_space<hbm>> -> memref<104x128xf32, #tpu.memory_space<hbm>>
    %dma_wait3A_982 = arith.constant 0 : i32
    %dma_wait3A_983 = arith.constant 0 : i32
    %dma_wait3A_984 = tpu.memref_slice %arg8[%dma_wait3A_963, %dma_wait3A_982, %dma_wait3A_983] : memref<2x104x128xf32, #tpu.memory_space<vmem>> -> memref<1x104x128xf32, #tpu.memory_space<vmem>>
    %dma_wait3A_985 = tpu.memref_squeeze %dma_wait3A_984 : memref<1x104x128xf32, #tpu.memory_space<vmem>> -> memref<104x128xf32, #tpu.memory_space<vmem>>
    tpu.wait_dma2 semaphore(%arg11 : memref<!tpu.dma_semaphore, #tpu.memory_space<semaphore_mem>>) src(%dma_wait3A_985 : memref<104x128xf32, #tpu.memory_space<vmem>>) dst(%dma_wait3A_981 : memref<104x128xf32, #tpu.memory_space<hbm>>)
    %dma_wait3A_986 = arith.constant 0 : i32
    %dma_wait3A_987 = arith.constant 0 : i32
    %dma_wait3A_988 = arith.constant 0 : i32
    %dma_wait3A_989 = tpu.memref_slice %arg9[%dma_wait3A_986, %dma_wait3A_987, %dma_wait3A_988] : memref<2x104x128xf32, #tpu.memory_space<vmem>> -> memref<1x104x128xf32, #tpu.memory_space<vmem>>
    %dma_wait3A_990 = tpu.memref_squeeze %dma_wait3A_989 : memref<1x104x128xf32, #tpu.memory_space<vmem>> -> memref<104x128xf32, #tpu.memory_space<vmem>>
    %dma_wait3A_991 = arith.constant 0 : i32
    %dma_wait3A_992 = arith.constant 0 : i32
    %dma_wait3A_993 = tpu.memref_slice %arg6[%add3A, %dma_wait3A_991, %dma_wait3A_992] : memref<32x832x128xf32, #tpu.memory_space<hbm>> -> memref<1x832x128xf32, #tpu.memory_space<hbm>>
    %dma_wait3A_994 = tpu.memref_squeeze %dma_wait3A_993 : memref<1x832x128xf32, #tpu.memory_space<hbm>> -> memref<832x128xf32, #tpu.memory_space<hbm>>
    %dma_wait3A_995 = arith.constant 624 : i32
    %dma_wait3A_996 = arith.constant 0 : i32
    %dma_wait3A_997 = tpu.memref_slice %dma_wait3A_994[%dma_wait3A_995, %dma_wait3A_996] : memref<832x128xf32, #tpu.memory_space<hbm>> -> memref<104x128xf32, #tpu.memory_space<hbm>>
    %dma_wait3A_998 = arith.constant 0 : i32
    %dma_wait3A_999 = arith.constant 0 : i32
    %dma_wait3A_1000 = tpu.memref_slice %arg6[%add3A, %dma_wait3A_998, %dma_wait3A_999] : memref<32x832x128xf32, #tpu.memory_space<hbm>> -> memref<1x832x128xf32, #tpu.memory_space<hbm>>
    %dma_wait3A_1001 = tpu.memref_squeeze %dma_wait3A_1000 : memref<1x832x128xf32, #tpu.memory_space<hbm>> -> memref<832x128xf32, #tpu.memory_space<hbm>>
    %dma_wait3A_1002 = arith.constant 624 : i32
    %dma_wait3A_1003 = arith.constant 0 : i32
    %dma_wait3A_1004 = tpu.memref_slice %dma_wait3A_1001[%dma_wait3A_1002, %dma_wait3A_1003] : memref<832x128xf32, #tpu.memory_space<hbm>> -> memref<104x128xf32, #tpu.memory_space<hbm>>
    %dma_wait3A_1005 = arith.constant 0 : i32
    %dma_wait3A_1006 = arith.constant 0 : i32
    %dma_wait3A_1007 = tpu.memref_slice %arg9[%dma_wait3A_986, %dma_wait3A_1005, %dma_wait3A_1006] : memref<2x104x128xf32, #tpu.memory_space<vmem>> -> memref<1x104x128xf32, #tpu.memory_space<vmem>>
    %dma_wait3A_1008 = tpu.memref_squeeze %dma_wait3A_1007 : memref<1x104x128xf32, #tpu.memory_space<vmem>> -> memref<104x128xf32, #tpu.memory_space<vmem>>
    tpu.wait_dma2 semaphore(%arg11 : memref<!tpu.dma_semaphore, #tpu.memory_space<semaphore_mem>>) src(%dma_wait3A_1008 : memref<104x128xf32, #tpu.memory_space<vmem>>) dst(%dma_wait3A_1004 : memref<104x128xf32, #tpu.memory_space<hbm>>)
    %dma_wait3A_1009 = arith.constant 1 : i32
    %dma_wait3A_1010 = arith.constant 0 : i32
    %dma_wait3A_1011 = arith.constant 0 : i32
    %dma_wait3A_1012 = tpu.memref_slice %arg8[%dma_wait3A_1009, %dma_wait3A_1010, %dma_wait3A_1011] : memref<2x104x128xf32, #tpu.memory_space<vmem>> -> memref<1x104x128xf32, #tpu.memory_space<vmem>>
    %dma_wait3A_1013 = tpu.memref_squeeze %dma_wait3A_1012 : memref<1x104x128xf32, #tpu.memory_space<vmem>> -> memref<104x128xf32, #tpu.memory_space<vmem>>
    %dma_wait3A_1014 = arith.constant 0 : i32
    %dma_wait3A_1015 = arith.constant 0 : i32
    %dma_wait3A_1016 = tpu.memref_slice %arg5[%add3A, %dma_wait3A_1014, %dma_wait3A_1015] : memref<32x832x128xf32, #tpu.memory_space<hbm>> -> memref<1x832x128xf32, #tpu.memory_space<hbm>>
    %dma_wait3A_1017 = tpu.memref_squeeze %dma_wait3A_1016 : memref<1x832x128xf32, #tpu.memory_space<hbm>> -> memref<832x128xf32, #tpu.memory_space<hbm>>
    %dma_wait3A_1018 = arith.constant 728 : i32
    %dma_wait3A_1019 = arith.constant 0 : i32
    %dma_wait3A_1020 = tpu.memref_slice %dma_wait3A_1017[%dma_wait3A_1018, %dma_wait3A_1019] : memref<832x128xf32, #tpu.memory_space<hbm>> -> memref<104x128xf32, #tpu.memory_space<hbm>>
    %dma_wait3A_1021 = arith.constant 0 : i32
    %dma_wait3A_1022 = arith.constant 0 : i32
    %dma_wait3A_1023 = tpu.memref_slice %arg5[%add3A, %dma_wait3A_1021, %dma_wait3A_1022] : memref<32x832x128xf32, #tpu.memory_space<hbm>> -> memref<1x832x128xf32, #tpu.memory_space<hbm>>
    %dma_wait3A_1024 = tpu.memref_squeeze %dma_wait3A_1023 : memref<1x832x128xf32, #tpu.memory_space<hbm>> -> memref<832x128xf32, #tpu.memory_space<hbm>>
    %dma_wait3A_1025 = arith.constant 728 : i32
    %dma_wait3A_1026 = arith.constant 0 : i32
    %dma_wait3A_1027 = tpu.memref_slice %dma_wait3A_1024[%dma_wait3A_1025, %dma_wait3A_1026] : memref<832x128xf32, #tpu.memory_space<hbm>> -> memref<104x128xf32, #tpu.memory_space<hbm>>
    %dma_wait3A_1028 = arith.constant 0 : i32
    %dma_wait3A_1029 = arith.constant 0 : i32
    %dma_wait3A_1030 = tpu.memref_slice %arg8[%dma_wait3A_1009, %dma_wait3A_1028, %dma_wait3A_1029] : memref<2x104x128xf32, #tpu.memory_space<vmem>> -> memref<1x104x128xf32, #tpu.memory_space<vmem>>
    %dma_wait3A_1031 = tpu.memref_squeeze %dma_wait3A_1030 : memref<1x104x128xf32, #tpu.memory_space<vmem>> -> memref<104x128xf32, #tpu.memory_space<vmem>>
    tpu.wait_dma2 semaphore(%arg11 : memref<!tpu.dma_semaphore, #tpu.memory_space<semaphore_mem>>) src(%dma_wait3A_1031 : memref<104x128xf32, #tpu.memory_space<vmem>>) dst(%dma_wait3A_1027 : memref<104x128xf32, #tpu.memory_space<hbm>>)
    %dma_wait3A_1032 = arith.constant 1 : i32
    %dma_wait3A_1033 = arith.constant 0 : i32
    %dma_wait3A_1034 = arith.constant 0 : i32
    %dma_wait3A_1035 = tpu.memref_slice %arg9[%dma_wait3A_1032, %dma_wait3A_1033, %dma_wait3A_1034] : memref<2x104x128xf32, #tpu.memory_space<vmem>> -> memref<1x104x128xf32, #tpu.memory_space<vmem>>
    %dma_wait3A_1036 = tpu.memref_squeeze %dma_wait3A_1035 : memref<1x104x128xf32, #tpu.memory_space<vmem>> -> memref<104x128xf32, #tpu.memory_space<vmem>>
    %dma_wait3A_1037 = arith.constant 0 : i32
    %dma_wait3A_1038 = arith.constant 0 : i32
    %dma_wait3A_1039 = tpu.memref_slice %arg6[%add3A, %dma_wait3A_1037, %dma_wait3A_1038] : memref<32x832x128xf32, #tpu.memory_space<hbm>> -> memref<1x832x128xf32, #tpu.memory_space<hbm>>
    %dma_wait3A_1040 = tpu.memref_squeeze %dma_wait3A_1039 : memref<1x832x128xf32, #tpu.memory_space<hbm>> -> memref<832x128xf32, #tpu.memory_space<hbm>>
    %dma_wait3A_1041 = arith.constant 728 : i32
    %dma_wait3A_1042 = arith.constant 0 : i32
    %dma_wait3A_1043 = tpu.memref_slice %dma_wait3A_1040[%dma_wait3A_1041, %dma_wait3A_1042] : memref<832x128xf32, #tpu.memory_space<hbm>> -> memref<104x128xf32, #tpu.memory_space<hbm>>
    %dma_wait3A_1044 = arith.constant 0 : i32
    %dma_wait3A_1045 = arith.constant 0 : i32
    %dma_wait3A_1046 = tpu.memref_slice %arg6[%add3A, %dma_wait3A_1044, %dma_wait3A_1045] : memref<32x832x128xf32, #tpu.memory_space<hbm>> -> memref<1x832x128xf32, #tpu.memory_space<hbm>>
    %dma_wait3A_1047 = tpu.memref_squeeze %dma_wait3A_1046 : memref<1x832x128xf32, #tpu.memory_space<hbm>> -> memref<832x128xf32, #tpu.memory_space<hbm>>
    %dma_wait3A_1048 = arith.constant 728 : i32
    %dma_wait3A_1049 = arith.constant 0 : i32
    %dma_wait3A_1050 = tpu.memref_slice %dma_wait3A_1047[%dma_wait3A_1048, %dma_wait3A_1049] : memref<832x128xf32, #tpu.memory_space<hbm>> -> memref<104x128xf32, #tpu.memory_space<hbm>>
    %dma_wait3A_1051 = arith.constant 0 : i32
    %dma_wait3A_1052 = arith.constant 0 : i32
    %dma_wait3A_1053 = tpu.memref_slice %arg9[%dma_wait3A_1032, %dma_wait3A_1051, %dma_wait3A_1052] : memref<2x104x128xf32, #tpu.memory_space<vmem>> -> memref<1x104x128xf32, #tpu.memory_space<vmem>>
    %dma_wait3A_1054 = tpu.memref_squeeze %dma_wait3A_1053 : memref<1x104x128xf32, #tpu.memory_space<vmem>> -> memref<104x128xf32, #tpu.memory_space<vmem>>
    tpu.wait_dma2 semaphore(%arg11 : memref<!tpu.dma_semaphore, #tpu.memory_space<semaphore_mem>>) src(%dma_wait3A_1054 : memref<104x128xf32, #tpu.memory_space<vmem>>) dst(%dma_wait3A_1050 : memref<104x128xf32, #tpu.memory_space<hbm>>)
    return
  }
}

module attributes {stable_mosaic.version = 14 : i64} {
  func.func @body(%arg0: i32, %arg1: memref<4992x256xf32, #tpu.memory_space<vmem>>, %arg2: memref<2048x128xf32, #tpu.memory_space<vmem>>, %arg3: memref<1x1664xf32, #tpu.memory_space<vmem>>, %arg4: memref<13x1664xbf16, #tpu.memory_space<vmem>>, %arg5: memref<3456x256xf8E4M3FN, #tpu.memory_space<vmem>>, %arg6: memref<2048x128xf8E4M3FN, #tpu.memory_space<vmem>>) attributes {dimension_semantics = [#tpu.dimension_semantics<arbitrary>], iteration_bounds = array<i64: 8>, scalar_prefetch = 0 : i64, scratch_operands = 0 : i64, tpu.core_type = #tpu.core_type<tc>, window_params = [{transform_indices = @transform_0, window_bounds = array<i64: 4992, 256>}, {transform_indices = @transform_1, window_bounds = array<i64: 2048, 128>}, {pipeline_mode = #tpu.pipeline_mode<synchronous>, transform_indices = @transform_2, window_bounds = array<i64: 1, 1664>}, {pipeline_mode = #tpu.pipeline_mode<synchronous>, transform_indices = @transform_3, window_bounds = array<i64: 13, 1664>}, {transform_indices = @transform_4, window_bounds = array<i64: 3456, 256>}, {transform_indices = @transform_5, window_bounds = array<i64: 2048, 128>}]} {
    %get3A = arith.constant 0 : index
    %get3A_0 = arith.constant 0 : index
    %get3A_1 = vector.load %arg1[%get3A, %get3A_0] : memref<4992x256xf32, #tpu.memory_space<vmem>>, vector<4992x256xf32>
    %get3A_2 = arith.constant 0 : index
    %get3A_3 = arith.constant 0 : index
    %get3A_4 = vector.load %arg4[%get3A_2, %get3A_3] : memref<13x1664xbf16, #tpu.memory_space<vmem>>, vector<13x1664xbf16>
    %get3A_5 = arith.constant 0 : index
    %get3A_6 = arith.constant 0 : index
    %get3A_7 = vector.load %arg3[%get3A_5, %get3A_6] : memref<1x1664xf32, #tpu.memory_space<vmem>>, vector<1x1664xf32>
    %broadcast_in_dim3A = vector.shape_cast %get3A_7 : vector<1x1664xf32> to vector<1x1664xf32>
    %broadcast_in_dim3A_8 = vector.broadcast %broadcast_in_dim3A : vector<1x1664xf32> to vector<13x1664xf32>
    %convert_element_type3A = arith.truncf %broadcast_in_dim3A_8 : vector<13x1664xf32> to vector<13x1664xbf16>
    %mul3A = arith.mulf %get3A_4, %convert_element_type3A : vector<13x1664xbf16>
    %slice3A = vector.extract_strided_slice %get3A_1 {offsets = [0, 0], sizes = [1664, 256], strides = [1, 1]} : vector<4992x256xf32> to vector<1664x256xf32>
    %convert_element_type3A_9 = arith.truncf %slice3A : vector<1664x256xf32> to vector<1664x256xbf16>
    %dot_general3A = arith.constant dense<0.000000e+00> : vector<13x256xf32>
    %dot_general3A_10 = tpu.matmul %mul3A, %convert_element_type3A_9, %dot_general3A {dimension_numbers = #tpu.dot_dimension_numbers<[1], [0], [0], [1], [0, 0, 1, 1], [], []>, transpose_lhs_hint = false} : vector<13x1664xbf16>, vector<1664x256xbf16>, vector<13x256xf32> -> vector<13x256xf32>
    %mul3A_11 = arith.constant 1.638400e+04 : f32
    %mul3A_12 = vector.broadcast %mul3A_11 : f32 to vector<13x256xf32>
    %mul3A_13 = arith.mulf %dot_general3A_10, %mul3A_12 : vector<13x256xf32>
    %jit3A = arith.constant -4.400000e+02 : f32
    %jit3A_14 = arith.constant 4.400000e+02 : f32
    %max3A = vector.broadcast %jit3A : f32 to vector<13x256xf32>
    %max3A_15 = arith.maximumf %max3A, %mul3A_13 : vector<13x256xf32>
    %min3A = vector.broadcast %jit3A_14 : f32 to vector<13x256xf32>
    %min3A_16 = arith.minimumf %min3A, %max3A_15 : vector<13x256xf32>
    %convert_element_type3A_17 = arith.truncf %min3A_16 : vector<13x256xf32> to vector<13x256xf8E4M3FN>
    %swap3A = arith.constant 0 : index
    %swap3A_18 = arith.constant 0 : index
    %swap3A_19 = vector.load %arg5[%swap3A, %swap3A_18] : memref<3456x256xf8E4M3FN, #tpu.memory_space<vmem>>, vector<13x256xf8E4M3FN>
    tpu.vector_store %arg5[%swap3A, %swap3A_18], %convert_element_type3A_17 {strides = array<i32>} : memref<3456x256xf8E4M3FN, #tpu.memory_space<vmem>>, vector<13x256xf8E4M3FN>,
    %broadcast_in_dim3A_20 = arith.constant 0.000000e+00 : f8E4M3FN
    %broadcast_in_dim3A_21 = vector.broadcast %broadcast_in_dim3A_20 : f8E4M3FN to vector<115x256xf8E4M3FN>
    %swap3A_22 = arith.constant 13 : index
    %swap3A_23 = arith.constant 0 : index
    %swap3A_24 = vector.load %arg5[%swap3A_22, %swap3A_23] : memref<3456x256xf8E4M3FN, #tpu.memory_space<vmem>>, vector<115x256xf8E4M3FN>
    tpu.vector_store %arg5[%swap3A_22, %swap3A_23], %broadcast_in_dim3A_21 {strides = array<i32>} : memref<3456x256xf8E4M3FN, #tpu.memory_space<vmem>>, vector<115x256xf8E4M3FN>,
    %slice3A_25 = vector.extract_strided_slice %get3A_1 {offsets = [1664, 0], sizes = [3328, 256], strides = [1, 1]} : vector<4992x256xf32> to vector<3328x256xf32>
    %mul3A_26 = arith.constant 6.400000e+01 : f32
    %mul3A_27 = vector.broadcast %mul3A_26 : f32 to vector<3328x256xf32>
    %mul3A_28 = arith.mulf %slice3A_25, %mul3A_27 : vector<3328x256xf32>
    %convert_element_type3A_29 = arith.truncf %mul3A_28 : vector<3328x256xf32> to vector<3328x256xf8E4M3FN>
    %swap3A_30 = arith.constant 128 : index
    %swap3A_31 = arith.constant 0 : index
    %swap3A_32 = vector.load %arg5[%swap3A_30, %swap3A_31] : memref<3456x256xf8E4M3FN, #tpu.memory_space<vmem>>, vector<3328x256xf8E4M3FN>
    tpu.vector_store %arg5[%swap3A_30, %swap3A_31], %convert_element_type3A_29 {strides = array<i32>} : memref<3456x256xf8E4M3FN, #tpu.memory_space<vmem>>, vector<3328x256xf8E4M3FN>,
    %get3A_33 = arith.constant 0 : index
    %get3A_34 = arith.constant 0 : index
    %get3A_35 = vector.load %arg2[%get3A_33, %get3A_34] : memref<2048x128xf32, #tpu.memory_space<vmem>>, vector<2048x128xf32>
    %mul3A_36 = arith.constant 6.400000e+01 : f32
    %mul3A_37 = vector.broadcast %mul3A_36 : f32 to vector<2048x128xf32>
    %mul3A_38 = arith.mulf %get3A_35, %mul3A_37 : vector<2048x128xf32>
    %convert_element_type3A_39 = arith.truncf %mul3A_38 : vector<2048x128xf32> to vector<2048x128xf8E4M3FN>
    %swap3A_40 = arith.constant 0 : index
    %swap3A_41 = arith.constant 0 : index
    %swap3A_42 = vector.load %arg6[%swap3A_40, %swap3A_41] : memref<2048x128xf8E4M3FN, #tpu.memory_space<vmem>>, vector<2048x128xf8E4M3FN>
    tpu.vector_store %arg6[%swap3A_40, %swap3A_41], %convert_element_type3A_39 {strides = array<i32>} : memref<2048x128xf8E4M3FN, #tpu.memory_space<vmem>>, vector<2048x128xf8E4M3FN>,
    return
  }
  func.func @transform_0(%arg0: i32) -> (i32, i32) {
    %c0_i32 = arith.constant 0 : i32
    %c0_i32_0 = arith.constant 0 : i32
    return %c0_i32, %arg0 : i32, i32
  }
  func.func @transform_1(%arg0: i32) -> (i32, i32) {
    %c0_i32 = arith.constant 0 : i32
    %c0_i32_0 = arith.constant 0 : i32
    return %c0_i32, %arg0 : i32, i32
  }
  func.func @transform_2(%arg0: i32) -> (i32, i32) {
    %c0_i32 = arith.constant 0 : i32
    %c0_i32_0 = arith.constant 0 : i32
    %c0_i32_1 = arith.constant 0 : i32
    return %c0_i32, %c0_i32_0 : i32, i32
  }
  func.func @transform_3(%arg0: i32) -> (i32, i32) {
    %c0_i32 = arith.constant 0 : i32
    %c0_i32_0 = arith.constant 0 : i32
    %c0_i32_1 = arith.constant 0 : i32
    return %c0_i32, %c0_i32_0 : i32, i32
  }
  func.func @transform_4(%arg0: i32) -> (i32, i32) {
    %c0_i32 = arith.constant 0 : i32
    %c0_i32_0 = arith.constant 0 : i32
    return %c0_i32, %arg0 : i32, i32
  }
  func.func @transform_5(%arg0: i32) -> (i32, i32) {
    %c0_i32 = arith.constant 0 : i32
    %c0_i32_0 = arith.constant 0 : i32
    return %c0_i32, %arg0 : i32, i32
  }
}

module attributes {stable_mosaic.version = 14 : i64} {
  func.func @body(%arg0: i32, %arg1: memref<1024x3328xf32, #tpu.memory_space<hbm>>, %arg2: memref<1024x3328xf32, #tpu.memory_space<hbm>>, %arg3: memref<1024x39xi32, #tpu.memory_space<vmem>>, %arg4: memref<1024x39xf32, #tpu.memory_space<vmem>>, %arg5: memref<1x1664xf32, #tpu.memory_space<vmem>>, %arg6: memref<1x1664xf32, #tpu.memory_space<vmem>>, %arg7: memref<39x4992xbf16, #tpu.memory_space<vmem>>, %arg8: memref<1024x1xf32, #tpu.memory_space<vmem>>, %arg9: memref<3456x1024xf8E4M3FN, #tpu.memory_space<vmem>>, %arg10: memref<2048x1024xf8E4M3FN, #tpu.memory_space<vmem>>, %arg11: memref<1024x1xf32, #tpu.memory_space<vmem>>, %arg12: memref<1024x3456xf8E4M3FN, #tpu.memory_space<vmem>>, %arg13: memref<1024x2048xf8E4M3FN, #tpu.memory_space<vmem>>, %arg14: memref<1024x1xf32, #tpu.memory_space<vmem>>, %arg15: memref<256x3328xf32, #tpu.memory_space<vmem>>, %arg16: memref<256x3328xf32, #tpu.memory_space<vmem>>, %arg17: memref<!tpu.dma_semaphore, #tpu.memory_space<semaphore_mem>>, %arg18: memref<!tpu.dma_semaphore, #tpu.memory_space<semaphore_mem>>) attributes {dimension_semantics = [#tpu.dimension_semantics<arbitrary>], iteration_bounds = array<i64: 2>, scalar_prefetch = 0 : i64, scratch_operands = 7 : i64, tpu.core_type = #tpu.core_type<tc>, window_params = [{}, {}, {pipeline_mode = #tpu.pipeline_mode<synchronous>, transform_indices = @transform_2, window_bounds = array<i64: 1024, 39>}, {pipeline_mode = #tpu.pipeline_mode<synchronous>, transform_indices = @transform_3, window_bounds = array<i64: 1024, 39>}, {pipeline_mode = #tpu.pipeline_mode<synchronous>, transform_indices = @transform_4, window_bounds = array<i64: 1, 1664>}, {pipeline_mode = #tpu.pipeline_mode<synchronous>, transform_indices = @transform_5, window_bounds = array<i64: 1, 1664>}, {pipeline_mode = #tpu.pipeline_mode<synchronous>, transform_indices = @transform_6, window_bounds = array<i64: 39, 4992>}, {pipeline_mode = #tpu.pipeline_mode<synchronous>, transform_indices = @transform_7, window_bounds = array<i64: 1024, 1>}, {transform_indices = @transform_8, window_bounds = array<i64: 3456, 1024>}, {pipeline_mode = #tpu.pipeline_mode<synchronous>, transform_indices = @transform_9, window_bounds = array<i64: 2048, 1024>}, {pipeline_mode = #tpu.pipeline_mode<synchronous>, transform_indices = @transform_10, window_bounds = array<i64: 1024, 1>}]} {
    %eq3A = arith.constant 0 : i32
    %eq3A_0 = arith.cmpi eq, %arg0, %eq3A : i32
    %convert_element_type3A = arith.extui %eq3A_0 : i1 to i32
    %cond3A = arith.constant 0 : i32
    %cond3A_1 = arith.cmpi ne, %convert_element_type3A, %cond3A : i32
    scf.if %cond3A_1 {
      %get3A_40 = arith.constant 0 : index
      %get3A_41 = arith.constant 0 : index
      %get3A_42 = vector.load %arg7[%get3A_40, %get3A_41] : memref<39x4992xbf16, #tpu.memory_space<vmem>>, vector<39x4992xbf16>
      %dma_start3A = arith.constant 0 : i32
      %dma_start3A_43 = arith.constant 0 : i32
      %dma_start3A_44 = tpu.memref_slice %arg1[%dma_start3A, %dma_start3A_43] : memref<1024x3328xf32, #tpu.memory_space<hbm>> -> memref<256x3328xf32, #tpu.memory_space<hbm>>
      tpu.enqueue_dma source(%dma_start3A_44 : memref<256x3328xf32, #tpu.memory_space<hbm>>) target(%arg15 : memref<256x3328xf32, #tpu.memory_space<vmem>>) target_semaphore(%arg17 : memref<!tpu.dma_semaphore, #tpu.memory_space<semaphore_mem>>)
      %dma_start3A_45 = arith.constant 0 : i32
      %dma_start3A_46 = arith.constant 0 : i32
      %dma_start3A_47 = tpu.memref_slice %arg2[%dma_start3A_45, %dma_start3A_46] : memref<1024x3328xf32, #tpu.memory_space<hbm>> -> memref<256x3328xf32, #tpu.memory_space<hbm>>
      tpu.enqueue_dma source(%dma_start3A_47 : memref<256x3328xf32, #tpu.memory_space<hbm>>) target(%arg16 : memref<256x3328xf32, #tpu.memory_space<vmem>>) target_semaphore(%arg18 : memref<!tpu.dma_semaphore, #tpu.memory_space<semaphore_mem>>)
      %get3A_48 = arith.constant 0 : index
      %get3A_49 = arith.constant 0 : index
      %get3A_50 = vector.load %arg3[%get3A_48, %get3A_49] : memref<1024x39xi32, #tpu.memory_space<vmem>>, vector<256x13xi32>
      %convert_element_type3A_51 = arith.sitofp %get3A_50 : vector<256x13xi32> to vector<256x13xf32>
      %get3A_52 = arith.constant 0 : index
      %get3A_53 = arith.constant 0 : index
      %get3A_54 = vector.load %arg4[%get3A_52, %get3A_53] : memref<1024x39xf32, #tpu.memory_space<vmem>>, vector<256x39xf32>
      %slice3A = vector.extract_strided_slice %get3A_54 {offsets = [0, 0], sizes = [256, 13], strides = [1, 1]} : vector<256x39xf32> to vector<256x13xf32>
      %mul3A_55 = arith.mulf %convert_element_type3A_51, %slice3A : vector<256x13xf32>
      %slice3A_56 = vector.extract_strided_slice %get3A_54 {offsets = [0, 13], sizes = [256, 26], strides = [1, 1]} : vector<256x39xf32> to vector<256x26xf32>
      %concatenate3A = tpu.concatenate %mul3A_55, %slice3A_56 in 1 : vector<256x13xf32>, vector<256x26xf32> -> vector<256x39xf32>
      %convert_element_type3A_57 = arith.truncf %concatenate3A : vector<256x39xf32> to vector<256x39xbf16>
      %convert_element_type3A_58 = arith.extf %convert_element_type3A_57 : vector<256x39xbf16> to vector<256x39xf32>
      %sub3A_59 = arith.subf %concatenate3A, %convert_element_type3A_58 : vector<256x39xf32>
      %convert_element_type3A_60 = arith.truncf %sub3A_59 : vector<256x39xf32> to vector<256x39xbf16>
      %dot_general3A_61 = arith.constant dense<0.000000e+00> : vector<256x4992xf32>
      %dot_general3A_62 = tpu.matmul %convert_element_type3A_57, %get3A_42, %dot_general3A_61 {dimension_numbers = #tpu.dot_dimension_numbers<[1], [0], [0], [1], [0, 0, 1, 1], [], []>, transpose_lhs_hint = false} : vector<256x39xbf16>, vector<39x4992xbf16>, vector<256x4992xf32> -> vector<256x4992xf32>
      %dot_general3A_63 = arith.constant dense<0.000000e+00> : vector<256x4992xf32>
      %dot_general3A_64 = tpu.matmul %convert_element_type3A_60, %get3A_42, %dot_general3A_63 {dimension_numbers = #tpu.dot_dimension_numbers<[1], [0], [0], [1], [0, 0, 1, 1], [], []>, transpose_lhs_hint = false} : vector<256x39xbf16>, vector<39x4992xbf16>, vector<256x4992xf32> -> vector<256x4992xf32>
      %add3A_65 = arith.addf %dot_general3A_62, %dot_general3A_64 : vector<256x4992xf32>
      %mul3A_66 = arith.constant 2.500000e-01 : f32
      %mul3A_67 = vector.broadcast %mul3A_66 : f32 to vector<256x13xf32>
      %mul3A_68 = arith.mulf %mul3A_55, %mul3A_67 : vector<256x13xf32>
      %convert_element_type3A_69 = arith.truncf %mul3A_68 : vector<256x13xf32> to vector<256x13xf8E4M3FN>
      %swap3A_70 = arith.constant 0 : index
      %swap3A_71 = arith.constant 0 : index
      %swap3A_72 = vector.load %arg12[%swap3A_70, %swap3A_71] : memref<1024x3456xf8E4M3FN, #tpu.memory_space<vmem>>, vector<256x13xf8E4M3FN>
      tpu.vector_store %arg12[%swap3A_70, %swap3A_71], %convert_element_type3A_69 {strides = array<i32>} : memref<1024x3456xf8E4M3FN, #tpu.memory_space<vmem>>, vector<256x13xf8E4M3FN>,
      %broadcast_in_dim3A_73 = arith.constant 0.000000e+00 : f8E4M3FN
      %broadcast_in_dim3A_74 = vector.broadcast %broadcast_in_dim3A_73 : f8E4M3FN to vector<256x115xf8E4M3FN>
      %swap3A_75 = arith.constant 0 : index
      %swap3A_76 = arith.constant 13 : index
      %swap3A_77 = vector.load %arg12[%swap3A_75, %swap3A_76] : memref<1024x3456xf8E4M3FN, #tpu.memory_space<vmem>>, vector<256x115xf8E4M3FN>
      tpu.vector_store %arg12[%swap3A_75, %swap3A_76], %broadcast_in_dim3A_74 {strides = array<i32>} : memref<1024x3456xf8E4M3FN, #tpu.memory_space<vmem>>, vector<256x115xf8E4M3FN>,
      %slice3A_78 = vector.extract_strided_slice %add3A_65 {offsets = [0, 0], sizes = [256, 1664], strides = [1, 1]} : vector<256x4992xf32> to vector<256x1664xf32>
      %get3A_79 = arith.constant 0 : index
      %get3A_80 = arith.constant 0 : index
      %get3A_81 = vector.load %arg6[%get3A_79, %get3A_80] : memref<1x1664xf32, #tpu.memory_space<vmem>>, vector<1x1664xf32>
      %mul3A_82 = vector.broadcast %get3A_81 : vector<1x1664xf32> to vector<256x1664xf32>
      %mul3A_83 = arith.mulf %slice3A_78, %mul3A_82 : vector<256x1664xf32>
      %dma_wait3A = arith.constant 0 : i32
      %dma_wait3A_84 = arith.constant 0 : i32
      %dma_wait3A_85 = tpu.memref_slice %arg2[%dma_wait3A, %dma_wait3A_84] : memref<1024x3328xf32, #tpu.memory_space<hbm>> -> memref<256x3328xf32, #tpu.memory_space<hbm>>
      tpu.wait_dma2 semaphore(%arg18 : memref<!tpu.dma_semaphore, #tpu.memory_space<semaphore_mem>>) src(%dma_wait3A_85 : memref<256x3328xf32, #tpu.memory_space<hbm>>) dst(%arg16 : memref<256x3328xf32, #tpu.memory_space<vmem>>)
      %get3A_86 = arith.constant 0 : index
      %get3A_87 = arith.constant 0 : index
      %get3A_88 = vector.load %arg16[%get3A_86, %get3A_87] : memref<256x3328xf32, #tpu.memory_space<vmem>>, vector<256x3328xf32>
      %slice3A_89 = vector.extract_strided_slice %add3A_65 {offsets = [0, 1664], sizes = [256, 3328], strides = [1, 1]} : vector<256x4992xf32> to vector<256x3328xf32>
      %mul3A_90 = arith.mulf %get3A_88, %slice3A_89 : vector<256x3328xf32>
      %mul3A_91 = arith.constant 6.400000e+01 : f32
      %mul3A_92 = vector.broadcast %mul3A_91 : f32 to vector<256x3328xf32>
      %mul3A_93 = arith.mulf %mul3A_90, %mul3A_92 : vector<256x3328xf32>
      %convert_element_type3A_94 = arith.truncf %mul3A_93 : vector<256x3328xf32> to vector<256x3328xf8E4M3FN>
      %swap3A_95 = arith.constant 0 : index
      %swap3A_96 = arith.constant 128 : index
      %swap3A_97 = vector.load %arg12[%swap3A_95, %swap3A_96] : memref<1024x3456xf8E4M3FN, #tpu.memory_space<vmem>>, vector<256x3328xf8E4M3FN>
      tpu.vector_store %arg12[%swap3A_95, %swap3A_96], %convert_element_type3A_94 {strides = array<i32>} : memref<1024x3456xf8E4M3FN, #tpu.memory_space<vmem>>, vector<256x3328xf8E4M3FN>,
      %broadcast_in_dim3A_98 = arith.constant 0.000000e+00 : f32
      %broadcast_in_dim3A_99 = vector.broadcast %broadcast_in_dim3A_98 : f32 to vector<256x128xf32>
      %broadcast_in_dim3A_100 = arith.constant 0.000000e+00 : f32
      %broadcast_in_dim3A_101 = vector.broadcast %broadcast_in_dim3A_100 : f32 to vector<256x128xf32>
      %slice3A_102 = vector.extract_strided_slice %mul3A_83 {offsets = [0, 0], sizes = [256, 128], strides = [1, 1]} : vector<256x1664xf32> to vector<256x128xf32>
      %add3A_103 = arith.addf %broadcast_in_dim3A_99, %slice3A_102 : vector<256x128xf32>
      %mul3A_104 = arith.mulf %slice3A_102, %slice3A_102 : vector<256x128xf32>
      %add3A_105 = arith.addf %broadcast_in_dim3A_101, %mul3A_104 : vector<256x128xf32>
      %slice3A_106 = vector.extract_strided_slice %mul3A_83 {offsets = [0, 128], sizes = [256, 128], strides = [1, 1]} : vector<256x1664xf32> to vector<256x128xf32>
      %add3A_107 = arith.addf %add3A_103, %slice3A_106 : vector<256x128xf32>
      %mul3A_108 = arith.mulf %slice3A_106, %slice3A_106 : vector<256x128xf32>
      %add3A_109 = arith.addf %add3A_105, %mul3A_108 : vector<256x128xf32>
      %slice3A_110 = vector.extract_strided_slice %mul3A_83 {offsets = [0, 256], sizes = [256, 128], strides = [1, 1]} : vector<256x1664xf32> to vector<256x128xf32>
      %add3A_111 = arith.addf %add3A_107, %slice3A_110 : vector<256x128xf32>
      %mul3A_112 = arith.mulf %slice3A_110, %slice3A_110 : vector<256x128xf32>
      %add3A_113 = arith.addf %add3A_109, %mul3A_112 : vector<256x128xf32>
      %slice3A_114 = vector.extract_strided_slice %mul3A_83 {offsets = [0, 384], sizes = [256, 128], strides = [1, 1]} : vector<256x1664xf32> to vector<256x128xf32>
      %add3A_115 = arith.addf %add3A_111, %slice3A_114 : vector<256x128xf32>
      %mul3A_116 = arith.mulf %slice3A_114, %slice3A_114 : vector<256x128xf32>
      %add3A_117 = arith.addf %add3A_113, %mul3A_116 : vector<256x128xf32>
      %slice3A_118 = vector.extract_strided_slice %mul3A_83 {offsets = [0, 512], sizes = [256, 128], strides = [1, 1]} : vector<256x1664xf32> to vector<256x128xf32>
      %add3A_119 = arith.addf %add3A_115, %slice3A_118 : vector<256x128xf32>
      %mul3A_120 = arith.mulf %slice3A_118, %slice3A_118 : vector<256x128xf32>
      %add3A_121 = arith.addf %add3A_117, %mul3A_120 : vector<256x128xf32>
      %slice3A_122 = vector.extract_strided_slice %mul3A_83 {offsets = [0, 640], sizes = [256, 128], strides = [1, 1]} : vector<256x1664xf32> to vector<256x128xf32>
      %add3A_123 = arith.addf %add3A_119, %slice3A_122 : vector<256x128xf32>
      %mul3A_124 = arith.mulf %slice3A_122, %slice3A_122 : vector<256x128xf32>
      %add3A_125 = arith.addf %add3A_121, %mul3A_124 : vector<256x128xf32>
      %slice3A_126 = vector.extract_strided_slice %mul3A_83 {offsets = [0, 768], sizes = [256, 128], strides = [1, 1]} : vector<256x1664xf32> to vector<256x128xf32>
      %add3A_127 = arith.addf %add3A_123, %slice3A_126 : vector<256x128xf32>
      %mul3A_128 = arith.mulf %slice3A_126, %slice3A_126 : vector<256x128xf32>
      %add3A_129 = arith.addf %add3A_125, %mul3A_128 : vector<256x128xf32>
      %slice3A_130 = vector.extract_strided_slice %mul3A_83 {offsets = [0, 896], sizes = [256, 128], strides = [1, 1]} : vector<256x1664xf32> to vector<256x128xf32>
      %add3A_131 = arith.addf %add3A_127, %slice3A_130 : vector<256x128xf32>
      %mul3A_132 = arith.mulf %slice3A_130, %slice3A_130 : vector<256x128xf32>
      %add3A_133 = arith.addf %add3A_129, %mul3A_132 : vector<256x128xf32>
      %slice3A_134 = vector.extract_strided_slice %mul3A_83 {offsets = [0, 1024], sizes = [256, 128], strides = [1, 1]} : vector<256x1664xf32> to vector<256x128xf32>
      %add3A_135 = arith.addf %add3A_131, %slice3A_134 : vector<256x128xf32>
      %mul3A_136 = arith.mulf %slice3A_134, %slice3A_134 : vector<256x128xf32>
      %add3A_137 = arith.addf %add3A_133, %mul3A_136 : vector<256x128xf32>
      %slice3A_138 = vector.extract_strided_slice %mul3A_83 {offsets = [0, 1152], sizes = [256, 128], strides = [1, 1]} : vector<256x1664xf32> to vector<256x128xf32>
      %add3A_139 = arith.addf %add3A_135, %slice3A_138 : vector<256x128xf32>
      %mul3A_140 = arith.mulf %slice3A_138, %slice3A_138 : vector<256x128xf32>
      %add3A_141 = arith.addf %add3A_137, %mul3A_140 : vector<256x128xf32>
      %slice3A_142 = vector.extract_strided_slice %mul3A_83 {offsets = [0, 1280], sizes = [256, 128], strides = [1, 1]} : vector<256x1664xf32> to vector<256x128xf32>
      %add3A_143 = arith.addf %add3A_139, %slice3A_142 : vector<256x128xf32>
      %mul3A_144 = arith.mulf %slice3A_142, %slice3A_142 : vector<256x128xf32>
      %add3A_145 = arith.addf %add3A_141, %mul3A_144 : vector<256x128xf32>
      %slice3A_146 = vector.extract_strided_slice %mul3A_83 {offsets = [0, 1408], sizes = [256, 128], strides = [1, 1]} : vector<256x1664xf32> to vector<256x128xf32>
      %add3A_147 = arith.addf %add3A_143, %slice3A_146 : vector<256x128xf32>
      %mul3A_148 = arith.mulf %slice3A_146, %slice3A_146 : vector<256x128xf32>
      %add3A_149 = arith.addf %add3A_145, %mul3A_148 : vector<256x128xf32>
      %slice3A_150 = vector.extract_strided_slice %mul3A_83 {offsets = [0, 1536], sizes = [256, 128], strides = [1, 1]} : vector<256x1664xf32> to vector<256x128xf32>
      %add3A_151 = arith.addf %add3A_147, %slice3A_150 : vector<256x128xf32>
      %mul3A_152 = arith.mulf %slice3A_150, %slice3A_150 : vector<256x128xf32>
      %add3A_153 = arith.addf %add3A_149, %mul3A_152 : vector<256x128xf32>
      %slice3A_154 = vector.extract_strided_slice %mul3A_90 {offsets = [0, 0], sizes = [256, 128], strides = [1, 1]} : vector<256x3328xf32> to vector<256x128xf32>
      %add3A_155 = arith.addf %add3A_151, %slice3A_154 : vector<256x128xf32>
      %mul3A_156 = arith.mulf %slice3A_154, %slice3A_154 : vector<256x128xf32>
      %add3A_157 = arith.addf %add3A_153, %mul3A_156 : vector<256x128xf32>
      %slice3A_158 = vector.extract_strided_slice %mul3A_90 {offsets = [0, 128], sizes = [256, 128], strides = [1, 1]} : vector<256x3328xf32> to vector<256x128xf32>
      %add3A_159 = arith.addf %add3A_155, %slice3A_158 : vector<256x128xf32>
      %mul3A_160 = arith.mulf %slice3A_158, %slice3A_158 : vector<256x128xf32>
      %add3A_161 = arith.addf %add3A_157, %mul3A_160 : vector<256x128xf32>
      %slice3A_162 = vector.extract_strided_slice %mul3A_90 {offsets = [0, 256], sizes = [256, 128], strides = [1, 1]} : vector<256x3328xf32> to vector<256x128xf32>
      %add3A_163 = arith.addf %add3A_159, %slice3A_162 : vector<256x128xf32>
      %mul3A_164 = arith.mulf %slice3A_162, %slice3A_162 : vector<256x128xf32>
      %add3A_165 = arith.addf %add3A_161, %mul3A_164 : vector<256x128xf32>
      %slice3A_166 = vector.extract_strided_slice %mul3A_90 {offsets = [0, 384], sizes = [256, 128], strides = [1, 1]} : vector<256x3328xf32> to vector<256x128xf32>
      %add3A_167 = arith.addf %add3A_163, %slice3A_166 : vector<256x128xf32>
      %mul3A_168 = arith.mulf %slice3A_166, %slice3A_166 : vector<256x128xf32>
      %add3A_169 = arith.addf %add3A_165, %mul3A_168 : vector<256x128xf32>
      %slice3A_170 = vector.extract_strided_slice %mul3A_90 {offsets = [0, 512], sizes = [256, 128], strides = [1, 1]} : vector<256x3328xf32> to vector<256x128xf32>
      %add3A_171 = arith.addf %add3A_167, %slice3A_170 : vector<256x128xf32>
      %mul3A_172 = arith.mulf %slice3A_170, %slice3A_170 : vector<256x128xf32>
      %add3A_173 = arith.addf %add3A_169, %mul3A_172 : vector<256x128xf32>
      %slice3A_174 = vector.extract_strided_slice %mul3A_90 {offsets = [0, 640], sizes = [256, 128], strides = [1, 1]} : vector<256x3328xf32> to vector<256x128xf32>
      %add3A_175 = arith.addf %add3A_171, %slice3A_174 : vector<256x128xf32>
      %mul3A_176 = arith.mulf %slice3A_174, %slice3A_174 : vector<256x128xf32>
      %add3A_177 = arith.addf %add3A_173, %mul3A_176 : vector<256x128xf32>
      %slice3A_178 = vector.extract_strided_slice %mul3A_90 {offsets = [0, 768], sizes = [256, 128], strides = [1, 1]} : vector<256x3328xf32> to vector<256x128xf32>
      %add3A_179 = arith.addf %add3A_175, %slice3A_178 : vector<256x128xf32>
      %mul3A_180 = arith.mulf %slice3A_178, %slice3A_178 : vector<256x128xf32>
      %add3A_181 = arith.addf %add3A_177, %mul3A_180 : vector<256x128xf32>
      %slice3A_182 = vector.extract_strided_slice %mul3A_90 {offsets = [0, 896], sizes = [256, 128], strides = [1, 1]} : vector<256x3328xf32> to vector<256x128xf32>
      %add3A_183 = arith.addf %add3A_179, %slice3A_182 : vector<256x128xf32>
      %mul3A_184 = arith.mulf %slice3A_182, %slice3A_182 : vector<256x128xf32>
      %add3A_185 = arith.addf %add3A_181, %mul3A_184 : vector<256x128xf32>
      %slice3A_186 = vector.extract_strided_slice %mul3A_90 {offsets = [0, 1024], sizes = [256, 128], strides = [1, 1]} : vector<256x3328xf32> to vector<256x128xf32>
      %add3A_187 = arith.addf %add3A_183, %slice3A_186 : vector<256x128xf32>
      %mul3A_188 = arith.mulf %slice3A_186, %slice3A_186 : vector<256x128xf32>
      %add3A_189 = arith.addf %add3A_185, %mul3A_188 : vector<256x128xf32>
      %slice3A_190 = vector.extract_strided_slice %mul3A_90 {offsets = [0, 1152], sizes = [256, 128], strides = [1, 1]} : vector<256x3328xf32> to vector<256x128xf32>
      %add3A_191 = arith.addf %add3A_187, %slice3A_190 : vector<256x128xf32>
      %mul3A_192 = arith.mulf %slice3A_190, %slice3A_190 : vector<256x128xf32>
      %add3A_193 = arith.addf %add3A_189, %mul3A_192 : vector<256x128xf32>
      %slice3A_194 = vector.extract_strided_slice %mul3A_90 {offsets = [0, 1280], sizes = [256, 128], strides = [1, 1]} : vector<256x3328xf32> to vector<256x128xf32>
      %add3A_195 = arith.addf %add3A_191, %slice3A_194 : vector<256x128xf32>
      %mul3A_196 = arith.mulf %slice3A_194, %slice3A_194 : vector<256x128xf32>
      %add3A_197 = arith.addf %add3A_193, %mul3A_196 : vector<256x128xf32>
      %slice3A_198 = vector.extract_strided_slice %mul3A_90 {offsets = [0, 1408], sizes = [256, 128], strides = [1, 1]} : vector<256x3328xf32> to vector<256x128xf32>
      %add3A_199 = arith.addf %add3A_195, %slice3A_198 : vector<256x128xf32>
      %mul3A_200 = arith.mulf %slice3A_198, %slice3A_198 : vector<256x128xf32>
      %add3A_201 = arith.addf %add3A_197, %mul3A_200 : vector<256x128xf32>
      %slice3A_202 = vector.extract_strided_slice %mul3A_90 {offsets = [0, 1536], sizes = [256, 128], strides = [1, 1]} : vector<256x3328xf32> to vector<256x128xf32>
      %add3A_203 = arith.addf %add3A_199, %slice3A_202 : vector<256x128xf32>
      %mul3A_204 = arith.mulf %slice3A_202, %slice3A_202 : vector<256x128xf32>
      %add3A_205 = arith.addf %add3A_201, %mul3A_204 : vector<256x128xf32>
      %slice3A_206 = vector.extract_strided_slice %mul3A_90 {offsets = [0, 1664], sizes = [256, 128], strides = [1, 1]} : vector<256x3328xf32> to vector<256x128xf32>
      %add3A_207 = arith.addf %add3A_203, %slice3A_206 : vector<256x128xf32>
      %mul3A_208 = arith.mulf %slice3A_206, %slice3A_206 : vector<256x128xf32>
      %add3A_209 = arith.addf %add3A_205, %mul3A_208 : vector<256x128xf32>
      %slice3A_210 = vector.extract_strided_slice %mul3A_90 {offsets = [0, 1792], sizes = [256, 128], strides = [1, 1]} : vector<256x3328xf32> to vector<256x128xf32>
      %add3A_211 = arith.addf %add3A_207, %slice3A_210 : vector<256x128xf32>
      %mul3A_212 = arith.mulf %slice3A_210, %slice3A_210 : vector<256x128xf32>
      %add3A_213 = arith.addf %add3A_209, %mul3A_212 : vector<256x128xf32>
      %slice3A_214 = vector.extract_strided_slice %mul3A_90 {offsets = [0, 1920], sizes = [256, 128], strides = [1, 1]} : vector<256x3328xf32> to vector<256x128xf32>
      %add3A_215 = arith.addf %add3A_211, %slice3A_214 : vector<256x128xf32>
      %mul3A_216 = arith.mulf %slice3A_214, %slice3A_214 : vector<256x128xf32>
      %add3A_217 = arith.addf %add3A_213, %mul3A_216 : vector<256x128xf32>
      %slice3A_218 = vector.extract_strided_slice %mul3A_90 {offsets = [0, 2048], sizes = [256, 128], strides = [1, 1]} : vector<256x3328xf32> to vector<256x128xf32>
      %add3A_219 = arith.addf %add3A_215, %slice3A_218 : vector<256x128xf32>
      %mul3A_220 = arith.mulf %slice3A_218, %slice3A_218 : vector<256x128xf32>
      %add3A_221 = arith.addf %add3A_217, %mul3A_220 : vector<256x128xf32>
      %slice3A_222 = vector.extract_strided_slice %mul3A_90 {offsets = [0, 2176], sizes = [256, 128], strides = [1, 1]} : vector<256x3328xf32> to vector<256x128xf32>
      %add3A_223 = arith.addf %add3A_219, %slice3A_222 : vector<256x128xf32>
      %mul3A_224 = arith.mulf %slice3A_222, %slice3A_222 : vector<256x128xf32>
      %add3A_225 = arith.addf %add3A_221, %mul3A_224 : vector<256x128xf32>
      %slice3A_226 = vector.extract_strided_slice %mul3A_90 {offsets = [0, 2304], sizes = [256, 128], strides = [1, 1]} : vector<256x3328xf32> to vector<256x128xf32>
      %add3A_227 = arith.addf %add3A_223, %slice3A_226 : vector<256x128xf32>
      %mul3A_228 = arith.mulf %slice3A_226, %slice3A_226 : vector<256x128xf32>
      %add3A_229 = arith.addf %add3A_225, %mul3A_228 : vector<256x128xf32>
      %slice3A_230 = vector.extract_strided_slice %mul3A_90 {offsets = [0, 2432], sizes = [256, 128], strides = [1, 1]} : vector<256x3328xf32> to vector<256x128xf32>
      %add3A_231 = arith.addf %add3A_227, %slice3A_230 : vector<256x128xf32>
      %mul3A_232 = arith.mulf %slice3A_230, %slice3A_230 : vector<256x128xf32>
      %add3A_233 = arith.addf %add3A_229, %mul3A_232 : vector<256x128xf32>
      %slice3A_234 = vector.extract_strided_slice %mul3A_90 {offsets = [0, 2560], sizes = [256, 128], strides = [1, 1]} : vector<256x3328xf32> to vector<256x128xf32>
      %add3A_235 = arith.addf %add3A_231, %slice3A_234 : vector<256x128xf32>
      %mul3A_236 = arith.mulf %slice3A_234, %slice3A_234 : vector<256x128xf32>
      %add3A_237 = arith.addf %add3A_233, %mul3A_236 : vector<256x128xf32>
      %slice3A_238 = vector.extract_strided_slice %mul3A_90 {offsets = [0, 2688], sizes = [256, 128], strides = [1, 1]} : vector<256x3328xf32> to vector<256x128xf32>
      %add3A_239 = arith.addf %add3A_235, %slice3A_238 : vector<256x128xf32>
      %mul3A_240 = arith.mulf %slice3A_238, %slice3A_238 : vector<256x128xf32>
      %add3A_241 = arith.addf %add3A_237, %mul3A_240 : vector<256x128xf32>
      %slice3A_242 = vector.extract_strided_slice %mul3A_90 {offsets = [0, 2816], sizes = [256, 128], strides = [1, 1]} : vector<256x3328xf32> to vector<256x128xf32>
      %add3A_243 = arith.addf %add3A_239, %slice3A_242 : vector<256x128xf32>
      %mul3A_244 = arith.mulf %slice3A_242, %slice3A_242 : vector<256x128xf32>
      %add3A_245 = arith.addf %add3A_241, %mul3A_244 : vector<256x128xf32>
      %slice3A_246 = vector.extract_strided_slice %mul3A_90 {offsets = [0, 2944], sizes = [256, 128], strides = [1, 1]} : vector<256x3328xf32> to vector<256x128xf32>
      %add3A_247 = arith.addf %add3A_243, %slice3A_246 : vector<256x128xf32>
      %mul3A_248 = arith.mulf %slice3A_246, %slice3A_246 : vector<256x128xf32>
      %add3A_249 = arith.addf %add3A_245, %mul3A_248 : vector<256x128xf32>
      %slice3A_250 = vector.extract_strided_slice %mul3A_90 {offsets = [0, 3072], sizes = [256, 128], strides = [1, 1]} : vector<256x3328xf32> to vector<256x128xf32>
      %add3A_251 = arith.addf %add3A_247, %slice3A_250 : vector<256x128xf32>
      %mul3A_252 = arith.mulf %slice3A_250, %slice3A_250 : vector<256x128xf32>
      %add3A_253 = arith.addf %add3A_249, %mul3A_252 : vector<256x128xf32>
      %slice3A_254 = vector.extract_strided_slice %mul3A_90 {offsets = [0, 3200], sizes = [256, 128], strides = [1, 1]} : vector<256x3328xf32> to vector<256x128xf32>
      %add3A_255 = arith.addf %add3A_251, %slice3A_254 : vector<256x128xf32>
      %mul3A_256 = arith.mulf %slice3A_254, %slice3A_254 : vector<256x128xf32>
      %add3A_257 = arith.addf %add3A_253, %mul3A_256 : vector<256x128xf32>
      %mul3A_258 = arith.mulf %add3A_255, %add3A_255 : vector<256x128xf32>
      %sub3A_259 = arith.subf %mul3A_258, %add3A_257 : vector<256x128xf32>
      %reduce_sum3A_260 = arith.constant dense<0.000000e+00> : vector<256xf32>
      %reduce_sum3A_261 = vector.multi_reduction <add>, %sub3A_259, %reduce_sum3A_260 [1] : vector<256x128xf32> to vector<256xf32>
      %broadcast_in_dim3A_262 = vector.shape_cast %reduce_sum3A_261 : vector<256xf32> to vector<256x1xf32>
      %mul3A_263 = arith.constant 5.000000e-01 : f32
      %mul3A_264 = vector.broadcast %mul3A_263 : f32 to vector<256x1xf32>
      %mul3A_265 = arith.mulf %mul3A_264, %broadcast_in_dim3A_262 : vector<256x1xf32>
      %slice3A_266 = vector.extract_strided_slice %add3A_65 {offsets = [0, 0], sizes = [256, 1664], strides = [1, 1]} : vector<256x4992xf32> to vector<256x1664xf32>
      %get3A_267 = arith.constant 0 : index
      %get3A_268 = arith.constant 0 : index
      %get3A_269 = vector.load %arg5[%get3A_267, %get3A_268] : memref<1x1664xf32, #tpu.memory_space<vmem>>, vector<1x1664xf32>
      %mul3A_270 = vector.broadcast %get3A_269 : vector<1x1664xf32> to vector<256x1664xf32>
      %mul3A_271 = arith.mulf %slice3A_266, %mul3A_270 : vector<256x1664xf32>
      %reduce_sum3A_272 = arith.constant dense<0.000000e+00> : vector<256xf32>
      %reduce_sum3A_273 = vector.multi_reduction <add>, %mul3A_271, %reduce_sum3A_272 [1] : vector<256x1664xf32> to vector<256xf32>
      %broadcast_in_dim3A_274 = vector.shape_cast %reduce_sum3A_273 : vector<256xf32> to vector<256x1xf32>
      %dma_wait3A_275 = arith.constant 0 : i32
      %dma_wait3A_276 = arith.constant 0 : i32
      %dma_wait3A_277 = tpu.memref_slice %arg1[%dma_wait3A_275, %dma_wait3A_276] : memref<1024x3328xf32, #tpu.memory_space<hbm>> -> memref<256x3328xf32, #tpu.memory_space<hbm>>
      tpu.wait_dma2 semaphore(%arg17 : memref<!tpu.dma_semaphore, #tpu.memory_space<semaphore_mem>>) src(%dma_wait3A_277 : memref<256x3328xf32, #tpu.memory_space<hbm>>) dst(%arg15 : memref<256x3328xf32, #tpu.memory_space<vmem>>)
      %get3A_278 = arith.constant 0 : index
      %get3A_279 = arith.constant 0 : index
      %get3A_280 = vector.load %arg15[%get3A_278, %get3A_279] : memref<256x3328xf32, #tpu.memory_space<vmem>>, vector<256x3328xf32>
      %slice3A_281 = vector.extract_strided_slice %add3A_65 {offsets = [0, 1664], sizes = [256, 3328], strides = [1, 1]} : vector<256x4992xf32> to vector<256x3328xf32>
      %mul3A_282 = arith.mulf %get3A_280, %slice3A_281 : vector<256x3328xf32>
      %reduce_sum3A_283 = arith.constant dense<0.000000e+00> : vector<256xf32>
      %reduce_sum3A_284 = vector.multi_reduction <add>, %mul3A_282, %reduce_sum3A_283 [1] : vector<256x3328xf32> to vector<256xf32>
      %broadcast_in_dim3A_285 = vector.shape_cast %reduce_sum3A_284 : vector<256xf32> to vector<256x1xf32>
      %add3A_286 = arith.addf %broadcast_in_dim3A_274, %broadcast_in_dim3A_285 : vector<256x1xf32>
      %add3A_287 = arith.addf %add3A_286, %mul3A_265 : vector<256x1xf32>
      %get3A_288 = arith.constant 0 : index
      %get3A_289 = arith.constant 0 : index
      %get3A_290 = vector.load %arg8[%get3A_288, %get3A_289] : memref<1024x1xf32, #tpu.memory_space<vmem>>, vector<256x1xf32>
      %add3A_291 = arith.addf %add3A_287, %get3A_290 : vector<256x1xf32>
      %swap3A_292 = arith.constant 0 : index
      %swap3A_293 = arith.constant 0 : index
      %swap3A_294 = vector.load %arg14[%swap3A_292, %swap3A_293] : memref<1024x1xf32, #tpu.memory_space<vmem>>, vector<256x1xf32>
      tpu.vector_store %arg14[%swap3A_292, %swap3A_293], %add3A_291 {strides = array<i32>} : memref<1024x1xf32, #tpu.memory_space<vmem>>, vector<256x1xf32>,
      %dma_start3A_295 = arith.constant 256 : i32
      %dma_start3A_296 = arith.constant 0 : i32
      %dma_start3A_297 = tpu.memref_slice %arg1[%dma_start3A_295, %dma_start3A_296] : memref<1024x3328xf32, #tpu.memory_space<hbm>> -> memref<256x3328xf32, #tpu.memory_space<hbm>>
      tpu.enqueue_dma source(%dma_start3A_297 : memref<256x3328xf32, #tpu.memory_space<hbm>>) target(%arg15 : memref<256x3328xf32, #tpu.memory_space<vmem>>) target_semaphore(%arg17 : memref<!tpu.dma_semaphore, #tpu.memory_space<semaphore_mem>>)
      %dma_start3A_298 = arith.constant 256 : i32
      %dma_start3A_299 = arith.constant 0 : i32
      %dma_start3A_300 = tpu.memref_slice %arg2[%dma_start3A_298, %dma_start3A_299] : memref<1024x3328xf32, #tpu.memory_space<hbm>> -> memref<256x3328xf32, #tpu.memory_space<hbm>>
      tpu.enqueue_dma source(%dma_start3A_300 : memref<256x3328xf32, #tpu.memory_space<hbm>>) target(%arg16 : memref<256x3328xf32, #tpu.memory_space<vmem>>) target_semaphore(%arg18 : memref<!tpu.dma_semaphore, #tpu.memory_space<semaphore_mem>>)
      %get3A_301 = arith.constant 256 : index
      %get3A_302 = arith.constant 0 : index
      %get3A_303 = vector.load %arg3[%get3A_301, %get3A_302] : memref<1024x39xi32, #tpu.memory_space<vmem>>, vector<256x13xi32>
      %convert_element_type3A_304 = arith.sitofp %get3A_303 : vector<256x13xi32> to vector<256x13xf32>
      %get3A_305 = arith.constant 256 : index
      %get3A_306 = arith.constant 0 : index
      %get3A_307 = vector.load %arg4[%get3A_305, %get3A_306] : memref<1024x39xf32, #tpu.memory_space<vmem>>, vector<256x39xf32>
      %slice3A_308 = vector.extract_strided_slice %get3A_307 {offsets = [0, 0], sizes = [256, 13], strides = [1, 1]} : vector<256x39xf32> to vector<256x13xf32>
      %mul3A_309 = arith.mulf %convert_element_type3A_304, %slice3A_308 : vector<256x13xf32>
      %slice3A_310 = vector.extract_strided_slice %get3A_307 {offsets = [0, 13], sizes = [256, 26], strides = [1, 1]} : vector<256x39xf32> to vector<256x26xf32>
      %concatenate3A_311 = tpu.concatenate %mul3A_309, %slice3A_310 in 1 : vector<256x13xf32>, vector<256x26xf32> -> vector<256x39xf32>
      %convert_element_type3A_312 = arith.truncf %concatenate3A_311 : vector<256x39xf32> to vector<256x39xbf16>
      %convert_element_type3A_313 = arith.extf %convert_element_type3A_312 : vector<256x39xbf16> to vector<256x39xf32>
      %sub3A_314 = arith.subf %concatenate3A_311, %convert_element_type3A_313 : vector<256x39xf32>
      %convert_element_type3A_315 = arith.truncf %sub3A_314 : vector<256x39xf32> to vector<256x39xbf16>
      %dot_general3A_316 = arith.constant dense<0.000000e+00> : vector<256x4992xf32>
      %dot_general3A_317 = tpu.matmul %convert_element_type3A_312, %get3A_42, %dot_general3A_316 {dimension_numbers = #tpu.dot_dimension_numbers<[1], [0], [0], [1], [0, 0, 1, 1], [], []>, transpose_lhs_hint = false} : vector<256x39xbf16>, vector<39x4992xbf16>, vector<256x4992xf32> -> vector<256x4992xf32>
      %dot_general3A_318 = arith.constant dense<0.000000e+00> : vector<256x4992xf32>
      %dot_general3A_319 = tpu.matmul %convert_element_type3A_315, %get3A_42, %dot_general3A_318 {dimension_numbers = #tpu.dot_dimension_numbers<[1], [0], [0], [1], [0, 0, 1, 1], [], []>, transpose_lhs_hint = false} : vector<256x39xbf16>, vector<39x4992xbf16>, vector<256x4992xf32> -> vector<256x4992xf32>
      %add3A_320 = arith.addf %dot_general3A_317, %dot_general3A_319 : vector<256x4992xf32>
      %mul3A_321 = arith.constant 2.500000e-01 : f32
      %mul3A_322 = vector.broadcast %mul3A_321 : f32 to vector<256x13xf32>
      %mul3A_323 = arith.mulf %mul3A_309, %mul3A_322 : vector<256x13xf32>
      %convert_element_type3A_324 = arith.truncf %mul3A_323 : vector<256x13xf32> to vector<256x13xf8E4M3FN>
      %swap3A_325 = arith.constant 256 : index
      %swap3A_326 = arith.constant 0 : index
      %swap3A_327 = vector.load %arg12[%swap3A_325, %swap3A_326] : memref<1024x3456xf8E4M3FN, #tpu.memory_space<vmem>>, vector<256x13xf8E4M3FN>
      tpu.vector_store %arg12[%swap3A_325, %swap3A_326], %convert_element_type3A_324 {strides = array<i32>} : memref<1024x3456xf8E4M3FN, #tpu.memory_space<vmem>>, vector<256x13xf8E4M3FN>,
      %broadcast_in_dim3A_328 = arith.constant 0.000000e+00 : f8E4M3FN
      %broadcast_in_dim3A_329 = vector.broadcast %broadcast_in_dim3A_328 : f8E4M3FN to vector<256x115xf8E4M3FN>
      %swap3A_330 = arith.constant 256 : index
      %swap3A_331 = arith.constant 13 : index
      %swap3A_332 = vector.load %arg12[%swap3A_330, %swap3A_331] : memref<1024x3456xf8E4M3FN, #tpu.memory_space<vmem>>, vector<256x115xf8E4M3FN>
      tpu.vector_store %arg12[%swap3A_330, %swap3A_331], %broadcast_in_dim3A_329 {strides = array<i32>} : memref<1024x3456xf8E4M3FN, #tpu.memory_space<vmem>>, vector<256x115xf8E4M3FN>,
      %slice3A_333 = vector.extract_strided_slice %add3A_320 {offsets = [0, 0], sizes = [256, 1664], strides = [1, 1]} : vector<256x4992xf32> to vector<256x1664xf32>
      %get3A_334 = arith.constant 0 : index
      %get3A_335 = arith.constant 0 : index
      %get3A_336 = vector.load %arg6[%get3A_334, %get3A_335] : memref<1x1664xf32, #tpu.memory_space<vmem>>, vector<1x1664xf32>
      %mul3A_337 = vector.broadcast %get3A_336 : vector<1x1664xf32> to vector<256x1664xf32>
      %mul3A_338 = arith.mulf %slice3A_333, %mul3A_337 : vector<256x1664xf32>
      %dma_wait3A_339 = arith.constant 256 : i32
      %dma_wait3A_340 = arith.constant 0 : i32
      %dma_wait3A_341 = tpu.memref_slice %arg2[%dma_wait3A_339, %dma_wait3A_340] : memref<1024x3328xf32, #tpu.memory_space<hbm>> -> memref<256x3328xf32, #tpu.memory_space<hbm>>
      tpu.wait_dma2 semaphore(%arg18 : memref<!tpu.dma_semaphore, #tpu.memory_space<semaphore_mem>>) src(%dma_wait3A_341 : memref<256x3328xf32, #tpu.memory_space<hbm>>) dst(%arg16 : memref<256x3328xf32, #tpu.memory_space<vmem>>)
      %get3A_342 = arith.constant 0 : index
      %get3A_343 = arith.constant 0 : index
      %get3A_344 = vector.load %arg16[%get3A_342, %get3A_343] : memref<256x3328xf32, #tpu.memory_space<vmem>>, vector<256x3328xf32>
      %slice3A_345 = vector.extract_strided_slice %add3A_320 {offsets = [0, 1664], sizes = [256, 3328], strides = [1, 1]} : vector<256x4992xf32> to vector<256x3328xf32>
      %mul3A_346 = arith.mulf %get3A_344, %slice3A_345 : vector<256x3328xf32>
      %mul3A_347 = arith.constant 6.400000e+01 : f32
      %mul3A_348 = vector.broadcast %mul3A_347 : f32 to vector<256x3328xf32>
      %mul3A_349 = arith.mulf %mul3A_346, %mul3A_348 : vector<256x3328xf32>
      %convert_element_type3A_350 = arith.truncf %mul3A_349 : vector<256x3328xf32> to vector<256x3328xf8E4M3FN>
      %swap3A_351 = arith.constant 256 : index
      %swap3A_352 = arith.constant 128 : index
      %swap3A_353 = vector.load %arg12[%swap3A_351, %swap3A_352] : memref<1024x3456xf8E4M3FN, #tpu.memory_space<vmem>>, vector<256x3328xf8E4M3FN>
      tpu.vector_store %arg12[%swap3A_351, %swap3A_352], %convert_element_type3A_350 {strides = array<i32>} : memref<1024x3456xf8E4M3FN, #tpu.memory_space<vmem>>, vector<256x3328xf8E4M3FN>,
      %broadcast_in_dim3A_354 = arith.constant 0.000000e+00 : f32
      %broadcast_in_dim3A_355 = vector.broadcast %broadcast_in_dim3A_354 : f32 to vector<256x128xf32>
      %broadcast_in_dim3A_356 = arith.constant 0.000000e+00 : f32
      %broadcast_in_dim3A_357 = vector.broadcast %broadcast_in_dim3A_356 : f32 to vector<256x128xf32>
      %slice3A_358 = vector.extract_strided_slice %mul3A_338 {offsets = [0, 0], sizes = [256, 128], strides = [1, 1]} : vector<256x1664xf32> to vector<256x128xf32>
      %add3A_359 = arith.addf %broadcast_in_dim3A_355, %slice3A_358 : vector<256x128xf32>
      %mul3A_360 = arith.mulf %slice3A_358, %slice3A_358 : vector<256x128xf32>
      %add3A_361 = arith.addf %broadcast_in_dim3A_357, %mul3A_360 : vector<256x128xf32>
      %slice3A_362 = vector.extract_strided_slice %mul3A_338 {offsets = [0, 128], sizes = [256, 128], strides = [1, 1]} : vector<256x1664xf32> to vector<256x128xf32>
      %add3A_363 = arith.addf %add3A_359, %slice3A_362 : vector<256x128xf32>
      %mul3A_364 = arith.mulf %slice3A_362, %slice3A_362 : vector<256x128xf32>
      %add3A_365 = arith.addf %add3A_361, %mul3A_364 : vector<256x128xf32>
      %slice3A_366 = vector.extract_strided_slice %mul3A_338 {offsets = [0, 256], sizes = [256, 128], strides = [1, 1]} : vector<256x1664xf32> to vector<256x128xf32>
      %add3A_367 = arith.addf %add3A_363, %slice3A_366 : vector<256x128xf32>
      %mul3A_368 = arith.mulf %slice3A_366, %slice3A_366 : vector<256x128xf32>
      %add3A_369 = arith.addf %add3A_365, %mul3A_368 : vector<256x128xf32>
      %slice3A_370 = vector.extract_strided_slice %mul3A_338 {offsets = [0, 384], sizes = [256, 128], strides = [1, 1]} : vector<256x1664xf32> to vector<256x128xf32>
      %add3A_371 = arith.addf %add3A_367, %slice3A_370 : vector<256x128xf32>
      %mul3A_372 = arith.mulf %slice3A_370, %slice3A_370 : vector<256x128xf32>
      %add3A_373 = arith.addf %add3A_369, %mul3A_372 : vector<256x128xf32>
      %slice3A_374 = vector.extract_strided_slice %mul3A_338 {offsets = [0, 512], sizes = [256, 128], strides = [1, 1]} : vector<256x1664xf32> to vector<256x128xf32>
      %add3A_375 = arith.addf %add3A_371, %slice3A_374 : vector<256x128xf32>
      %mul3A_376 = arith.mulf %slice3A_374, %slice3A_374 : vector<256x128xf32>
      %add3A_377 = arith.addf %add3A_373, %mul3A_376 : vector<256x128xf32>
      %slice3A_378 = vector.extract_strided_slice %mul3A_338 {offsets = [0, 640], sizes = [256, 128], strides = [1, 1]} : vector<256x1664xf32> to vector<256x128xf32>
      %add3A_379 = arith.addf %add3A_375, %slice3A_378 : vector<256x128xf32>
      %mul3A_380 = arith.mulf %slice3A_378, %slice3A_378 : vector<256x128xf32>
      %add3A_381 = arith.addf %add3A_377, %mul3A_380 : vector<256x128xf32>
      %slice3A_382 = vector.extract_strided_slice %mul3A_338 {offsets = [0, 768], sizes = [256, 128], strides = [1, 1]} : vector<256x1664xf32> to vector<256x128xf32>
      %add3A_383 = arith.addf %add3A_379, %slice3A_382 : vector<256x128xf32>
      %mul3A_384 = arith.mulf %slice3A_382, %slice3A_382 : vector<256x128xf32>
      %add3A_385 = arith.addf %add3A_381, %mul3A_384 : vector<256x128xf32>
      %slice3A_386 = vector.extract_strided_slice %mul3A_338 {offsets = [0, 896], sizes = [256, 128], strides = [1, 1]} : vector<256x1664xf32> to vector<256x128xf32>
      %add3A_387 = arith.addf %add3A_383, %slice3A_386 : vector<256x128xf32>
      %mul3A_388 = arith.mulf %slice3A_386, %slice3A_386 : vector<256x128xf32>
      %add3A_389 = arith.addf %add3A_385, %mul3A_388 : vector<256x128xf32>
      %slice3A_390 = vector.extract_strided_slice %mul3A_338 {offsets = [0, 1024], sizes = [256, 128], strides = [1, 1]} : vector<256x1664xf32> to vector<256x128xf32>
      %add3A_391 = arith.addf %add3A_387, %slice3A_390 : vector<256x128xf32>
      %mul3A_392 = arith.mulf %slice3A_390, %slice3A_390 : vector<256x128xf32>
      %add3A_393 = arith.addf %add3A_389, %mul3A_392 : vector<256x128xf32>
      %slice3A_394 = vector.extract_strided_slice %mul3A_338 {offsets = [0, 1152], sizes = [256, 128], strides = [1, 1]} : vector<256x1664xf32> to vector<256x128xf32>
      %add3A_395 = arith.addf %add3A_391, %slice3A_394 : vector<256x128xf32>
      %mul3A_396 = arith.mulf %slice3A_394, %slice3A_394 : vector<256x128xf32>
      %add3A_397 = arith.addf %add3A_393, %mul3A_396 : vector<256x128xf32>
      %slice3A_398 = vector.extract_strided_slice %mul3A_338 {offsets = [0, 1280], sizes = [256, 128], strides = [1, 1]} : vector<256x1664xf32> to vector<256x128xf32>
      %add3A_399 = arith.addf %add3A_395, %slice3A_398 : vector<256x128xf32>
      %mul3A_400 = arith.mulf %slice3A_398, %slice3A_398 : vector<256x128xf32>
      %add3A_401 = arith.addf %add3A_397, %mul3A_400 : vector<256x128xf32>
      %slice3A_402 = vector.extract_strided_slice %mul3A_338 {offsets = [0, 1408], sizes = [256, 128], strides = [1, 1]} : vector<256x1664xf32> to vector<256x128xf32>
      %add3A_403 = arith.addf %add3A_399, %slice3A_402 : vector<256x128xf32>
      %mul3A_404 = arith.mulf %slice3A_402, %slice3A_402 : vector<256x128xf32>
      %add3A_405 = arith.addf %add3A_401, %mul3A_404 : vector<256x128xf32>
      %slice3A_406 = vector.extract_strided_slice %mul3A_338 {offsets = [0, 1536], sizes = [256, 128], strides = [1, 1]} : vector<256x1664xf32> to vector<256x128xf32>
      %add3A_407 = arith.addf %add3A_403, %slice3A_406 : vector<256x128xf32>
      %mul3A_408 = arith.mulf %slice3A_406, %slice3A_406 : vector<256x128xf32>
      %add3A_409 = arith.addf %add3A_405, %mul3A_408 : vector<256x128xf32>
      %slice3A_410 = vector.extract_strided_slice %mul3A_346 {offsets = [0, 0], sizes = [256, 128], strides = [1, 1]} : vector<256x3328xf32> to vector<256x128xf32>
      %add3A_411 = arith.addf %add3A_407, %slice3A_410 : vector<256x128xf32>
      %mul3A_412 = arith.mulf %slice3A_410, %slice3A_410 : vector<256x128xf32>
      %add3A_413 = arith.addf %add3A_409, %mul3A_412 : vector<256x128xf32>
      %slice3A_414 = vector.extract_strided_slice %mul3A_346 {offsets = [0, 128], sizes = [256, 128], strides = [1, 1]} : vector<256x3328xf32> to vector<256x128xf32>
      %add3A_415 = arith.addf %add3A_411, %slice3A_414 : vector<256x128xf32>
      %mul3A_416 = arith.mulf %slice3A_414, %slice3A_414 : vector<256x128xf32>
      %add3A_417 = arith.addf %add3A_413, %mul3A_416 : vector<256x128xf32>
      %slice3A_418 = vector.extract_strided_slice %mul3A_346 {offsets = [0, 256], sizes = [256, 128], strides = [1, 1]} : vector<256x3328xf32> to vector<256x128xf32>
      %add3A_419 = arith.addf %add3A_415, %slice3A_418 : vector<256x128xf32>
      %mul3A_420 = arith.mulf %slice3A_418, %slice3A_418 : vector<256x128xf32>
      %add3A_421 = arith.addf %add3A_417, %mul3A_420 : vector<256x128xf32>
      %slice3A_422 = vector.extract_strided_slice %mul3A_346 {offsets = [0, 384], sizes = [256, 128], strides = [1, 1]} : vector<256x3328xf32> to vector<256x128xf32>
      %add3A_423 = arith.addf %add3A_419, %slice3A_422 : vector<256x128xf32>
      %mul3A_424 = arith.mulf %slice3A_422, %slice3A_422 : vector<256x128xf32>
      %add3A_425 = arith.addf %add3A_421, %mul3A_424 : vector<256x128xf32>
      %slice3A_426 = vector.extract_strided_slice %mul3A_346 {offsets = [0, 512], sizes = [256, 128], strides = [1, 1]} : vector<256x3328xf32> to vector<256x128xf32>
      %add3A_427 = arith.addf %add3A_423, %slice3A_426 : vector<256x128xf32>
      %mul3A_428 = arith.mulf %slice3A_426, %slice3A_426 : vector<256x128xf32>
      %add3A_429 = arith.addf %add3A_425, %mul3A_428 : vector<256x128xf32>
      %slice3A_430 = vector.extract_strided_slice %mul3A_346 {offsets = [0, 640], sizes = [256, 128], strides = [1, 1]} : vector<256x3328xf32> to vector<256x128xf32>
      %add3A_431 = arith.addf %add3A_427, %slice3A_430 : vector<256x128xf32>
      %mul3A_432 = arith.mulf %slice3A_430, %slice3A_430 : vector<256x128xf32>
      %add3A_433 = arith.addf %add3A_429, %mul3A_432 : vector<256x128xf32>
      %slice3A_434 = vector.extract_strided_slice %mul3A_346 {offsets = [0, 768], sizes = [256, 128], strides = [1, 1]} : vector<256x3328xf32> to vector<256x128xf32>
      %add3A_435 = arith.addf %add3A_431, %slice3A_434 : vector<256x128xf32>
      %mul3A_436 = arith.mulf %slice3A_434, %slice3A_434 : vector<256x128xf32>
      %add3A_437 = arith.addf %add3A_433, %mul3A_436 : vector<256x128xf32>
      %slice3A_438 = vector.extract_strided_slice %mul3A_346 {offsets = [0, 896], sizes = [256, 128], strides = [1, 1]} : vector<256x3328xf32> to vector<256x128xf32>
      %add3A_439 = arith.addf %add3A_435, %slice3A_438 : vector<256x128xf32>
      %mul3A_440 = arith.mulf %slice3A_438, %slice3A_438 : vector<256x128xf32>
      %add3A_441 = arith.addf %add3A_437, %mul3A_440 : vector<256x128xf32>
      %slice3A_442 = vector.extract_strided_slice %mul3A_346 {offsets = [0, 1024], sizes = [256, 128], strides = [1, 1]} : vector<256x3328xf32> to vector<256x128xf32>
      %add3A_443 = arith.addf %add3A_439, %slice3A_442 : vector<256x128xf32>
      %mul3A_444 = arith.mulf %slice3A_442, %slice3A_442 : vector<256x128xf32>
      %add3A_445 = arith.addf %add3A_441, %mul3A_444 : vector<256x128xf32>
      %slice3A_446 = vector.extract_strided_slice %mul3A_346 {offsets = [0, 1152], sizes = [256, 128], strides = [1, 1]} : vector<256x3328xf32> to vector<256x128xf32>
      %add3A_447 = arith.addf %add3A_443, %slice3A_446 : vector<256x128xf32>
      %mul3A_448 = arith.mulf %slice3A_446, %slice3A_446 : vector<256x128xf32>
      %add3A_449 = arith.addf %add3A_445, %mul3A_448 : vector<256x128xf32>
      %slice3A_450 = vector.extract_strided_slice %mul3A_346 {offsets = [0, 1280], sizes = [256, 128], strides = [1, 1]} : vector<256x3328xf32> to vector<256x128xf32>
      %add3A_451 = arith.addf %add3A_447, %slice3A_450 : vector<256x128xf32>
      %mul3A_452 = arith.mulf %slice3A_450, %slice3A_450 : vector<256x128xf32>
      %add3A_453 = arith.addf %add3A_449, %mul3A_452 : vector<256x128xf32>
      %slice3A_454 = vector.extract_strided_slice %mul3A_346 {offsets = [0, 1408], sizes = [256, 128], strides = [1, 1]} : vector<256x3328xf32> to vector<256x128xf32>
      %add3A_455 = arith.addf %add3A_451, %slice3A_454 : vector<256x128xf32>
      %mul3A_456 = arith.mulf %slice3A_454, %slice3A_454 : vector<256x128xf32>
      %add3A_457 = arith.addf %add3A_453, %mul3A_456 : vector<256x128xf32>
      %slice3A_458 = vector.extract_strided_slice %mul3A_346 {offsets = [0, 1536], sizes = [256, 128], strides = [1, 1]} : vector<256x3328xf32> to vector<256x128xf32>
      %add3A_459 = arith.addf %add3A_455, %slice3A_458 : vector<256x128xf32>
      %mul3A_460 = arith.mulf %slice3A_458, %slice3A_458 : vector<256x128xf32>
      %add3A_461 = arith.addf %add3A_457, %mul3A_460 : vector<256x128xf32>
      %slice3A_462 = vector.extract_strided_slice %mul3A_346 {offsets = [0, 1664], sizes = [256, 128], strides = [1, 1]} : vector<256x3328xf32> to vector<256x128xf32>
      %add3A_463 = arith.addf %add3A_459, %slice3A_462 : vector<256x128xf32>
      %mul3A_464 = arith.mulf %slice3A_462, %slice3A_462 : vector<256x128xf32>
      %add3A_465 = arith.addf %add3A_461, %mul3A_464 : vector<256x128xf32>
      %slice3A_466 = vector.extract_strided_slice %mul3A_346 {offsets = [0, 1792], sizes = [256, 128], strides = [1, 1]} : vector<256x3328xf32> to vector<256x128xf32>
      %add3A_467 = arith.addf %add3A_463, %slice3A_466 : vector<256x128xf32>
      %mul3A_468 = arith.mulf %slice3A_466, %slice3A_466 : vector<256x128xf32>
      %add3A_469 = arith.addf %add3A_465, %mul3A_468 : vector<256x128xf32>
      %slice3A_470 = vector.extract_strided_slice %mul3A_346 {offsets = [0, 1920], sizes = [256, 128], strides = [1, 1]} : vector<256x3328xf32> to vector<256x128xf32>
      %add3A_471 = arith.addf %add3A_467, %slice3A_470 : vector<256x128xf32>
      %mul3A_472 = arith.mulf %slice3A_470, %slice3A_470 : vector<256x128xf32>
      %add3A_473 = arith.addf %add3A_469, %mul3A_472 : vector<256x128xf32>
      %slice3A_474 = vector.extract_strided_slice %mul3A_346 {offsets = [0, 2048], sizes = [256, 128], strides = [1, 1]} : vector<256x3328xf32> to vector<256x128xf32>
      %add3A_475 = arith.addf %add3A_471, %slice3A_474 : vector<256x128xf32>
      %mul3A_476 = arith.mulf %slice3A_474, %slice3A_474 : vector<256x128xf32>
      %add3A_477 = arith.addf %add3A_473, %mul3A_476 : vector<256x128xf32>
      %slice3A_478 = vector.extract_strided_slice %mul3A_346 {offsets = [0, 2176], sizes = [256, 128], strides = [1, 1]} : vector<256x3328xf32> to vector<256x128xf32>
      %add3A_479 = arith.addf %add3A_475, %slice3A_478 : vector<256x128xf32>
      %mul3A_480 = arith.mulf %slice3A_478, %slice3A_478 : vector<256x128xf32>
      %add3A_481 = arith.addf %add3A_477, %mul3A_480 : vector<256x128xf32>
      %slice3A_482 = vector.extract_strided_slice %mul3A_346 {offsets = [0, 2304], sizes = [256, 128], strides = [1, 1]} : vector<256x3328xf32> to vector<256x128xf32>
      %add3A_483 = arith.addf %add3A_479, %slice3A_482 : vector<256x128xf32>
      %mul3A_484 = arith.mulf %slice3A_482, %slice3A_482 : vector<256x128xf32>
      %add3A_485 = arith.addf %add3A_481, %mul3A_484 : vector<256x128xf32>
      %slice3A_486 = vector.extract_strided_slice %mul3A_346 {offsets = [0, 2432], sizes = [256, 128], strides = [1, 1]} : vector<256x3328xf32> to vector<256x128xf32>
      %add3A_487 = arith.addf %add3A_483, %slice3A_486 : vector<256x128xf32>
      %mul3A_488 = arith.mulf %slice3A_486, %slice3A_486 : vector<256x128xf32>
      %add3A_489 = arith.addf %add3A_485, %mul3A_488 : vector<256x128xf32>
      %slice3A_490 = vector.extract_strided_slice %mul3A_346 {offsets = [0, 2560], sizes = [256, 128], strides = [1, 1]} : vector<256x3328xf32> to vector<256x128xf32>
      %add3A_491 = arith.addf %add3A_487, %slice3A_490 : vector<256x128xf32>
      %mul3A_492 = arith.mulf %slice3A_490, %slice3A_490 : vector<256x128xf32>
      %add3A_493 = arith.addf %add3A_489, %mul3A_492 : vector<256x128xf32>
      %slice3A_494 = vector.extract_strided_slice %mul3A_346 {offsets = [0, 2688], sizes = [256, 128], strides = [1, 1]} : vector<256x3328xf32> to vector<256x128xf32>
      %add3A_495 = arith.addf %add3A_491, %slice3A_494 : vector<256x128xf32>
      %mul3A_496 = arith.mulf %slice3A_494, %slice3A_494 : vector<256x128xf32>
      %add3A_497 = arith.addf %add3A_493, %mul3A_496 : vector<256x128xf32>
      %slice3A_498 = vector.extract_strided_slice %mul3A_346 {offsets = [0, 2816], sizes = [256, 128], strides = [1, 1]} : vector<256x3328xf32> to vector<256x128xf32>
      %add3A_499 = arith.addf %add3A_495, %slice3A_498 : vector<256x128xf32>
      %mul3A_500 = arith.mulf %slice3A_498, %slice3A_498 : vector<256x128xf32>
      %add3A_501 = arith.addf %add3A_497, %mul3A_500 : vector<256x128xf32>
      %slice3A_502 = vector.extract_strided_slice %mul3A_346 {offsets = [0, 2944], sizes = [256, 128], strides = [1, 1]} : vector<256x3328xf32> to vector<256x128xf32>
      %add3A_503 = arith.addf %add3A_499, %slice3A_502 : vector<256x128xf32>
      %mul3A_504 = arith.mulf %slice3A_502, %slice3A_502 : vector<256x128xf32>
      %add3A_505 = arith.addf %add3A_501, %mul3A_504 : vector<256x128xf32>
      %slice3A_506 = vector.extract_strided_slice %mul3A_346 {offsets = [0, 3072], sizes = [256, 128], strides = [1, 1]} : vector<256x3328xf32> to vector<256x128xf32>
      %add3A_507 = arith.addf %add3A_503, %slice3A_506 : vector<256x128xf32>
      %mul3A_508 = arith.mulf %slice3A_506, %slice3A_506 : vector<256x128xf32>
      %add3A_509 = arith.addf %add3A_505, %mul3A_508 : vector<256x128xf32>
      %slice3A_510 = vector.extract_strided_slice %mul3A_346 {offsets = [0, 3200], sizes = [256, 128], strides = [1, 1]} : vector<256x3328xf32> to vector<256x128xf32>
      %add3A_511 = arith.addf %add3A_507, %slice3A_510 : vector<256x128xf32>
      %mul3A_512 = arith.mulf %slice3A_510, %slice3A_510 : vector<256x128xf32>
      %add3A_513 = arith.addf %add3A_509, %mul3A_512 : vector<256x128xf32>
      %mul3A_514 = arith.mulf %add3A_511, %add3A_511 : vector<256x128xf32>
      %sub3A_515 = arith.subf %mul3A_514, %add3A_513 : vector<256x128xf32>
      %reduce_sum3A_516 = arith.constant dense<0.000000e+00> : vector<256xf32>
      %reduce_sum3A_517 = vector.multi_reduction <add>, %sub3A_515, %reduce_sum3A_516 [1] : vector<256x128xf32> to vector<256xf32>
      %broadcast_in_dim3A_518 = vector.shape_cast %reduce_sum3A_517 : vector<256xf32> to vector<256x1xf32>
      %mul3A_519 = arith.constant 5.000000e-01 : f32
      %mul3A_520 = vector.broadcast %mul3A_519 : f32 to vector<256x1xf32>
      %mul3A_521 = arith.mulf %mul3A_520, %broadcast_in_dim3A_518 : vector<256x1xf32>
      %slice3A_522 = vector.extract_strided_slice %add3A_320 {offsets = [0, 0], sizes = [256, 1664], strides = [1, 1]} : vector<256x4992xf32> to vector<256x1664xf32>
      %get3A_523 = arith.constant 0 : index
      %get3A_524 = arith.constant 0 : index
      %get3A_525 = vector.load %arg5[%get3A_523, %get3A_524] : memref<1x1664xf32, #tpu.memory_space<vmem>>, vector<1x1664xf32>
      %mul3A_526 = vector.broadcast %get3A_525 : vector<1x1664xf32> to vector<256x1664xf32>
      %mul3A_527 = arith.mulf %slice3A_522, %mul3A_526 : vector<256x1664xf32>
      %reduce_sum3A_528 = arith.constant dense<0.000000e+00> : vector<256xf32>
      %reduce_sum3A_529 = vector.multi_reduction <add>, %mul3A_527, %reduce_sum3A_528 [1] : vector<256x1664xf32> to vector<256xf32>
      %broadcast_in_dim3A_530 = vector.shape_cast %reduce_sum3A_529 : vector<256xf32> to vector<256x1xf32>
      %dma_wait3A_531 = arith.constant 256 : i32
      %dma_wait3A_532 = arith.constant 0 : i32
      %dma_wait3A_533 = tpu.memref_slice %arg1[%dma_wait3A_531, %dma_wait3A_532] : memref<1024x3328xf32, #tpu.memory_space<hbm>> -> memref<256x3328xf32, #tpu.memory_space<hbm>>
      tpu.wait_dma2 semaphore(%arg17 : memref<!tpu.dma_semaphore, #tpu.memory_space<semaphore_mem>>) src(%dma_wait3A_533 : memref<256x3328xf32, #tpu.memory_space<hbm>>) dst(%arg15 : memref<256x3328xf32, #tpu.memory_space<vmem>>)
      %get3A_534 = arith.constant 0 : index
      %get3A_535 = arith.constant 0 : index
      %get3A_536 = vector.load %arg15[%get3A_534, %get3A_535] : memref<256x3328xf32, #tpu.memory_space<vmem>>, vector<256x3328xf32>
      %slice3A_537 = vector.extract_strided_slice %add3A_320 {offsets = [0, 1664], sizes = [256, 3328], strides = [1, 1]} : vector<256x4992xf32> to vector<256x3328xf32>
      %mul3A_538 = arith.mulf %get3A_536, %slice3A_537 : vector<256x3328xf32>
      %reduce_sum3A_539 = arith.constant dense<0.000000e+00> : vector<256xf32>
      %reduce_sum3A_540 = vector.multi_reduction <add>, %mul3A_538, %reduce_sum3A_539 [1] : vector<256x3328xf32> to vector<256xf32>
      %broadcast_in_dim3A_541 = vector.shape_cast %reduce_sum3A_540 : vector<256xf32> to vector<256x1xf32>
      %add3A_542 = arith.addf %broadcast_in_dim3A_530, %broadcast_in_dim3A_541 : vector<256x1xf32>
      %add3A_543 = arith.addf %add3A_542, %mul3A_521 : vector<256x1xf32>
      %get3A_544 = arith.constant 256 : index
      %get3A_545 = arith.constant 0 : index
      %get3A_546 = vector.load %arg8[%get3A_544, %get3A_545] : memref<1024x1xf32, #tpu.memory_space<vmem>>, vector<256x1xf32>
      %add3A_547 = arith.addf %add3A_543, %get3A_546 : vector<256x1xf32>
      %swap3A_548 = arith.constant 256 : index
      %swap3A_549 = arith.constant 0 : index
      %swap3A_550 = vector.load %arg14[%swap3A_548, %swap3A_549] : memref<1024x1xf32, #tpu.memory_space<vmem>>, vector<256x1xf32>
      tpu.vector_store %arg14[%swap3A_548, %swap3A_549], %add3A_547 {strides = array<i32>} : memref<1024x1xf32, #tpu.memory_space<vmem>>, vector<256x1xf32>,
      %dma_start3A_551 = arith.constant 512 : i32
      %dma_start3A_552 = arith.constant 0 : i32
      %dma_start3A_553 = tpu.memref_slice %arg1[%dma_start3A_551, %dma_start3A_552] : memref<1024x3328xf32, #tpu.memory_space<hbm>> -> memref<256x3328xf32, #tpu.memory_space<hbm>>
      tpu.enqueue_dma source(%dma_start3A_553 : memref<256x3328xf32, #tpu.memory_space<hbm>>) target(%arg15 : memref<256x3328xf32, #tpu.memory_space<vmem>>) target_semaphore(%arg17 : memref<!tpu.dma_semaphore, #tpu.memory_space<semaphore_mem>>)
      %dma_start3A_554 = arith.constant 512 : i32
      %dma_start3A_555 = arith.constant 0 : i32
      %dma_start3A_556 = tpu.memref_slice %arg2[%dma_start3A_554, %dma_start3A_555] : memref<1024x3328xf32, #tpu.memory_space<hbm>> -> memref<256x3328xf32, #tpu.memory_space<hbm>>
      tpu.enqueue_dma source(%dma_start3A_556 : memref<256x3328xf32, #tpu.memory_space<hbm>>) target(%arg16 : memref<256x3328xf32, #tpu.memory_space<vmem>>) target_semaphore(%arg18 : memref<!tpu.dma_semaphore, #tpu.memory_space<semaphore_mem>>)
      %get3A_557 = arith.constant 512 : index
      %get3A_558 = arith.constant 0 : index
      %get3A_559 = vector.load %arg3[%get3A_557, %get3A_558] : memref<1024x39xi32, #tpu.memory_space<vmem>>, vector<256x13xi32>
      %convert_element_type3A_560 = arith.sitofp %get3A_559 : vector<256x13xi32> to vector<256x13xf32>
      %get3A_561 = arith.constant 512 : index
      %get3A_562 = arith.constant 0 : index
      %get3A_563 = vector.load %arg4[%get3A_561, %get3A_562] : memref<1024x39xf32, #tpu.memory_space<vmem>>, vector<256x39xf32>
      %slice3A_564 = vector.extract_strided_slice %get3A_563 {offsets = [0, 0], sizes = [256, 13], strides = [1, 1]} : vector<256x39xf32> to vector<256x13xf32>
      %mul3A_565 = arith.mulf %convert_element_type3A_560, %slice3A_564 : vector<256x13xf32>
      %slice3A_566 = vector.extract_strided_slice %get3A_563 {offsets = [0, 13], sizes = [256, 26], strides = [1, 1]} : vector<256x39xf32> to vector<256x26xf32>
      %concatenate3A_567 = tpu.concatenate %mul3A_565, %slice3A_566 in 1 : vector<256x13xf32>, vector<256x26xf32> -> vector<256x39xf32>
      %convert_element_type3A_568 = arith.truncf %concatenate3A_567 : vector<256x39xf32> to vector<256x39xbf16>
      %convert_element_type3A_569 = arith.extf %convert_element_type3A_568 : vector<256x39xbf16> to vector<256x39xf32>
      %sub3A_570 = arith.subf %concatenate3A_567, %convert_element_type3A_569 : vector<256x39xf32>
      %convert_element_type3A_571 = arith.truncf %sub3A_570 : vector<256x39xf32> to vector<256x39xbf16>
      %dot_general3A_572 = arith.constant dense<0.000000e+00> : vector<256x4992xf32>
      %dot_general3A_573 = tpu.matmul %convert_element_type3A_568, %get3A_42, %dot_general3A_572 {dimension_numbers = #tpu.dot_dimension_numbers<[1], [0], [0], [1], [0, 0, 1, 1], [], []>, transpose_lhs_hint = false} : vector<256x39xbf16>, vector<39x4992xbf16>, vector<256x4992xf32> -> vector<256x4992xf32>
      %dot_general3A_574 = arith.constant dense<0.000000e+00> : vector<256x4992xf32>
      %dot_general3A_575 = tpu.matmul %convert_element_type3A_571, %get3A_42, %dot_general3A_574 {dimension_numbers = #tpu.dot_dimension_numbers<[1], [0], [0], [1], [0, 0, 1, 1], [], []>, transpose_lhs_hint = false} : vector<256x39xbf16>, vector<39x4992xbf16>, vector<256x4992xf32> -> vector<256x4992xf32>
      %add3A_576 = arith.addf %dot_general3A_573, %dot_general3A_575 : vector<256x4992xf32>
      %mul3A_577 = arith.constant 2.500000e-01 : f32
      %mul3A_578 = vector.broadcast %mul3A_577 : f32 to vector<256x13xf32>
      %mul3A_579 = arith.mulf %mul3A_565, %mul3A_578 : vector<256x13xf32>
      %convert_element_type3A_580 = arith.truncf %mul3A_579 : vector<256x13xf32> to vector<256x13xf8E4M3FN>
      %swap3A_581 = arith.constant 512 : index
      %swap3A_582 = arith.constant 0 : index
      %swap3A_583 = vector.load %arg12[%swap3A_581, %swap3A_582] : memref<1024x3456xf8E4M3FN, #tpu.memory_space<vmem>>, vector<256x13xf8E4M3FN>
      tpu.vector_store %arg12[%swap3A_581, %swap3A_582], %convert_element_type3A_580 {strides = array<i32>} : memref<1024x3456xf8E4M3FN, #tpu.memory_space<vmem>>, vector<256x13xf8E4M3FN>,
      %broadcast_in_dim3A_584 = arith.constant 0.000000e+00 : f8E4M3FN
      %broadcast_in_dim3A_585 = vector.broadcast %broadcast_in_dim3A_584 : f8E4M3FN to vector<256x115xf8E4M3FN>
      %swap3A_586 = arith.constant 512 : index
      %swap3A_587 = arith.constant 13 : index
      %swap3A_588 = vector.load %arg12[%swap3A_586, %swap3A_587] : memref<1024x3456xf8E4M3FN, #tpu.memory_space<vmem>>, vector<256x115xf8E4M3FN>
      tpu.vector_store %arg12[%swap3A_586, %swap3A_587], %broadcast_in_dim3A_585 {strides = array<i32>} : memref<1024x3456xf8E4M3FN, #tpu.memory_space<vmem>>, vector<256x115xf8E4M3FN>,
      %slice3A_589 = vector.extract_strided_slice %add3A_576 {offsets = [0, 0], sizes = [256, 1664], strides = [1, 1]} : vector<256x4992xf32> to vector<256x1664xf32>
      %get3A_590 = arith.constant 0 : index
      %get3A_591 = arith.constant 0 : index
      %get3A_592 = vector.load %arg6[%get3A_590, %get3A_591] : memref<1x1664xf32, #tpu.memory_space<vmem>>, vector<1x1664xf32>
      %mul3A_593 = vector.broadcast %get3A_592 : vector<1x1664xf32> to vector<256x1664xf32>
      %mul3A_594 = arith.mulf %slice3A_589, %mul3A_593 : vector<256x1664xf32>
      %dma_wait3A_595 = arith.constant 512 : i32
      %dma_wait3A_596 = arith.constant 0 : i32
      %dma_wait3A_597 = tpu.memref_slice %arg2[%dma_wait3A_595, %dma_wait3A_596] : memref<1024x3328xf32, #tpu.memory_space<hbm>> -> memref<256x3328xf32, #tpu.memory_space<hbm>>
      tpu.wait_dma2 semaphore(%arg18 : memref<!tpu.dma_semaphore, #tpu.memory_space<semaphore_mem>>) src(%dma_wait3A_597 : memref<256x3328xf32, #tpu.memory_space<hbm>>) dst(%arg16 : memref<256x3328xf32, #tpu.memory_space<vmem>>)
      %get3A_598 = arith.constant 0 : index
      %get3A_599 = arith.constant 0 : index
      %get3A_600 = vector.load %arg16[%get3A_598, %get3A_599] : memref<256x3328xf32, #tpu.memory_space<vmem>>, vector<256x3328xf32>
      %slice3A_601 = vector.extract_strided_slice %add3A_576 {offsets = [0, 1664], sizes = [256, 3328], strides = [1, 1]} : vector<256x4992xf32> to vector<256x3328xf32>
      %mul3A_602 = arith.mulf %get3A_600, %slice3A_601 : vector<256x3328xf32>
      %mul3A_603 = arith.constant 6.400000e+01 : f32
      %mul3A_604 = vector.broadcast %mul3A_603 : f32 to vector<256x3328xf32>
      %mul3A_605 = arith.mulf %mul3A_602, %mul3A_604 : vector<256x3328xf32>
      %convert_element_type3A_606 = arith.truncf %mul3A_605 : vector<256x3328xf32> to vector<256x3328xf8E4M3FN>
      %swap3A_607 = arith.constant 512 : index
      %swap3A_608 = arith.constant 128 : index
      %swap3A_609 = vector.load %arg12[%swap3A_607, %swap3A_608] : memref<1024x3456xf8E4M3FN, #tpu.memory_space<vmem>>, vector<256x3328xf8E4M3FN>
      tpu.vector_store %arg12[%swap3A_607, %swap3A_608], %convert_element_type3A_606 {strides = array<i32>} : memref<1024x3456xf8E4M3FN, #tpu.memory_space<vmem>>, vector<256x3328xf8E4M3FN>,
      %broadcast_in_dim3A_610 = arith.constant 0.000000e+00 : f32
      %broadcast_in_dim3A_611 = vector.broadcast %broadcast_in_dim3A_610 : f32 to vector<256x128xf32>
      %broadcast_in_dim3A_612 = arith.constant 0.000000e+00 : f32
      %broadcast_in_dim3A_613 = vector.broadcast %broadcast_in_dim3A_612 : f32 to vector<256x128xf32>
      %slice3A_614 = vector.extract_strided_slice %mul3A_594 {offsets = [0, 0], sizes = [256, 128], strides = [1, 1]} : vector<256x1664xf32> to vector<256x128xf32>
      %add3A_615 = arith.addf %broadcast_in_dim3A_611, %slice3A_614 : vector<256x128xf32>
      %mul3A_616 = arith.mulf %slice3A_614, %slice3A_614 : vector<256x128xf32>
      %add3A_617 = arith.addf %broadcast_in_dim3A_613, %mul3A_616 : vector<256x128xf32>
      %slice3A_618 = vector.extract_strided_slice %mul3A_594 {offsets = [0, 128], sizes = [256, 128], strides = [1, 1]} : vector<256x1664xf32> to vector<256x128xf32>
      %add3A_619 = arith.addf %add3A_615, %slice3A_618 : vector<256x128xf32>
      %mul3A_620 = arith.mulf %slice3A_618, %slice3A_618 : vector<256x128xf32>
      %add3A_621 = arith.addf %add3A_617, %mul3A_620 : vector<256x128xf32>
      %slice3A_622 = vector.extract_strided_slice %mul3A_594 {offsets = [0, 256], sizes = [256, 128], strides = [1, 1]} : vector<256x1664xf32> to vector<256x128xf32>
      %add3A_623 = arith.addf %add3A_619, %slice3A_622 : vector<256x128xf32>
      %mul3A_624 = arith.mulf %slice3A_622, %slice3A_622 : vector<256x128xf32>
      %add3A_625 = arith.addf %add3A_621, %mul3A_624 : vector<256x128xf32>
      %slice3A_626 = vector.extract_strided_slice %mul3A_594 {offsets = [0, 384], sizes = [256, 128], strides = [1, 1]} : vector<256x1664xf32> to vector<256x128xf32>
      %add3A_627 = arith.addf %add3A_623, %slice3A_626 : vector<256x128xf32>
      %mul3A_628 = arith.mulf %slice3A_626, %slice3A_626 : vector<256x128xf32>
      %add3A_629 = arith.addf %add3A_625, %mul3A_628 : vector<256x128xf32>
      %slice3A_630 = vector.extract_strided_slice %mul3A_594 {offsets = [0, 512], sizes = [256, 128], strides = [1, 1]} : vector<256x1664xf32> to vector<256x128xf32>
      %add3A_631 = arith.addf %add3A_627, %slice3A_630 : vector<256x128xf32>
      %mul3A_632 = arith.mulf %slice3A_630, %slice3A_630 : vector<256x128xf32>
      %add3A_633 = arith.addf %add3A_629, %mul3A_632 : vector<256x128xf32>
      %slice3A_634 = vector.extract_strided_slice %mul3A_594 {offsets = [0, 640], sizes = [256, 128], strides = [1, 1]} : vector<256x1664xf32> to vector<256x128xf32>
      %add3A_635 = arith.addf %add3A_631, %slice3A_634 : vector<256x128xf32>
      %mul3A_636 = arith.mulf %slice3A_634, %slice3A_634 : vector<256x128xf32>
      %add3A_637 = arith.addf %add3A_633, %mul3A_636 : vector<256x128xf32>
      %slice3A_638 = vector.extract_strided_slice %mul3A_594 {offsets = [0, 768], sizes = [256, 128], strides = [1, 1]} : vector<256x1664xf32> to vector<256x128xf32>
      %add3A_639 = arith.addf %add3A_635, %slice3A_638 : vector<256x128xf32>
      %mul3A_640 = arith.mulf %slice3A_638, %slice3A_638 : vector<256x128xf32>
      %add3A_641 = arith.addf %add3A_637, %mul3A_640 : vector<256x128xf32>
      %slice3A_642 = vector.extract_strided_slice %mul3A_594 {offsets = [0, 896], sizes = [256, 128], strides = [1, 1]} : vector<256x1664xf32> to vector<256x128xf32>
      %add3A_643 = arith.addf %add3A_639, %slice3A_642 : vector<256x128xf32>
      %mul3A_644 = arith.mulf %slice3A_642, %slice3A_642 : vector<256x128xf32>
      %add3A_645 = arith.addf %add3A_641, %mul3A_644 : vector<256x128xf32>
      %slice3A_646 = vector.extract_strided_slice %mul3A_594 {offsets = [0, 1024], sizes = [256, 128], strides = [1, 1]} : vector<256x1664xf32> to vector<256x128xf32>
      %add3A_647 = arith.addf %add3A_643, %slice3A_646 : vector<256x128xf32>
      %mul3A_648 = arith.mulf %slice3A_646, %slice3A_646 : vector<256x128xf32>
      %add3A_649 = arith.addf %add3A_645, %mul3A_648 : vector<256x128xf32>
      %slice3A_650 = vector.extract_strided_slice %mul3A_594 {offsets = [0, 1152], sizes = [256, 128], strides = [1, 1]} : vector<256x1664xf32> to vector<256x128xf32>
      %add3A_651 = arith.addf %add3A_647, %slice3A_650 : vector<256x128xf32>
      %mul3A_652 = arith.mulf %slice3A_650, %slice3A_650 : vector<256x128xf32>
      %add3A_653 = arith.addf %add3A_649, %mul3A_652 : vector<256x128xf32>
      %slice3A_654 = vector.extract_strided_slice %mul3A_594 {offsets = [0, 1280], sizes = [256, 128], strides = [1, 1]} : vector<256x1664xf32> to vector<256x128xf32>
      %add3A_655 = arith.addf %add3A_651, %slice3A_654 : vector<256x128xf32>
      %mul3A_656 = arith.mulf %slice3A_654, %slice3A_654 : vector<256x128xf32>
      %add3A_657 = arith.addf %add3A_653, %mul3A_656 : vector<256x128xf32>
      %slice3A_658 = vector.extract_strided_slice %mul3A_594 {offsets = [0, 1408], sizes = [256, 128], strides = [1, 1]} : vector<256x1664xf32> to vector<256x128xf32>
      %add3A_659 = arith.addf %add3A_655, %slice3A_658 : vector<256x128xf32>
      %mul3A_660 = arith.mulf %slice3A_658, %slice3A_658 : vector<256x128xf32>
      %add3A_661 = arith.addf %add3A_657, %mul3A_660 : vector<256x128xf32>
      %slice3A_662 = vector.extract_strided_slice %mul3A_594 {offsets = [0, 1536], sizes = [256, 128], strides = [1, 1]} : vector<256x1664xf32> to vector<256x128xf32>
      %add3A_663 = arith.addf %add3A_659, %slice3A_662 : vector<256x128xf32>
      %mul3A_664 = arith.mulf %slice3A_662, %slice3A_662 : vector<256x128xf32>
      %add3A_665 = arith.addf %add3A_661, %mul3A_664 : vector<256x128xf32>
      %slice3A_666 = vector.extract_strided_slice %mul3A_602 {offsets = [0, 0], sizes = [256, 128], strides = [1, 1]} : vector<256x3328xf32> to vector<256x128xf32>
      %add3A_667 = arith.addf %add3A_663, %slice3A_666 : vector<256x128xf32>
      %mul3A_668 = arith.mulf %slice3A_666, %slice3A_666 : vector<256x128xf32>
      %add3A_669 = arith.addf %add3A_665, %mul3A_668 : vector<256x128xf32>
      %slice3A_670 = vector.extract_strided_slice %mul3A_602 {offsets = [0, 128], sizes = [256, 128], strides = [1, 1]} : vector<256x3328xf32> to vector<256x128xf32>
      %add3A_671 = arith.addf %add3A_667, %slice3A_670 : vector<256x128xf32>
      %mul3A_672 = arith.mulf %slice3A_670, %slice3A_670 : vector<256x128xf32>
      %add3A_673 = arith.addf %add3A_669, %mul3A_672 : vector<256x128xf32>
      %slice3A_674 = vector.extract_strided_slice %mul3A_602 {offsets = [0, 256], sizes = [256, 128], strides = [1, 1]} : vector<256x3328xf32> to vector<256x128xf32>
      %add3A_675 = arith.addf %add3A_671, %slice3A_674 : vector<256x128xf32>
      %mul3A_676 = arith.mulf %slice3A_674, %slice3A_674 : vector<256x128xf32>
      %add3A_677 = arith.addf %add3A_673, %mul3A_676 : vector<256x128xf32>
      %slice3A_678 = vector.extract_strided_slice %mul3A_602 {offsets = [0, 384], sizes = [256, 128], strides = [1, 1]} : vector<256x3328xf32> to vector<256x128xf32>
      %add3A_679 = arith.addf %add3A_675, %slice3A_678 : vector<256x128xf32>
      %mul3A_680 = arith.mulf %slice3A_678, %slice3A_678 : vector<256x128xf32>
      %add3A_681 = arith.addf %add3A_677, %mul3A_680 : vector<256x128xf32>
      %slice3A_682 = vector.extract_strided_slice %mul3A_602 {offsets = [0, 512], sizes = [256, 128], strides = [1, 1]} : vector<256x3328xf32> to vector<256x128xf32>
      %add3A_683 = arith.addf %add3A_679, %slice3A_682 : vector<256x128xf32>
      %mul3A_684 = arith.mulf %slice3A_682, %slice3A_682 : vector<256x128xf32>
      %add3A_685 = arith.addf %add3A_681, %mul3A_684 : vector<256x128xf32>
      %slice3A_686 = vector.extract_strided_slice %mul3A_602 {offsets = [0, 640], sizes = [256, 128], strides = [1, 1]} : vector<256x3328xf32> to vector<256x128xf32>
      %add3A_687 = arith.addf %add3A_683, %slice3A_686 : vector<256x128xf32>
      %mul3A_688 = arith.mulf %slice3A_686, %slice3A_686 : vector<256x128xf32>
      %add3A_689 = arith.addf %add3A_685, %mul3A_688 : vector<256x128xf32>
      %slice3A_690 = vector.extract_strided_slice %mul3A_602 {offsets = [0, 768], sizes = [256, 128], strides = [1, 1]} : vector<256x3328xf32> to vector<256x128xf32>
      %add3A_691 = arith.addf %add3A_687, %slice3A_690 : vector<256x128xf32>
      %mul3A_692 = arith.mulf %slice3A_690, %slice3A_690 : vector<256x128xf32>
      %add3A_693 = arith.addf %add3A_689, %mul3A_692 : vector<256x128xf32>
      %slice3A_694 = vector.extract_strided_slice %mul3A_602 {offsets = [0, 896], sizes = [256, 128], strides = [1, 1]} : vector<256x3328xf32> to vector<256x128xf32>
      %add3A_695 = arith.addf %add3A_691, %slice3A_694 : vector<256x128xf32>
      %mul3A_696 = arith.mulf %slice3A_694, %slice3A_694 : vector<256x128xf32>
      %add3A_697 = arith.addf %add3A_693, %mul3A_696 : vector<256x128xf32>
      %slice3A_698 = vector.extract_strided_slice %mul3A_602 {offsets = [0, 1024], sizes = [256, 128], strides = [1, 1]} : vector<256x3328xf32> to vector<256x128xf32>
      %add3A_699 = arith.addf %add3A_695, %slice3A_698 : vector<256x128xf32>
      %mul3A_700 = arith.mulf %slice3A_698, %slice3A_698 : vector<256x128xf32>
      %add3A_701 = arith.addf %add3A_697, %mul3A_700 : vector<256x128xf32>
      %slice3A_702 = vector.extract_strided_slice %mul3A_602 {offsets = [0, 1152], sizes = [256, 128], strides = [1, 1]} : vector<256x3328xf32> to vector<256x128xf32>
      %add3A_703 = arith.addf %add3A_699, %slice3A_702 : vector<256x128xf32>
      %mul3A_704 = arith.mulf %slice3A_702, %slice3A_702 : vector<256x128xf32>
      %add3A_705 = arith.addf %add3A_701, %mul3A_704 : vector<256x128xf32>
      %slice3A_706 = vector.extract_strided_slice %mul3A_602 {offsets = [0, 1280], sizes = [256, 128], strides = [1, 1]} : vector<256x3328xf32> to vector<256x128xf32>
      %add3A_707 = arith.addf %add3A_703, %slice3A_706 : vector<256x128xf32>
      %mul3A_708 = arith.mulf %slice3A_706, %slice3A_706 : vector<256x128xf32>
      %add3A_709 = arith.addf %add3A_705, %mul3A_708 : vector<256x128xf32>
      %slice3A_710 = vector.extract_strided_slice %mul3A_602 {offsets = [0, 1408], sizes = [256, 128], strides = [1, 1]} : vector<256x3328xf32> to vector<256x128xf32>
      %add3A_711 = arith.addf %add3A_707, %slice3A_710 : vector<256x128xf32>
      %mul3A_712 = arith.mulf %slice3A_710, %slice3A_710 : vector<256x128xf32>
      %add3A_713 = arith.addf %add3A_709, %mul3A_712 : vector<256x128xf32>
      %slice3A_714 = vector.extract_strided_slice %mul3A_602 {offsets = [0, 1536], sizes = [256, 128], strides = [1, 1]} : vector<256x3328xf32> to vector<256x128xf32>
      %add3A_715 = arith.addf %add3A_711, %slice3A_714 : vector<256x128xf32>
      %mul3A_716 = arith.mulf %slice3A_714, %slice3A_714 : vector<256x128xf32>
      %add3A_717 = arith.addf %add3A_713, %mul3A_716 : vector<256x128xf32>
      %slice3A_718 = vector.extract_strided_slice %mul3A_602 {offsets = [0, 1664], sizes = [256, 128], strides = [1, 1]} : vector<256x3328xf32> to vector<256x128xf32>
      %add3A_719 = arith.addf %add3A_715, %slice3A_718 : vector<256x128xf32>
      %mul3A_720 = arith.mulf %slice3A_718, %slice3A_718 : vector<256x128xf32>
      %add3A_721 = arith.addf %add3A_717, %mul3A_720 : vector<256x128xf32>
      %slice3A_722 = vector.extract_strided_slice %mul3A_602 {offsets = [0, 1792], sizes = [256, 128], strides = [1, 1]} : vector<256x3328xf32> to vector<256x128xf32>
      %add3A_723 = arith.addf %add3A_719, %slice3A_722 : vector<256x128xf32>
      %mul3A_724 = arith.mulf %slice3A_722, %slice3A_722 : vector<256x128xf32>
      %add3A_725 = arith.addf %add3A_721, %mul3A_724 : vector<256x128xf32>
      %slice3A_726 = vector.extract_strided_slice %mul3A_602 {offsets = [0, 1920], sizes = [256, 128], strides = [1, 1]} : vector<256x3328xf32> to vector<256x128xf32>
      %add3A_727 = arith.addf %add3A_723, %slice3A_726 : vector<256x128xf32>
      %mul3A_728 = arith.mulf %slice3A_726, %slice3A_726 : vector<256x128xf32>
      %add3A_729 = arith.addf %add3A_725, %mul3A_728 : vector<256x128xf32>
      %slice3A_730 = vector.extract_strided_slice %mul3A_602 {offsets = [0, 2048], sizes = [256, 128], strides = [1, 1]} : vector<256x3328xf32> to vector<256x128xf32>
      %add3A_731 = arith.addf %add3A_727, %slice3A_730 : vector<256x128xf32>
      %mul3A_732 = arith.mulf %slice3A_730, %slice3A_730 : vector<256x128xf32>
      %add3A_733 = arith.addf %add3A_729, %mul3A_732 : vector<256x128xf32>
      %slice3A_734 = vector.extract_strided_slice %mul3A_602 {offsets = [0, 2176], sizes = [256, 128], strides = [1, 1]} : vector<256x3328xf32> to vector<256x128xf32>
      %add3A_735 = arith.addf %add3A_731, %slice3A_734 : vector<256x128xf32>
      %mul3A_736 = arith.mulf %slice3A_734, %slice3A_734 : vector<256x128xf32>
      %add3A_737 = arith.addf %add3A_733, %mul3A_736 : vector<256x128xf32>
      %slice3A_738 = vector.extract_strided_slice %mul3A_602 {offsets = [0, 2304], sizes = [256, 128], strides = [1, 1]} : vector<256x3328xf32> to vector<256x128xf32>
      %add3A_739 = arith.addf %add3A_735, %slice3A_738 : vector<256x128xf32>
      %mul3A_740 = arith.mulf %slice3A_738, %slice3A_738 : vector<256x128xf32>
      %add3A_741 = arith.addf %add3A_737, %mul3A_740 : vector<256x128xf32>
      %slice3A_742 = vector.extract_strided_slice %mul3A_602 {offsets = [0, 2432], sizes = [256, 128], strides = [1, 1]} : vector<256x3328xf32> to vector<256x128xf32>
      %add3A_743 = arith.addf %add3A_739, %slice3A_742 : vector<256x128xf32>
      %mul3A_744 = arith.mulf %slice3A_742, %slice3A_742 : vector<256x128xf32>
      %add3A_745 = arith.addf %add3A_741, %mul3A_744 : vector<256x128xf32>
      %slice3A_746 = vector.extract_strided_slice %mul3A_602 {offsets = [0, 2560], sizes = [256, 128], strides = [1, 1]} : vector<256x3328xf32> to vector<256x128xf32>
      %add3A_747 = arith.addf %add3A_743, %slice3A_746 : vector<256x128xf32>
      %mul3A_748 = arith.mulf %slice3A_746, %slice3A_746 : vector<256x128xf32>
      %add3A_749 = arith.addf %add3A_745, %mul3A_748 : vector<256x128xf32>
      %slice3A_750 = vector.extract_strided_slice %mul3A_602 {offsets = [0, 2688], sizes = [256, 128], strides = [1, 1]} : vector<256x3328xf32> to vector<256x128xf32>
      %add3A_751 = arith.addf %add3A_747, %slice3A_750 : vector<256x128xf32>
      %mul3A_752 = arith.mulf %slice3A_750, %slice3A_750 : vector<256x128xf32>
      %add3A_753 = arith.addf %add3A_749, %mul3A_752 : vector<256x128xf32>
      %slice3A_754 = vector.extract_strided_slice %mul3A_602 {offsets = [0, 2816], sizes = [256, 128], strides = [1, 1]} : vector<256x3328xf32> to vector<256x128xf32>
      %add3A_755 = arith.addf %add3A_751, %slice3A_754 : vector<256x128xf32>
      %mul3A_756 = arith.mulf %slice3A_754, %slice3A_754 : vector<256x128xf32>
      %add3A_757 = arith.addf %add3A_753, %mul3A_756 : vector<256x128xf32>
      %slice3A_758 = vector.extract_strided_slice %mul3A_602 {offsets = [0, 2944], sizes = [256, 128], strides = [1, 1]} : vector<256x3328xf32> to vector<256x128xf32>
      %add3A_759 = arith.addf %add3A_755, %slice3A_758 : vector<256x128xf32>
      %mul3A_760 = arith.mulf %slice3A_758, %slice3A_758 : vector<256x128xf32>
      %add3A_761 = arith.addf %add3A_757, %mul3A_760 : vector<256x128xf32>
      %slice3A_762 = vector.extract_strided_slice %mul3A_602 {offsets = [0, 3072], sizes = [256, 128], strides = [1, 1]} : vector<256x3328xf32> to vector<256x128xf32>
      %add3A_763 = arith.addf %add3A_759, %slice3A_762 : vector<256x128xf32>
      %mul3A_764 = arith.mulf %slice3A_762, %slice3A_762 : vector<256x128xf32>
      %add3A_765 = arith.addf %add3A_761, %mul3A_764 : vector<256x128xf32>
      %slice3A_766 = vector.extract_strided_slice %mul3A_602 {offsets = [0, 3200], sizes = [256, 128], strides = [1, 1]} : vector<256x3328xf32> to vector<256x128xf32>
      %add3A_767 = arith.addf %add3A_763, %slice3A_766 : vector<256x128xf32>
      %mul3A_768 = arith.mulf %slice3A_766, %slice3A_766 : vector<256x128xf32>
      %add3A_769 = arith.addf %add3A_765, %mul3A_768 : vector<256x128xf32>
      %mul3A_770 = arith.mulf %add3A_767, %add3A_767 : vector<256x128xf32>
      %sub3A_771 = arith.subf %mul3A_770, %add3A_769 : vector<256x128xf32>
      %reduce_sum3A_772 = arith.constant dense<0.000000e+00> : vector<256xf32>
      %reduce_sum3A_773 = vector.multi_reduction <add>, %sub3A_771, %reduce_sum3A_772 [1] : vector<256x128xf32> to vector<256xf32>
      %broadcast_in_dim3A_774 = vector.shape_cast %reduce_sum3A_773 : vector<256xf32> to vector<256x1xf32>
      %mul3A_775 = arith.constant 5.000000e-01 : f32
      %mul3A_776 = vector.broadcast %mul3A_775 : f32 to vector<256x1xf32>
      %mul3A_777 = arith.mulf %mul3A_776, %broadcast_in_dim3A_774 : vector<256x1xf32>
      %slice3A_778 = vector.extract_strided_slice %add3A_576 {offsets = [0, 0], sizes = [256, 1664], strides = [1, 1]} : vector<256x4992xf32> to vector<256x1664xf32>
      %get3A_779 = arith.constant 0 : index
      %get3A_780 = arith.constant 0 : index
      %get3A_781 = vector.load %arg5[%get3A_779, %get3A_780] : memref<1x1664xf32, #tpu.memory_space<vmem>>, vector<1x1664xf32>
      %mul3A_782 = vector.broadcast %get3A_781 : vector<1x1664xf32> to vector<256x1664xf32>
      %mul3A_783 = arith.mulf %slice3A_778, %mul3A_782 : vector<256x1664xf32>
      %reduce_sum3A_784 = arith.constant dense<0.000000e+00> : vector<256xf32>
      %reduce_sum3A_785 = vector.multi_reduction <add>, %mul3A_783, %reduce_sum3A_784 [1] : vector<256x1664xf32> to vector<256xf32>
      %broadcast_in_dim3A_786 = vector.shape_cast %reduce_sum3A_785 : vector<256xf32> to vector<256x1xf32>
      %dma_wait3A_787 = arith.constant 512 : i32
      %dma_wait3A_788 = arith.constant 0 : i32
      %dma_wait3A_789 = tpu.memref_slice %arg1[%dma_wait3A_787, %dma_wait3A_788] : memref<1024x3328xf32, #tpu.memory_space<hbm>> -> memref<256x3328xf32, #tpu.memory_space<hbm>>
      tpu.wait_dma2 semaphore(%arg17 : memref<!tpu.dma_semaphore, #tpu.memory_space<semaphore_mem>>) src(%dma_wait3A_789 : memref<256x3328xf32, #tpu.memory_space<hbm>>) dst(%arg15 : memref<256x3328xf32, #tpu.memory_space<vmem>>)
      %get3A_790 = arith.constant 0 : index
      %get3A_791 = arith.constant 0 : index
      %get3A_792 = vector.load %arg15[%get3A_790, %get3A_791] : memref<256x3328xf32, #tpu.memory_space<vmem>>, vector<256x3328xf32>
      %slice3A_793 = vector.extract_strided_slice %add3A_576 {offsets = [0, 1664], sizes = [256, 3328], strides = [1, 1]} : vector<256x4992xf32> to vector<256x3328xf32>
      %mul3A_794 = arith.mulf %get3A_792, %slice3A_793 : vector<256x3328xf32>
      %reduce_sum3A_795 = arith.constant dense<0.000000e+00> : vector<256xf32>
      %reduce_sum3A_796 = vector.multi_reduction <add>, %mul3A_794, %reduce_sum3A_795 [1] : vector<256x3328xf32> to vector<256xf32>
      %broadcast_in_dim3A_797 = vector.shape_cast %reduce_sum3A_796 : vector<256xf32> to vector<256x1xf32>
      %add3A_798 = arith.addf %broadcast_in_dim3A_786, %broadcast_in_dim3A_797 : vector<256x1xf32>
      %add3A_799 = arith.addf %add3A_798, %mul3A_777 : vector<256x1xf32>
      %get3A_800 = arith.constant 512 : index
      %get3A_801 = arith.constant 0 : index
      %get3A_802 = vector.load %arg8[%get3A_800, %get3A_801] : memref<1024x1xf32, #tpu.memory_space<vmem>>, vector<256x1xf32>
      %add3A_803 = arith.addf %add3A_799, %get3A_802 : vector<256x1xf32>
      %swap3A_804 = arith.constant 512 : index
      %swap3A_805 = arith.constant 0 : index
      %swap3A_806 = vector.load %arg14[%swap3A_804, %swap3A_805] : memref<1024x1xf32, #tpu.memory_space<vmem>>, vector<256x1xf32>
      tpu.vector_store %arg14[%swap3A_804, %swap3A_805], %add3A_803 {strides = array<i32>} : memref<1024x1xf32, #tpu.memory_space<vmem>>, vector<256x1xf32>,
      %dma_start3A_807 = arith.constant 768 : i32
      %dma_start3A_808 = arith.constant 0 : i32
      %dma_start3A_809 = tpu.memref_slice %arg1[%dma_start3A_807, %dma_start3A_808] : memref<1024x3328xf32, #tpu.memory_space<hbm>> -> memref<256x3328xf32, #tpu.memory_space<hbm>>
      tpu.enqueue_dma source(%dma_start3A_809 : memref<256x3328xf32, #tpu.memory_space<hbm>>) target(%arg15 : memref<256x3328xf32, #tpu.memory_space<vmem>>) target_semaphore(%arg17 : memref<!tpu.dma_semaphore, #tpu.memory_space<semaphore_mem>>)
      %dma_start3A_810 = arith.constant 768 : i32
      %dma_start3A_811 = arith.constant 0 : i32
      %dma_start3A_812 = tpu.memref_slice %arg2[%dma_start3A_810, %dma_start3A_811] : memref<1024x3328xf32, #tpu.memory_space<hbm>> -> memref<256x3328xf32, #tpu.memory_space<hbm>>
      tpu.enqueue_dma source(%dma_start3A_812 : memref<256x3328xf32, #tpu.memory_space<hbm>>) target(%arg16 : memref<256x3328xf32, #tpu.memory_space<vmem>>) target_semaphore(%arg18 : memref<!tpu.dma_semaphore, #tpu.memory_space<semaphore_mem>>)
      %get3A_813 = arith.constant 768 : index
      %get3A_814 = arith.constant 0 : index
      %get3A_815 = vector.load %arg3[%get3A_813, %get3A_814] : memref<1024x39xi32, #tpu.memory_space<vmem>>, vector<256x13xi32>
      %convert_element_type3A_816 = arith.sitofp %get3A_815 : vector<256x13xi32> to vector<256x13xf32>
      %get3A_817 = arith.constant 768 : index
      %get3A_818 = arith.constant 0 : index
      %get3A_819 = vector.load %arg4[%get3A_817, %get3A_818] : memref<1024x39xf32, #tpu.memory_space<vmem>>, vector<256x39xf32>
      %slice3A_820 = vector.extract_strided_slice %get3A_819 {offsets = [0, 0], sizes = [256, 13], strides = [1, 1]} : vector<256x39xf32> to vector<256x13xf32>
      %mul3A_821 = arith.mulf %convert_element_type3A_816, %slice3A_820 : vector<256x13xf32>
      %slice3A_822 = vector.extract_strided_slice %get3A_819 {offsets = [0, 13], sizes = [256, 26], strides = [1, 1]} : vector<256x39xf32> to vector<256x26xf32>
      %concatenate3A_823 = tpu.concatenate %mul3A_821, %slice3A_822 in 1 : vector<256x13xf32>, vector<256x26xf32> -> vector<256x39xf32>
      %convert_element_type3A_824 = arith.truncf %concatenate3A_823 : vector<256x39xf32> to vector<256x39xbf16>
      %convert_element_type3A_825 = arith.extf %convert_element_type3A_824 : vector<256x39xbf16> to vector<256x39xf32>
      %sub3A_826 = arith.subf %concatenate3A_823, %convert_element_type3A_825 : vector<256x39xf32>
      %convert_element_type3A_827 = arith.truncf %sub3A_826 : vector<256x39xf32> to vector<256x39xbf16>
      %dot_general3A_828 = arith.constant dense<0.000000e+00> : vector<256x4992xf32>
      %dot_general3A_829 = tpu.matmul %convert_element_type3A_824, %get3A_42, %dot_general3A_828 {dimension_numbers = #tpu.dot_dimension_numbers<[1], [0], [0], [1], [0, 0, 1, 1], [], []>, transpose_lhs_hint = false} : vector<256x39xbf16>, vector<39x4992xbf16>, vector<256x4992xf32> -> vector<256x4992xf32>
      %dot_general3A_830 = arith.constant dense<0.000000e+00> : vector<256x4992xf32>
      %dot_general3A_831 = tpu.matmul %convert_element_type3A_827, %get3A_42, %dot_general3A_830 {dimension_numbers = #tpu.dot_dimension_numbers<[1], [0], [0], [1], [0, 0, 1, 1], [], []>, transpose_lhs_hint = false} : vector<256x39xbf16>, vector<39x4992xbf16>, vector<256x4992xf32> -> vector<256x4992xf32>
      %add3A_832 = arith.addf %dot_general3A_829, %dot_general3A_831 : vector<256x4992xf32>
      %mul3A_833 = arith.constant 2.500000e-01 : f32
      %mul3A_834 = vector.broadcast %mul3A_833 : f32 to vector<256x13xf32>
      %mul3A_835 = arith.mulf %mul3A_821, %mul3A_834 : vector<256x13xf32>
      %convert_element_type3A_836 = arith.truncf %mul3A_835 : vector<256x13xf32> to vector<256x13xf8E4M3FN>
      %swap3A_837 = arith.constant 768 : index
      %swap3A_838 = arith.constant 0 : index
      %swap3A_839 = vector.load %arg12[%swap3A_837, %swap3A_838] : memref<1024x3456xf8E4M3FN, #tpu.memory_space<vmem>>, vector<256x13xf8E4M3FN>
      tpu.vector_store %arg12[%swap3A_837, %swap3A_838], %convert_element_type3A_836 {strides = array<i32>} : memref<1024x3456xf8E4M3FN, #tpu.memory_space<vmem>>, vector<256x13xf8E4M3FN>,
      %broadcast_in_dim3A_840 = arith.constant 0.000000e+00 : f8E4M3FN
      %broadcast_in_dim3A_841 = vector.broadcast %broadcast_in_dim3A_840 : f8E4M3FN to vector<256x115xf8E4M3FN>
      %swap3A_842 = arith.constant 768 : index
      %swap3A_843 = arith.constant 13 : index
      %swap3A_844 = vector.load %arg12[%swap3A_842, %swap3A_843] : memref<1024x3456xf8E4M3FN, #tpu.memory_space<vmem>>, vector<256x115xf8E4M3FN>
      tpu.vector_store %arg12[%swap3A_842, %swap3A_843], %broadcast_in_dim3A_841 {strides = array<i32>} : memref<1024x3456xf8E4M3FN, #tpu.memory_space<vmem>>, vector<256x115xf8E4M3FN>,
      %slice3A_845 = vector.extract_strided_slice %add3A_832 {offsets = [0, 0], sizes = [256, 1664], strides = [1, 1]} : vector<256x4992xf32> to vector<256x1664xf32>
      %get3A_846 = arith.constant 0 : index
      %get3A_847 = arith.constant 0 : index
      %get3A_848 = vector.load %arg6[%get3A_846, %get3A_847] : memref<1x1664xf32, #tpu.memory_space<vmem>>, vector<1x1664xf32>
      %mul3A_849 = vector.broadcast %get3A_848 : vector<1x1664xf32> to vector<256x1664xf32>
      %mul3A_850 = arith.mulf %slice3A_845, %mul3A_849 : vector<256x1664xf32>
      %dma_wait3A_851 = arith.constant 768 : i32
      %dma_wait3A_852 = arith.constant 0 : i32
      %dma_wait3A_853 = tpu.memref_slice %arg2[%dma_wait3A_851, %dma_wait3A_852] : memref<1024x3328xf32, #tpu.memory_space<hbm>> -> memref<256x3328xf32, #tpu.memory_space<hbm>>
      tpu.wait_dma2 semaphore(%arg18 : memref<!tpu.dma_semaphore, #tpu.memory_space<semaphore_mem>>) src(%dma_wait3A_853 : memref<256x3328xf32, #tpu.memory_space<hbm>>) dst(%arg16 : memref<256x3328xf32, #tpu.memory_space<vmem>>)
      %get3A_854 = arith.constant 0 : index
      %get3A_855 = arith.constant 0 : index
      %get3A_856 = vector.load %arg16[%get3A_854, %get3A_855] : memref<256x3328xf32, #tpu.memory_space<vmem>>, vector<256x3328xf32>
      %slice3A_857 = vector.extract_strided_slice %add3A_832 {offsets = [0, 1664], sizes = [256, 3328], strides = [1, 1]} : vector<256x4992xf32> to vector<256x3328xf32>
      %mul3A_858 = arith.mulf %get3A_856, %slice3A_857 : vector<256x3328xf32>
      %mul3A_859 = arith.constant 6.400000e+01 : f32
      %mul3A_860 = vector.broadcast %mul3A_859 : f32 to vector<256x3328xf32>
      %mul3A_861 = arith.mulf %mul3A_858, %mul3A_860 : vector<256x3328xf32>
      %convert_element_type3A_862 = arith.truncf %mul3A_861 : vector<256x3328xf32> to vector<256x3328xf8E4M3FN>
      %swap3A_863 = arith.constant 768 : index
      %swap3A_864 = arith.constant 128 : index
      %swap3A_865 = vector.load %arg12[%swap3A_863, %swap3A_864] : memref<1024x3456xf8E4M3FN, #tpu.memory_space<vmem>>, vector<256x3328xf8E4M3FN>
      tpu.vector_store %arg12[%swap3A_863, %swap3A_864], %convert_element_type3A_862 {strides = array<i32>} : memref<1024x3456xf8E4M3FN, #tpu.memory_space<vmem>>, vector<256x3328xf8E4M3FN>,
      %broadcast_in_dim3A_866 = arith.constant 0.000000e+00 : f32
      %broadcast_in_dim3A_867 = vector.broadcast %broadcast_in_dim3A_866 : f32 to vector<256x128xf32>
      %broadcast_in_dim3A_868 = arith.constant 0.000000e+00 : f32
      %broadcast_in_dim3A_869 = vector.broadcast %broadcast_in_dim3A_868 : f32 to vector<256x128xf32>
      %slice3A_870 = vector.extract_strided_slice %mul3A_850 {offsets = [0, 0], sizes = [256, 128], strides = [1, 1]} : vector<256x1664xf32> to vector<256x128xf32>
      %add3A_871 = arith.addf %broadcast_in_dim3A_867, %slice3A_870 : vector<256x128xf32>
      %mul3A_872 = arith.mulf %slice3A_870, %slice3A_870 : vector<256x128xf32>
      %add3A_873 = arith.addf %broadcast_in_dim3A_869, %mul3A_872 : vector<256x128xf32>
      %slice3A_874 = vector.extract_strided_slice %mul3A_850 {offsets = [0, 128], sizes = [256, 128], strides = [1, 1]} : vector<256x1664xf32> to vector<256x128xf32>
      %add3A_875 = arith.addf %add3A_871, %slice3A_874 : vector<256x128xf32>
      %mul3A_876 = arith.mulf %slice3A_874, %slice3A_874 : vector<256x128xf32>
      %add3A_877 = arith.addf %add3A_873, %mul3A_876 : vector<256x128xf32>
      %slice3A_878 = vector.extract_strided_slice %mul3A_850 {offsets = [0, 256], sizes = [256, 128], strides = [1, 1]} : vector<256x1664xf32> to vector<256x128xf32>
      %add3A_879 = arith.addf %add3A_875, %slice3A_878 : vector<256x128xf32>
      %mul3A_880 = arith.mulf %slice3A_878, %slice3A_878 : vector<256x128xf32>
      %add3A_881 = arith.addf %add3A_877, %mul3A_880 : vector<256x128xf32>
      %slice3A_882 = vector.extract_strided_slice %mul3A_850 {offsets = [0, 384], sizes = [256, 128], strides = [1, 1]} : vector<256x1664xf32> to vector<256x128xf32>
      %add3A_883 = arith.addf %add3A_879, %slice3A_882 : vector<256x128xf32>
      %mul3A_884 = arith.mulf %slice3A_882, %slice3A_882 : vector<256x128xf32>
      %add3A_885 = arith.addf %add3A_881, %mul3A_884 : vector<256x128xf32>
      %slice3A_886 = vector.extract_strided_slice %mul3A_850 {offsets = [0, 512], sizes = [256, 128], strides = [1, 1]} : vector<256x1664xf32> to vector<256x128xf32>
      %add3A_887 = arith.addf %add3A_883, %slice3A_886 : vector<256x128xf32>
      %mul3A_888 = arith.mulf %slice3A_886, %slice3A_886 : vector<256x128xf32>
      %add3A_889 = arith.addf %add3A_885, %mul3A_888 : vector<256x128xf32>
      %slice3A_890 = vector.extract_strided_slice %mul3A_850 {offsets = [0, 640], sizes = [256, 128], strides = [1, 1]} : vector<256x1664xf32> to vector<256x128xf32>
      %add3A_891 = arith.addf %add3A_887, %slice3A_890 : vector<256x128xf32>
      %mul3A_892 = arith.mulf %slice3A_890, %slice3A_890 : vector<256x128xf32>
      %add3A_893 = arith.addf %add3A_889, %mul3A_892 : vector<256x128xf32>
      %slice3A_894 = vector.extract_strided_slice %mul3A_850 {offsets = [0, 768], sizes = [256, 128], strides = [1, 1]} : vector<256x1664xf32> to vector<256x128xf32>
      %add3A_895 = arith.addf %add3A_891, %slice3A_894 : vector<256x128xf32>
      %mul3A_896 = arith.mulf %slice3A_894, %slice3A_894 : vector<256x128xf32>
      %add3A_897 = arith.addf %add3A_893, %mul3A_896 : vector<256x128xf32>
      %slice3A_898 = vector.extract_strided_slice %mul3A_850 {offsets = [0, 896], sizes = [256, 128], strides = [1, 1]} : vector<256x1664xf32> to vector<256x128xf32>
      %add3A_899 = arith.addf %add3A_895, %slice3A_898 : vector<256x128xf32>
      %mul3A_900 = arith.mulf %slice3A_898, %slice3A_898 : vector<256x128xf32>
      %add3A_901 = arith.addf %add3A_897, %mul3A_900 : vector<256x128xf32>
      %slice3A_902 = vector.extract_strided_slice %mul3A_850 {offsets = [0, 1024], sizes = [256, 128], strides = [1, 1]} : vector<256x1664xf32> to vector<256x128xf32>
      %add3A_903 = arith.addf %add3A_899, %slice3A_902 : vector<256x128xf32>
      %mul3A_904 = arith.mulf %slice3A_902, %slice3A_902 : vector<256x128xf32>
      %add3A_905 = arith.addf %add3A_901, %mul3A_904 : vector<256x128xf32>
      %slice3A_906 = vector.extract_strided_slice %mul3A_850 {offsets = [0, 1152], sizes = [256, 128], strides = [1, 1]} : vector<256x1664xf32> to vector<256x128xf32>
      %add3A_907 = arith.addf %add3A_903, %slice3A_906 : vector<256x128xf32>
      %mul3A_908 = arith.mulf %slice3A_906, %slice3A_906 : vector<256x128xf32>
      %add3A_909 = arith.addf %add3A_905, %mul3A_908 : vector<256x128xf32>
      %slice3A_910 = vector.extract_strided_slice %mul3A_850 {offsets = [0, 1280], sizes = [256, 128], strides = [1, 1]} : vector<256x1664xf32> to vector<256x128xf32>
      %add3A_911 = arith.addf %add3A_907, %slice3A_910 : vector<256x128xf32>
      %mul3A_912 = arith.mulf %slice3A_910, %slice3A_910 : vector<256x128xf32>
      %add3A_913 = arith.addf %add3A_909, %mul3A_912 : vector<256x128xf32>
      %slice3A_914 = vector.extract_strided_slice %mul3A_850 {offsets = [0, 1408], sizes = [256, 128], strides = [1, 1]} : vector<256x1664xf32> to vector<256x128xf32>
      %add3A_915 = arith.addf %add3A_911, %slice3A_914 : vector<256x128xf32>
      %mul3A_916 = arith.mulf %slice3A_914, %slice3A_914 : vector<256x128xf32>
      %add3A_917 = arith.addf %add3A_913, %mul3A_916 : vector<256x128xf32>
      %slice3A_918 = vector.extract_strided_slice %mul3A_850 {offsets = [0, 1536], sizes = [256, 128], strides = [1, 1]} : vector<256x1664xf32> to vector<256x128xf32>
      %add3A_919 = arith.addf %add3A_915, %slice3A_918 : vector<256x128xf32>
      %mul3A_920 = arith.mulf %slice3A_918, %slice3A_918 : vector<256x128xf32>
      %add3A_921 = arith.addf %add3A_917, %mul3A_920 : vector<256x128xf32>
      %slice3A_922 = vector.extract_strided_slice %mul3A_858 {offsets = [0, 0], sizes = [256, 128], strides = [1, 1]} : vector<256x3328xf32> to vector<256x128xf32>
      %add3A_923 = arith.addf %add3A_919, %slice3A_922 : vector<256x128xf32>
      %mul3A_924 = arith.mulf %slice3A_922, %slice3A_922 : vector<256x128xf32>
      %add3A_925 = arith.addf %add3A_921, %mul3A_924 : vector<256x128xf32>
      %slice3A_926 = vector.extract_strided_slice %mul3A_858 {offsets = [0, 128], sizes = [256, 128], strides = [1, 1]} : vector<256x3328xf32> to vector<256x128xf32>
      %add3A_927 = arith.addf %add3A_923, %slice3A_926 : vector<256x128xf32>
      %mul3A_928 = arith.mulf %slice3A_926, %slice3A_926 : vector<256x128xf32>
      %add3A_929 = arith.addf %add3A_925, %mul3A_928 : vector<256x128xf32>
      %slice3A_930 = vector.extract_strided_slice %mul3A_858 {offsets = [0, 256], sizes = [256, 128], strides = [1, 1]} : vector<256x3328xf32> to vector<256x128xf32>
      %add3A_931 = arith.addf %add3A_927, %slice3A_930 : vector<256x128xf32>
      %mul3A_932 = arith.mulf %slice3A_930, %slice3A_930 : vector<256x128xf32>
      %add3A_933 = arith.addf %add3A_929, %mul3A_932 : vector<256x128xf32>
      %slice3A_934 = vector.extract_strided_slice %mul3A_858 {offsets = [0, 384], sizes = [256, 128], strides = [1, 1]} : vector<256x3328xf32> to vector<256x128xf32>
      %add3A_935 = arith.addf %add3A_931, %slice3A_934 : vector<256x128xf32>
      %mul3A_936 = arith.mulf %slice3A_934, %slice3A_934 : vector<256x128xf32>
      %add3A_937 = arith.addf %add3A_933, %mul3A_936 : vector<256x128xf32>
      %slice3A_938 = vector.extract_strided_slice %mul3A_858 {offsets = [0, 512], sizes = [256, 128], strides = [1, 1]} : vector<256x3328xf32> to vector<256x128xf32>
      %add3A_939 = arith.addf %add3A_935, %slice3A_938 : vector<256x128xf32>
      %mul3A_940 = arith.mulf %slice3A_938, %slice3A_938 : vector<256x128xf32>
      %add3A_941 = arith.addf %add3A_937, %mul3A_940 : vector<256x128xf32>
      %slice3A_942 = vector.extract_strided_slice %mul3A_858 {offsets = [0, 640], sizes = [256, 128], strides = [1, 1]} : vector<256x3328xf32> to vector<256x128xf32>
      %add3A_943 = arith.addf %add3A_939, %slice3A_942 : vector<256x128xf32>
      %mul3A_944 = arith.mulf %slice3A_942, %slice3A_942 : vector<256x128xf32>
      %add3A_945 = arith.addf %add3A_941, %mul3A_944 : vector<256x128xf32>
      %slice3A_946 = vector.extract_strided_slice %mul3A_858 {offsets = [0, 768], sizes = [256, 128], strides = [1, 1]} : vector<256x3328xf32> to vector<256x128xf32>
      %add3A_947 = arith.addf %add3A_943, %slice3A_946 : vector<256x128xf32>
      %mul3A_948 = arith.mulf %slice3A_946, %slice3A_946 : vector<256x128xf32>
      %add3A_949 = arith.addf %add3A_945, %mul3A_948 : vector<256x128xf32>
      %slice3A_950 = vector.extract_strided_slice %mul3A_858 {offsets = [0, 896], sizes = [256, 128], strides = [1, 1]} : vector<256x3328xf32> to vector<256x128xf32>
      %add3A_951 = arith.addf %add3A_947, %slice3A_950 : vector<256x128xf32>
      %mul3A_952 = arith.mulf %slice3A_950, %slice3A_950 : vector<256x128xf32>
      %add3A_953 = arith.addf %add3A_949, %mul3A_952 : vector<256x128xf32>
      %slice3A_954 = vector.extract_strided_slice %mul3A_858 {offsets = [0, 1024], sizes = [256, 128], strides = [1, 1]} : vector<256x3328xf32> to vector<256x128xf32>
      %add3A_955 = arith.addf %add3A_951, %slice3A_954 : vector<256x128xf32>
      %mul3A_956 = arith.mulf %slice3A_954, %slice3A_954 : vector<256x128xf32>
      %add3A_957 = arith.addf %add3A_953, %mul3A_956 : vector<256x128xf32>
      %slice3A_958 = vector.extract_strided_slice %mul3A_858 {offsets = [0, 1152], sizes = [256, 128], strides = [1, 1]} : vector<256x3328xf32> to vector<256x128xf32>
      %add3A_959 = arith.addf %add3A_955, %slice3A_958 : vector<256x128xf32>
      %mul3A_960 = arith.mulf %slice3A_958, %slice3A_958 : vector<256x128xf32>
      %add3A_961 = arith.addf %add3A_957, %mul3A_960 : vector<256x128xf32>
      %slice3A_962 = vector.extract_strided_slice %mul3A_858 {offsets = [0, 1280], sizes = [256, 128], strides = [1, 1]} : vector<256x3328xf32> to vector<256x128xf32>
      %add3A_963 = arith.addf %add3A_959, %slice3A_962 : vector<256x128xf32>
      %mul3A_964 = arith.mulf %slice3A_962, %slice3A_962 : vector<256x128xf32>
      %add3A_965 = arith.addf %add3A_961, %mul3A_964 : vector<256x128xf32>
      %slice3A_966 = vector.extract_strided_slice %mul3A_858 {offsets = [0, 1408], sizes = [256, 128], strides = [1, 1]} : vector<256x3328xf32> to vector<256x128xf32>
      %add3A_967 = arith.addf %add3A_963, %slice3A_966 : vector<256x128xf32>
      %mul3A_968 = arith.mulf %slice3A_966, %slice3A_966 : vector<256x128xf32>
      %add3A_969 = arith.addf %add3A_965, %mul3A_968 : vector<256x128xf32>
      %slice3A_970 = vector.extract_strided_slice %mul3A_858 {offsets = [0, 1536], sizes = [256, 128], strides = [1, 1]} : vector<256x3328xf32> to vector<256x128xf32>
      %add3A_971 = arith.addf %add3A_967, %slice3A_970 : vector<256x128xf32>
      %mul3A_972 = arith.mulf %slice3A_970, %slice3A_970 : vector<256x128xf32>
      %add3A_973 = arith.addf %add3A_969, %mul3A_972 : vector<256x128xf32>
      %slice3A_974 = vector.extract_strided_slice %mul3A_858 {offsets = [0, 1664], sizes = [256, 128], strides = [1, 1]} : vector<256x3328xf32> to vector<256x128xf32>
      %add3A_975 = arith.addf %add3A_971, %slice3A_974 : vector<256x128xf32>
      %mul3A_976 = arith.mulf %slice3A_974, %slice3A_974 : vector<256x128xf32>
      %add3A_977 = arith.addf %add3A_973, %mul3A_976 : vector<256x128xf32>
      %slice3A_978 = vector.extract_strided_slice %mul3A_858 {offsets = [0, 1792], sizes = [256, 128], strides = [1, 1]} : vector<256x3328xf32> to vector<256x128xf32>
      %add3A_979 = arith.addf %add3A_975, %slice3A_978 : vector<256x128xf32>
      %mul3A_980 = arith.mulf %slice3A_978, %slice3A_978 : vector<256x128xf32>
      %add3A_981 = arith.addf %add3A_977, %mul3A_980 : vector<256x128xf32>
      %slice3A_982 = vector.extract_strided_slice %mul3A_858 {offsets = [0, 1920], sizes = [256, 128], strides = [1, 1]} : vector<256x3328xf32> to vector<256x128xf32>
      %add3A_983 = arith.addf %add3A_979, %slice3A_982 : vector<256x128xf32>
      %mul3A_984 = arith.mulf %slice3A_982, %slice3A_982 : vector<256x128xf32>
      %add3A_985 = arith.addf %add3A_981, %mul3A_984 : vector<256x128xf32>
      %slice3A_986 = vector.extract_strided_slice %mul3A_858 {offsets = [0, 2048], sizes = [256, 128], strides = [1, 1]} : vector<256x3328xf32> to vector<256x128xf32>
      %add3A_987 = arith.addf %add3A_983, %slice3A_986 : vector<256x128xf32>
      %mul3A_988 = arith.mulf %slice3A_986, %slice3A_986 : vector<256x128xf32>
      %add3A_989 = arith.addf %add3A_985, %mul3A_988 : vector<256x128xf32>
      %slice3A_990 = vector.extract_strided_slice %mul3A_858 {offsets = [0, 2176], sizes = [256, 128], strides = [1, 1]} : vector<256x3328xf32> to vector<256x128xf32>
      %add3A_991 = arith.addf %add3A_987, %slice3A_990 : vector<256x128xf32>
      %mul3A_992 = arith.mulf %slice3A_990, %slice3A_990 : vector<256x128xf32>
      %add3A_993 = arith.addf %add3A_989, %mul3A_992 : vector<256x128xf32>
      %slice3A_994 = vector.extract_strided_slice %mul3A_858 {offsets = [0, 2304], sizes = [256, 128], strides = [1, 1]} : vector<256x3328xf32> to vector<256x128xf32>
      %add3A_995 = arith.addf %add3A_991, %slice3A_994 : vector<256x128xf32>
      %mul3A_996 = arith.mulf %slice3A_994, %slice3A_994 : vector<256x128xf32>
      %add3A_997 = arith.addf %add3A_993, %mul3A_996 : vector<256x128xf32>
      %slice3A_998 = vector.extract_strided_slice %mul3A_858 {offsets = [0, 2432], sizes = [256, 128], strides = [1, 1]} : vector<256x3328xf32> to vector<256x128xf32>
      %add3A_999 = arith.addf %add3A_995, %slice3A_998 : vector<256x128xf32>
      %mul3A_1000 = arith.mulf %slice3A_998, %slice3A_998 : vector<256x128xf32>
      %add3A_1001 = arith.addf %add3A_997, %mul3A_1000 : vector<256x128xf32>
      %slice3A_1002 = vector.extract_strided_slice %mul3A_858 {offsets = [0, 2560], sizes = [256, 128], strides = [1, 1]} : vector<256x3328xf32> to vector<256x128xf32>
      %add3A_1003 = arith.addf %add3A_999, %slice3A_1002 : vector<256x128xf32>
      %mul3A_1004 = arith.mulf %slice3A_1002, %slice3A_1002 : vector<256x128xf32>
      %add3A_1005 = arith.addf %add3A_1001, %mul3A_1004 : vector<256x128xf32>
      %slice3A_1006 = vector.extract_strided_slice %mul3A_858 {offsets = [0, 2688], sizes = [256, 128], strides = [1, 1]} : vector<256x3328xf32> to vector<256x128xf32>
      %add3A_1007 = arith.addf %add3A_1003, %slice3A_1006 : vector<256x128xf32>
      %mul3A_1008 = arith.mulf %slice3A_1006, %slice3A_1006 : vector<256x128xf32>
      %add3A_1009 = arith.addf %add3A_1005, %mul3A_1008 : vector<256x128xf32>
      %slice3A_1010 = vector.extract_strided_slice %mul3A_858 {offsets = [0, 2816], sizes = [256, 128], strides = [1, 1]} : vector<256x3328xf32> to vector<256x128xf32>
      %add3A_1011 = arith.addf %add3A_1007, %slice3A_1010 : vector<256x128xf32>
      %mul3A_1012 = arith.mulf %slice3A_1010, %slice3A_1010 : vector<256x128xf32>
      %add3A_1013 = arith.addf %add3A_1009, %mul3A_1012 : vector<256x128xf32>
      %slice3A_1014 = vector.extract_strided_slice %mul3A_858 {offsets = [0, 2944], sizes = [256, 128], strides = [1, 1]} : vector<256x3328xf32> to vector<256x128xf32>
      %add3A_1015 = arith.addf %add3A_1011, %slice3A_1014 : vector<256x128xf32>
      %mul3A_1016 = arith.mulf %slice3A_1014, %slice3A_1014 : vector<256x128xf32>
      %add3A_1017 = arith.addf %add3A_1013, %mul3A_1016 : vector<256x128xf32>
      %slice3A_1018 = vector.extract_strided_slice %mul3A_858 {offsets = [0, 3072], sizes = [256, 128], strides = [1, 1]} : vector<256x3328xf32> to vector<256x128xf32>
      %add3A_1019 = arith.addf %add3A_1015, %slice3A_1018 : vector<256x128xf32>
      %mul3A_1020 = arith.mulf %slice3A_1018, %slice3A_1018 : vector<256x128xf32>
      %add3A_1021 = arith.addf %add3A_1017, %mul3A_1020 : vector<256x128xf32>
      %slice3A_1022 = vector.extract_strided_slice %mul3A_858 {offsets = [0, 3200], sizes = [256, 128], strides = [1, 1]} : vector<256x3328xf32> to vector<256x128xf32>
      %add3A_1023 = arith.addf %add3A_1019, %slice3A_1022 : vector<256x128xf32>
      %mul3A_1024 = arith.mulf %slice3A_1022, %slice3A_1022 : vector<256x128xf32>
      %add3A_1025 = arith.addf %add3A_1021, %mul3A_1024 : vector<256x128xf32>
      %mul3A_1026 = arith.mulf %add3A_1023, %add3A_1023 : vector<256x128xf32>
      %sub3A_1027 = arith.subf %mul3A_1026, %add3A_1025 : vector<256x128xf32>
      %reduce_sum3A_1028 = arith.constant dense<0.000000e+00> : vector<256xf32>
      %reduce_sum3A_1029 = vector.multi_reduction <add>, %sub3A_1027, %reduce_sum3A_1028 [1] : vector<256x128xf32> to vector<256xf32>
      %broadcast_in_dim3A_1030 = vector.shape_cast %reduce_sum3A_1029 : vector<256xf32> to vector<256x1xf32>
      %mul3A_1031 = arith.constant 5.000000e-01 : f32
      %mul3A_1032 = vector.broadcast %mul3A_1031 : f32 to vector<256x1xf32>
      %mul3A_1033 = arith.mulf %mul3A_1032, %broadcast_in_dim3A_1030 : vector<256x1xf32>
      %slice3A_1034 = vector.extract_strided_slice %add3A_832 {offsets = [0, 0], sizes = [256, 1664], strides = [1, 1]} : vector<256x4992xf32> to vector<256x1664xf32>
      %get3A_1035 = arith.constant 0 : index
      %get3A_1036 = arith.constant 0 : index
      %get3A_1037 = vector.load %arg5[%get3A_1035, %get3A_1036] : memref<1x1664xf32, #tpu.memory_space<vmem>>, vector<1x1664xf32>
      %mul3A_1038 = vector.broadcast %get3A_1037 : vector<1x1664xf32> to vector<256x1664xf32>
      %mul3A_1039 = arith.mulf %slice3A_1034, %mul3A_1038 : vector<256x1664xf32>
      %reduce_sum3A_1040 = arith.constant dense<0.000000e+00> : vector<256xf32>
      %reduce_sum3A_1041 = vector.multi_reduction <add>, %mul3A_1039, %reduce_sum3A_1040 [1] : vector<256x1664xf32> to vector<256xf32>
      %broadcast_in_dim3A_1042 = vector.shape_cast %reduce_sum3A_1041 : vector<256xf32> to vector<256x1xf32>
      %dma_wait3A_1043 = arith.constant 768 : i32
      %dma_wait3A_1044 = arith.constant 0 : i32
      %dma_wait3A_1045 = tpu.memref_slice %arg1[%dma_wait3A_1043, %dma_wait3A_1044] : memref<1024x3328xf32, #tpu.memory_space<hbm>> -> memref<256x3328xf32, #tpu.memory_space<hbm>>
      tpu.wait_dma2 semaphore(%arg17 : memref<!tpu.dma_semaphore, #tpu.memory_space<semaphore_mem>>) src(%dma_wait3A_1045 : memref<256x3328xf32, #tpu.memory_space<hbm>>) dst(%arg15 : memref<256x3328xf32, #tpu.memory_space<vmem>>)
      %get3A_1046 = arith.constant 0 : index
      %get3A_1047 = arith.constant 0 : index
      %get3A_1048 = vector.load %arg15[%get3A_1046, %get3A_1047] : memref<256x3328xf32, #tpu.memory_space<vmem>>, vector<256x3328xf32>
      %slice3A_1049 = vector.extract_strided_slice %add3A_832 {offsets = [0, 1664], sizes = [256, 3328], strides = [1, 1]} : vector<256x4992xf32> to vector<256x3328xf32>
      %mul3A_1050 = arith.mulf %get3A_1048, %slice3A_1049 : vector<256x3328xf32>
      %reduce_sum3A_1051 = arith.constant dense<0.000000e+00> : vector<256xf32>
      %reduce_sum3A_1052 = vector.multi_reduction <add>, %mul3A_1050, %reduce_sum3A_1051 [1] : vector<256x3328xf32> to vector<256xf32>
      %broadcast_in_dim3A_1053 = vector.shape_cast %reduce_sum3A_1052 : vector<256xf32> to vector<256x1xf32>
      %add3A_1054 = arith.addf %broadcast_in_dim3A_1042, %broadcast_in_dim3A_1053 : vector<256x1xf32>
      %add3A_1055 = arith.addf %add3A_1054, %mul3A_1033 : vector<256x1xf32>
      %get3A_1056 = arith.constant 768 : index
      %get3A_1057 = arith.constant 0 : index
      %get3A_1058 = vector.load %arg8[%get3A_1056, %get3A_1057] : memref<1024x1xf32, #tpu.memory_space<vmem>>, vector<256x1xf32>
      %add3A_1059 = arith.addf %add3A_1055, %get3A_1058 : vector<256x1xf32>
      %swap3A_1060 = arith.constant 768 : index
      %swap3A_1061 = arith.constant 0 : index
      %swap3A_1062 = vector.load %arg14[%swap3A_1060, %swap3A_1061] : memref<1024x1xf32, #tpu.memory_space<vmem>>, vector<256x1xf32>
      tpu.vector_store %arg14[%swap3A_1060, %swap3A_1061], %add3A_1059 {strides = array<i32>} : memref<1024x1xf32, #tpu.memory_space<vmem>>, vector<256x1xf32>,
    } else {
    }
    %get3A = arith.constant 0 : index
    %get3A_2 = arith.constant 0 : index
    %get3A_3 = vector.load %arg12[%get3A, %get3A_2] : memref<1024x3456xf8E4M3FN, #tpu.memory_space<vmem>>, vector<1024x3456xf8E4M3FN>
    %get3A_4 = arith.constant 0 : index
    %get3A_5 = arith.constant 0 : index
    %get3A_6 = vector.load %arg9[%get3A_4, %get3A_5] : memref<3456x1024xf8E4M3FN, #tpu.memory_space<vmem>>, vector<3456x1024xf8E4M3FN>
    %dot_general3A = arith.constant dense<0.000000e+00> : vector<1024x1024xf32>
    %dot_general3A_7 = tpu.matmul %get3A_3, %get3A_6, %dot_general3A {dimension_numbers = #tpu.dot_dimension_numbers<[1], [0], [0], [1], [0, 0, 1, 1], [], []>, transpose_lhs_hint = false} : vector<1024x3456xf8E4M3FN>, vector<3456x1024xf8E4M3FN>, vector<1024x1024xf32> -> vector<1024x1024xf32>
    %reduce_sum3A = arith.constant dense<0.000000e+00> : vector<1024xf32>
    %reduce_sum3A_8 = vector.multi_reduction <add>, %dot_general3A_7, %reduce_sum3A [0] : vector<1024x1024xf32> to vector<1024xf32>
    %broadcast_in_dim3A = vector.shape_cast %reduce_sum3A_8 : vector<1024xf32> to vector<1x1024xf32>
    %div3A = arith.constant 1.024000e+03 : f32
    %div3A_9 = vector.broadcast %div3A : f32 to vector<1x1024xf32>
    %div3A_10 = arith.divf %broadcast_in_dim3A, %div3A_9 : vector<1x1024xf32>
    %mul3A = arith.mulf %dot_general3A_7, %dot_general3A_7 : vector<1024x1024xf32>
    %reduce_sum3A_11 = arith.constant dense<0.000000e+00> : vector<1024xf32>
    %reduce_sum3A_12 = vector.multi_reduction <add>, %mul3A, %reduce_sum3A_11 [0] : vector<1024x1024xf32> to vector<1024xf32>
    %broadcast_in_dim3A_13 = vector.shape_cast %reduce_sum3A_12 : vector<1024xf32> to vector<1x1024xf32>
    %div3A_14 = arith.constant 1.024000e+03 : f32
    %div3A_15 = vector.broadcast %div3A_14 : f32 to vector<1x1024xf32>
    %div3A_16 = arith.divf %broadcast_in_dim3A_13, %div3A_15 : vector<1x1024xf32>
    %mul3A_17 = arith.mulf %div3A_10, %div3A_10 : vector<1x1024xf32>
    %sub3A = arith.subf %div3A_16, %mul3A_17 : vector<1x1024xf32>
    %mul3A_18 = arith.constant 5.96046448E-8 : f32
    %mul3A_19 = vector.broadcast %mul3A_18 : f32 to vector<1x1024xf32>
    %mul3A_20 = arith.mulf %sub3A, %mul3A_19 : vector<1x1024xf32>
    %add3A = arith.constant 9.99999974E-6 : f32
    %add3A_21 = vector.broadcast %add3A : f32 to vector<1x1024xf32>
    %add3A_22 = arith.addf %mul3A_20, %add3A_21 : vector<1x1024xf32>
    %rsqrt3A = math.rsqrt %add3A_22 : vector<1x1024xf32>
    %mul3A_23 = arith.constant 2.44140625E-4 : f32
    %mul3A_24 = vector.broadcast %mul3A_23 : f32 to vector<1x1024xf32>
    %mul3A_25 = arith.mulf %rsqrt3A, %mul3A_24 : vector<1x1024xf32>
    %sub3A_26 = vector.broadcast %div3A_10 : vector<1x1024xf32> to vector<1024x1024xf32>
    %sub3A_27 = arith.subf %dot_general3A_7, %sub3A_26 : vector<1024x1024xf32>
    %mul3A_28 = vector.broadcast %mul3A_25 : vector<1x1024xf32> to vector<1024x1024xf32>
    %mul3A_29 = arith.mulf %sub3A_27, %mul3A_28 : vector<1024x1024xf32>
    %convert_element_type3A_30 = arith.truncf %mul3A_29 : vector<1024x1024xf32> to vector<1024x1024xf8E4M3FN>
    %mul3A_31 = arith.constant 1024 : i32
    %mul3A_32 = arith.muli %arg0, %mul3A_31 : i32
    %swap3A = arith.constant 0 : index
    %swap3A_33 = arith.index_cast %mul3A_32 : i32 to index
    %swap3A_34 = vector.load %arg13[%swap3A, %swap3A_33] : memref<1024x2048xf8E4M3FN, #tpu.memory_space<vmem>>, vector<1024x1024xf8E4M3FN>
    tpu.vector_store %arg13[%swap3A, %swap3A_33], %convert_element_type3A_30 {strides = array<i32>} : memref<1024x2048xf8E4M3FN, #tpu.memory_space<vmem>>, vector<1024x1024xf8E4M3FN>,
    %eq3A_35 = arith.constant 1 : i32
    %eq3A_36 = arith.cmpi eq, %arg0, %eq3A_35 : i32
    %convert_element_type3A_37 = arith.extui %eq3A_36 : i1 to i32
    %cond3A_38 = arith.constant 0 : i32
    %cond3A_39 = arith.cmpi ne, %convert_element_type3A_37, %cond3A_38 : i32
    scf.if %cond3A_39 {
      %get3A_40 = arith.constant 0 : index
      %get3A_41 = arith.constant 0 : index
      %get3A_42 = vector.load %arg13[%get3A_40, %get3A_41] : memref<1024x2048xf8E4M3FN, #tpu.memory_space<vmem>>, vector<1024x2048xf8E4M3FN>
      %get3A_43 = arith.constant 0 : index
      %get3A_44 = arith.constant 0 : index
      %get3A_45 = vector.load %arg10[%get3A_43, %get3A_44] : memref<2048x1024xf8E4M3FN, #tpu.memory_space<vmem>>, vector<2048x1024xf8E4M3FN>
      %dot_general3A_46 = arith.constant dense<0.000000e+00> : vector<1024x1024xf32>
      %dot_general3A_47 = tpu.matmul %get3A_42, %get3A_45, %dot_general3A_46 {dimension_numbers = #tpu.dot_dimension_numbers<[1], [0], [0], [1], [0, 0, 1, 1], [], []>, transpose_lhs_hint = false} : vector<1024x2048xf8E4M3FN>, vector<2048x1024xf8E4M3FN>, vector<1024x1024xf32> -> vector<1024x1024xf32>
      %reduce_sum3A_48 = arith.constant dense<0.000000e+00> : vector<1024xf32>
      %reduce_sum3A_49 = vector.multi_reduction <add>, %dot_general3A_47, %reduce_sum3A_48 [0] : vector<1024x1024xf32> to vector<1024xf32>
      %broadcast_in_dim3A_50 = vector.shape_cast %reduce_sum3A_49 : vector<1024xf32> to vector<1x1024xf32>
      %div3A_51 = arith.constant 1.024000e+03 : f32
      %div3A_52 = vector.broadcast %div3A_51 : f32 to vector<1x1024xf32>
      %div3A_53 = arith.divf %broadcast_in_dim3A_50, %div3A_52 : vector<1x1024xf32>
      %mul3A_54 = arith.mulf %dot_general3A_47, %dot_general3A_47 : vector<1024x1024xf32>
      %reduce_sum3A_55 = arith.constant dense<0.000000e+00> : vector<1024xf32>
      %reduce_sum3A_56 = vector.multi_reduction <add>, %mul3A_54, %reduce_sum3A_55 [0] : vector<1024x1024xf32> to vector<1024xf32>
      %broadcast_in_dim3A_57 = vector.shape_cast %reduce_sum3A_56 : vector<1024xf32> to vector<1x1024xf32>
      %div3A_58 = arith.constant 1.024000e+03 : f32
      %div3A_59 = vector.broadcast %div3A_58 : f32 to vector<1x1024xf32>
      %div3A_60 = arith.divf %broadcast_in_dim3A_57, %div3A_59 : vector<1x1024xf32>
      %mul3A_61 = arith.mulf %div3A_53, %div3A_53 : vector<1x1024xf32>
      %sub3A_62 = arith.subf %div3A_60, %mul3A_61 : vector<1x1024xf32>
      %mul3A_63 = arith.constant 2.44140625E-4 : f32
      %mul3A_64 = vector.broadcast %mul3A_63 : f32 to vector<1x1024xf32>
      %mul3A_65 = arith.mulf %sub3A_62, %mul3A_64 : vector<1x1024xf32>
      %add3A_66 = arith.constant 9.99999974E-6 : f32
      %add3A_67 = vector.broadcast %add3A_66 : f32 to vector<1x1024xf32>
      %add3A_68 = arith.addf %mul3A_65, %add3A_67 : vector<1x1024xf32>
      %rsqrt3A_69 = math.rsqrt %add3A_68 : vector<1x1024xf32>
      %mul3A_70 = arith.constant 1.562500e-02 : f32
      %mul3A_71 = vector.broadcast %mul3A_70 : f32 to vector<1x1024xf32>
      %mul3A_72 = arith.mulf %rsqrt3A_69, %mul3A_71 : vector<1x1024xf32>
      %sub3A_73 = vector.broadcast %div3A_53 : vector<1x1024xf32> to vector<1024x1024xf32>
      %sub3A_74 = arith.subf %dot_general3A_47, %sub3A_73 : vector<1024x1024xf32>
      %mul3A_75 = vector.broadcast %mul3A_72 : vector<1x1024xf32> to vector<1024x1024xf32>
      %mul3A_76 = arith.mulf %sub3A_74, %mul3A_75 : vector<1024x1024xf32>
      %reduce_sum3A_77 = arith.constant dense<0.000000e+00> : vector<1024xf32>
      %reduce_sum3A_78 = vector.multi_reduction <add>, %mul3A_76, %reduce_sum3A_77 [1] : vector<1024x1024xf32> to vector<1024xf32>
      %broadcast_in_dim3A_79 = vector.shape_cast %reduce_sum3A_78 : vector<1024xf32> to vector<1024x1xf32>
      %get3A_80 = arith.constant 0 : index
      %get3A_81 = arith.constant 0 : index
      %get3A_82 = vector.load %arg14[%get3A_80, %get3A_81] : memref<1024x1xf32, #tpu.memory_space<vmem>>, vector<1024x1xf32>
      %add3A_83 = arith.addf %broadcast_in_dim3A_79, %get3A_82 : vector<1024x1xf32>
      %swap3A_84 = arith.constant 0 : index
      %swap3A_85 = arith.constant 0 : index
      %swap3A_86 = vector.load %arg11[%swap3A_84, %swap3A_85] : memref<1024x1xf32, #tpu.memory_space<vmem>>, vector<1024x1xf32>
      tpu.vector_store %arg11[%swap3A_84, %swap3A_85], %add3A_83 {strides = array<i32>} : memref<1024x1xf32, #tpu.memory_space<vmem>>, vector<1024x1xf32>,
    } else {
    }
    return
  }
  func.func @transform_2(%arg0: i32) -> (i32, i32) {
    %c0_i32 = arith.constant 0 : i32
    %c0_i32_0 = arith.constant 0 : i32
    %c0_i32_1 = arith.constant 0 : i32
    return %c0_i32, %c0_i32_0 : i32, i32
  }
  func.func @transform_3(%arg0: i32) -> (i32, i32) {
    %c0_i32 = arith.constant 0 : i32
    %c0_i32_0 = arith.constant 0 : i32
    %c0_i32_1 = arith.constant 0 : i32
    return %c0_i32, %c0_i32_0 : i32, i32
  }
  func.func @transform_4(%arg0: i32) -> (i32, i32) {
    %c0_i32 = arith.constant 0 : i32
    %c0_i32_0 = arith.constant 0 : i32
    %c0_i32_1 = arith.constant 0 : i32
    return %c0_i32, %c0_i32_0 : i32, i32
  }
  func.func @transform_5(%arg0: i32) -> (i32, i32) {
    %c0_i32 = arith.constant 0 : i32
    %c0_i32_0 = arith.constant 0 : i32
    %c0_i32_1 = arith.constant 0 : i32
    return %c0_i32, %c0_i32_0 : i32, i32
  }
  func.func @transform_6(%arg0: i32) -> (i32, i32) {
    %c0_i32 = arith.constant 0 : i32
    %c0_i32_0 = arith.constant 0 : i32
    %c0_i32_1 = arith.constant 0 : i32
    return %c0_i32, %c0_i32_0 : i32, i32
  }
  func.func @transform_7(%arg0: i32) -> (i32, i32) {
    %c0_i32 = arith.constant 0 : i32
    %c0_i32_0 = arith.constant 0 : i32
    %c0_i32_1 = arith.constant 0 : i32
    return %c0_i32, %c0_i32_0 : i32, i32
  }
  func.func @transform_8(%arg0: i32) -> (i32, i32) {
    %c0_i32 = arith.constant 0 : i32
    %c0_i32_0 = arith.constant 0 : i32
    return %c0_i32, %arg0 : i32, i32
  }
  func.func @transform_9(%arg0: i32) -> (i32, i32) {
    %c0_i32 = arith.constant 0 : i32
    %c0_i32_0 = arith.constant 0 : i32
    %c0_i32_1 = arith.constant 0 : i32
    return %c0_i32, %c0_i32_0 : i32, i32
  }
  func.func @transform_10(%arg0: i32) -> (i32, i32) {
    %c0_i32 = arith.constant 0 : i32
    %c0_i32_0 = arith.constant 0 : i32
    %c0_i32_1 = arith.constant 0 : i32
    return %c0_i32, %c0_i32_0 : i32, i32
  }
}

</mosaic_0001>

<sc_bundles>
// kernel: kernel.5.cloned.1.call-start
scs
__scs_entry_jumppad:
0x0: {  	(pc) =	sbr.rel $0x88, $3  }
0x1: {  	(tag) =	ssettag $0x0;
	lr =	simm.s32 $0x1  }
0x2: {  	[smem:$0x3F98] =	sst lr;
	_ =	strace $0xD0000000  }
0x3: {  	_ = 	snop  }
0x4: {  	_ = 	snop  }
0x5: {  	_ = 	snop  }
0x6: {  	_ = 	snop  }
0x7: {  	_ = 	snop  }
__scs_overlays_trampoline_lowered:
0x8: {  	[smem:$0x3FA7] =	sst s0  }
0x9: {  	[smem:$0x3FA8] =	sst s1  }
0xa: {  	[smem:$0x3FA9] =	sst s2  }
0xb: {  	[smem:$0x3FAA] =	sst s3  }
0xc: {  	[smem:$0x3FAB] =	sst s4  }
0xd: {  	[smem:$0x3FAC] =	sst s5  }
0xe: {  	[smem:$0x3FAD] =	sst s6  }
0xf: {  	[smem:$0x3FAE] =	sst s7  }
0x10: {  	[smem:$0x3FAF] =	sst s8  }
0x11: {  	[smem:$0x3FB0] =	sst s9;
	s0 =	simm.s32 @!p0 $0x0  }
0x12: {  	s1 =	sld [smem:$0x3F96];
	s0 =	simm.s32 @p0 $0x1  }
0x13: {  	[smem:$0x3FB1] =	sst s0;
	s0 =	simm.s32 @!p1 $0x0  }
0x14: {  	s2 =	sld [smem:$0x3F95];
	s0 =	simm.s32 @p1 $0x1  }
0x15: {  	[smem:$0x3FB2] =	sst s0;
	s0 =	simm.s32 @!p2 $0x0  }
0x16: {  	s3 =	sld [smem:$0x3FDB];
	s0 =	simm.s32 @p2 $0x1  }
0x17: {  	s4 =	simm.s32 $0x1BF5;
	[smem:$0x3FB4] =	sst s0  }
0x18: {  	s0 =	sld [smem:$0x3F97];
	_ =	swait.ge [sflag:s4], $0x0  }
0x19: {  	s7 =	sld [smem:$0x3F98]  }
0x1a: {  	s8 =	sadd.s32 $0xFFFFE003, lr  }
0x1b: {  	s9 =	sadd.s32 $0xFFFFFEF7, lr;
	s5 =	simm.s32 $0xFFFFFFFF;
	p2 =	slt.u32 s8, $0xFFFFF086  }
0x1c: {  	p1 =	slt.u32 s9, $0xF7A;
	s5 =	simm.s32 @!p2 $0x0  }
0x1d: {  	s5 =	simm.s32 @p1 $0x1;
	p0 =	seq.s32 s7, s2  }
0x1e: {  	s7 =	smul.u32 @!p0 $0xF7A, s2;
	p2 =	seq.s32 @!p0 s5, $0x0  }
0x1f: {  	s9 =	smul.u32 $0xF7A, s1;
	s8 =	simm.s32 @!p0 $0x1BF5;
	p2 =	por !p2, p0  }
0x20: {  	[sflag:s8] =	ssyncset.s32 @!p0 $0xFFFFF086;
	s6 =	sadd.s32 @!p0 s3, s7;
	s7 =	simm.s32 @!p0 $0x108  }
0x21: {  	s3 =	sadd.s32 s3, s9;
	s6 =	sadd.s32 @!p0 $0x88, s6;
	s7 =	simm.s32 @p2 $0x1082  }
0x22: {  	[simem:s7], [sflag:s8] =	dma.local @!p0 [hbm:s6], $0xF7A  }
0x23: {  	s9 =	sor.u32 $0xD0000000, s2;
	s6 =	simm.s32 $0x108;
	_ =	swait.ge @!p0 [sflag:s8], $0x0  }
0x24: {  	s3 =	sadd.s32 $0x88, s3;
	s6 =	simm.s32 @!p1 $0x1082;
	[sflag:s4] =	ssyncset.s32 $0xFFFFF086  }
0x25: {  	[simem:s6], [sflag:s4] =	dma.local [hbm:s3], $0xF7A  }
0x26: {  	[smem:$0x3F98] =	sst s1;
	(tag) =	ssettag s2;
	_ =	strace s9  }
0x27: {  	s1 =	sld [smem:$0x3FA8]  }
0x28: {  	s2 =	sld [smem:$0x3FA9]  }
0x29: {  	s4 =	sld [smem:$0x3FAB]  }
0x2a: {  	p0 =	seq.s32 s5, $0x0;
	s5 =	sld [smem:$0x3FAC]  }
0x2b: {  	s6 =	sld [smem:$0x3FAD]  }
0x2c: {  	s7 =	sld [smem:$0x3FAE]  }
0x2d: {  	s3 =	simm.s32 $0x108;
	s8 =	sld [smem:$0x3FAF]  }
0x2e: {  	s3 =	simm.s32 @!p0 $0x1082;
	s9 =	sld [smem:$0x3FB0]  }
0x2f: {  	lr =	sadd.s32 s0, s3;
	s0 =	sld [smem:$0x3FA7]  }
0x30: {  	s3 =	sld [smem:$0x3FAA]  }
0x31: {  	[smem:$0x3FB3] =	sst s10  }
0x32: {  	s10 =	sld [smem:$0x3FB1];
	_ =	sdelay $0x3  }
0x33: {  	p0 =	seq.s32 s10, $0x1;
	s10 =	sld [smem:$0x3FB3];
	_ =	sdelay $0x3  }
0x34: {  	[smem:$0x3FB3] =	sst s10  }
0x35: {  	s10 =	sld [smem:$0x3FB2];
	_ =	sdelay $0x3  }
0x36: {  	p1 =	seq.s32 s10, $0x1;
	s10 =	sld [smem:$0x3FB3];
	_ =	sdelay $0x3  }
0x37: {  	[smem:$0x3FB3] =	sst s10  }
0x38: {  	s10 =	sld [smem:$0x3FB4]  }
0x39: {  	_ = 	snop;
	(pc) =	sbr.ind lr, $3  }
0x3a: {  	_ = 	snop  }
0x3b: {  	_ = 	snop  }
0x3c: {  	p2 =	seq.s32 s10, $0x1;
	s10 =	sld [smem:$0x3FB3]  }
0x3d: {  	_ =	shalt  }
0x3e: {  	_ =	shalt  }
0x3f: {  	_ =	shalt  }
0x40: {  	_ =	shalt  }
0x41: {  	_ =	shalt  }
0x42: {  	_ =	shalt  }
0x43: {  	_ =	shalt  }
0x44: {  	_ =	shalt  }
0x45: {  	_ =	shalt  }
0x46: {  	_ =	shalt  }
0x47: {  	_ =	shalt  }
0x48: {  	_ =	shalt  }
0x49: {  	_ =	shalt  }
0x4a: {  	_ =	shalt  }
0x4b: {  	_ =	shalt  }
0x4c: {  	_ =	shalt  }
0x4d: {  	_ =	shalt  }
0x4e: {  	_ =	shalt  }
0x4f: {  	_ =	shalt  }
0x50: {  	_ =	shalt  }
0x51: {  	_ =	shalt  }
0x52: {  	_ =	shalt  }
0x53: {  	_ =	shalt  }
0x54: {  	_ =	shalt  }
0x55: {  	_ =	shalt  }
0x56: {  	_ =	shalt  }
0x57: {  	_ =	shalt  }
0x58: {  	_ =	shalt  }
0x59: {  	_ =	shalt  }
0x5a: {  	_ =	shalt  }
0x5b: {  	_ =	shalt  }
0x5c: {  	_ =	shalt  }
0x5d: {  	_ =	shalt  }
0x5e: {  	_ =	shalt  }
0x5f: {  	_ =	shalt  }
0x60: {  	_ =	shalt  }
0x61: {  	_ =	shalt  }
0x62: {  	_ =	shalt  }
0x63: {  	_ =	shalt  }
0x64: {  	_ =	shalt  }
0x65: {  	_ =	shalt  }
0x66: {  	_ =	shalt  }
0x67: {  	_ =	shalt  }
0x68: {  	_ =	shalt  }
0x69: {  	_ =	shalt  }
0x6a: {  	_ =	shalt  }
0x6b: {  	_ =	shalt  }
0x6c: {  	_ =	shalt  }
0x6d: {  	_ =	shalt  }
0x6e: {  	_ =	shalt  }
0x6f: {  	_ =	shalt  }
0x70: {  	_ =	shalt  }
0x71: {  	_ =	shalt  }
0x72: {  	_ =	shalt  }
0x73: {  	_ =	shalt  }
0x74: {  	_ =	shalt  }
0x75: {  	_ =	shalt  }
0x76: {  	_ =	shalt  }
0x77: {  	_ =	shalt  }
0x78: {  	_ =	shalt  }
0x79: {  	_ =	shalt  }
0x7a: {  	_ =	shalt  }
0x7b: {  	_ =	shalt  }
0x7c: {  	_ =	shalt  }
0x7d: {  	_ =	shalt  }
0x7e: {  	_ =	shalt  }
0x7f: {  	_ =	shalt  }
0x80: {  	_ =	shalt  }
0x81: {  	_ =	shalt  }
0x82: {  	_ =	shalt  }
0x83: {  	_ =	shalt  }
0x84: {  	_ =	shalt  }
0x85: {  	_ =	shalt  }
0x86: {  	_ =	shalt  }
0x87: {  	_ =	shalt  }
.Lfunc_end0:
.L_simem_size_0:
called_computation_lowered:
.L_overlay_start_0:
0x88: {  	s2 =	sld [smem:$0x3FD9]  }
0x89: {  	s3 =	sld [smem:$0x3FFE];
	_ =	sdelay $0x1  }
0x8a: {  	s1 =	srdreg.scid  }
0x8b: {  	s0 =	sand.u32 $0x1, s1  }
0x8c: {  	s17 =	sshll.u32 s0, $0xA;
	s2 =	sadd.s32 s3, s2  }
0x8d: {  	s2 =	sadd.s32 s2, s17  }
0x8e: {  	[smem:$0x3FBF] =	sst s2  }
0x8f: {  	_ = 	snop  }
0x90: {  	s2 =	sld [smem:$0x3FC6]  }
0x91: {  	s18 =	sld [smem:$0x3FC4];
	(tm) =	ssettm $0x1  }
0x92: {  	s4 =	sld [smem:$0x3FFB];
	_ =	sdelay $0x3  }
0x93: {  	_ =	strace s4  }
0x94: {  	s4 =	sld [smem:$0x3FFC];
	_ =	sdelay $0x3  }
0x95: {  	_ =	strace s4  }
0x96: {  	s4 =	sld [smem:$0x3FFD];
	_ =	sdelay $0x3  }
0x97: {  	_ =	strace s4  }
0x98: {  	_ =	strace $0x8FFFFFFF  }
0x99: {  	s19 =	sld [smem:$0x3FDB];
	_ =	sdelay $0x1  }
0x9a: {  	s5 =	simm.s32 $_scs_section_size  }
0x9b: {  	s6 =	simm.s32 $_size__tile_overlayer_lowered;
	s7 =	simm.s32 $_tile_overlayer_lowered  }
0x9c: {  	s22 =	simm.s32 $0x1BFF;
	s21 =	sshll.u32 s7, $0x1;
	s4 =	sadd.s32 s5, s19  }
0x9d: {  	s8 =	simm.s32 $0x0;
	s20 =	sshll.u32 s6, $0x1;
	s6 =	sadd.s32 s21, s4  }
0x9e: {  	[timem:s8], [sflag:s22] =	dma.local [hbm:s6], s20  }
0x9f: {  	_ =	swait.ge [sflag:s22], s20  }
0xa0: {  	s5 =	ssub.s32 $0x0, s20;
	[sflag:s22] =	ssyncset.done $0x0  }
0xa1: {  	[sflag:s22] =	ssyncadd.s32 s5;
	_ =	sdelay $0x1  }
0xa2: {  	s23 =	simm.s32 $0x1B8B  }
0xa3: {  	_ =	swait.ge [sflag:s23], $0x1  }
0xa4: {  	[sflag:s23] =	ssyncset.done $0x0  }
0xa5: {  	s25 =	simm.s32 $0x1B8E;
	s24 =	sld [smem:$0x3FFE];
	[sflag:s23] =	ssyncadd.s32 $0xFFFFFFFF  }
0xa6: {  	s26 =	simm.s32 $execute0_lowered;
	[smem:$0x3FD2] =	sst s25  }
0xa7: {  	s6 =	sshll.u32 s26, $0x1;
	_ =	strace $0x80000046;
	[dreg:$0x1] =	wrdreg $0xFFFFFFFF  }
0xa8: {  	s28 =	simm.s32 $_size_execute0_lowered;
	s4 =	sadd.s32 s4, s6;
	[dreg:$0x0] =	wrdreg $0x0  }
0xa9: {  	s6 =	sshll.u32 s28, $0x1;
	[dreg:$0x2] =	wrdreg s4  }
0xaa: {  	[dreg:$0x3] =	wrdreg s6  }
0xab: {  	[dreg:$0x4] =	wrdreg $0xC0  }
0xac: {  	_ =	task [dreg:s8], $0x5FFFF  }
0xad: {  	[dreg:$0x1] =	wrdreg $0xFFFFFFFF  }
0xae: {  	[dreg:$0x0] =	wrdreg $0x60  }
0xaf: {  	[dreg:$0x2] =	wrdreg s2  }
0xb0: {  	[dreg:$0x3] =	wrdreg s18  }
0xb1: {  	[dreg:$0x4] =	wrdreg s24  }
0xb2: {  	[dreg:$0x5] =	wrdreg $0x9  }
0xb3: {  	_ =	task.clear_ibuf [dreg:s8], $0x6FFFF;
	_ =	strace $0x90000046  }
0xb4: {  	s29 =	simm.s32 $0x9;
	_ =	strace $0x80000048  }
0xb5: {  	_ =	swait.ge [sflag:s29], $0x1  }
0xb6: {  	[sflag:s29] =	ssyncadd.s32 $0xFFFFFFFF  }
0xb7: {  	_ =	strace $0x90000048  }
0xb8: {  	_ =	sfence  }
0xb9: {  	s30 =	sld [smem:$0x0];
	_ =	sdelay $0x2  }
0xba: {  	s31 =	sshll.u32 s1, $0xD;
	s1 =	sshrl.u32 s1, $0x2  }
0xbb: {  	s3 =	sand.u32 $0x4000, s31;
	s1 =	sadd.s32 s1, s30  }
0xbc: {  	s0 =	sor.u32 s3, s0;
	s1 =	sshll.u32 s1, $0x11  }
0xbd: {  	s0 =	sor.u32 s1, s0  }
0xbe: {  	s0 =	sadd.s32 $0x8F2B, s0  }
0xbf: {  	[sflag:s0] =	ssyncadd.remote.s32 $0x1  }
0xc0: {  	_ =	sfence.sel $0xFFFF  }
0xc1: {  	[dreg:$0x0] =	wrdreg $0xFFFFFFFF;
	(pc) =	sbr.abs _section_cstart, $3  }
0xc2: {  	[dreg:$0x1] =	wrdreg $0xFFFFFFFF  }
0xc3: {  	_ =	task.clear_ibuf [dreg:s8], $0x2FFFF;
	_ =	strace $0x9FFFFFFF  }
0xc4: {  	(tm) =	ssettm $0x7FFFFFFF  }
0xc5: {  	_ =	shalt  }
tec
execute0_lowered:
.L_overlay_start_1:
0x0: {  	(tag) =	ssettag $0x1  }
0x1: {  	s0 =	srdreg.scid;
	s2 =	stileid.u32  }
0x2: {  	s0 =	sand.u32 $0x1, s0;
	s1 =	sshll.u32 s2, $0x1  }
0x3: {  	s6 =	rddreg [dreg:$0x2];
	s3 =	sshrl.u32 s2, $0x2;
	s1 =	sor.u32 s0, s1  }
0x4: {  	s16 =	simm.s32 $0x80;
	s4 =	smul.u32 $0x1C00, s3;
	s5 =	sshll.u32 s1, $0x7  }
0x5: {  	s2 =	rddreg [dreg:$0x0];
	s1 =	smul.u32 $0x3400, s1;
	s5 =	sand.u32 $0x380, s5  }
0x6: {  	s3 =	rddreg [dreg:$0x1];
	s5 =	sor.u32 s4, s5;
	s4 =	simm.s32 $0x0  }
0x7: {  	s21 =	simm.s32 $0x400;
	s1 =	sadd.s32 s1, s6;
	[smem:$0x7FF] =	sst s4  }
0x8: {  	s17 =	sadd.s32 $0x2600, s1;
	_ =	strace $0x80000047;
	[dreg:$0x5] =	wrdreg s16  }
0x9: {  	[dreg:$0x6] =	wrdreg s21;
	s22 =	sadd.s32 $0x680, s17  }
0xa: {  	[dreg:$0x7] =	wrdreg s22  }
0xb: {  	s5 =	sshrl.u32 s5, $0x3;
	s8 =	rddreg [dreg:$0x6]  }
0xc: {  	s5 =	sadd.s32 s5, s6;
	s10 =	sadd.s32 $0xD00, s17;
	s23 =	rddreg [dreg:$0x5]  }
0xd: {  	s6 =	sadd.s32 $0x6A600, s1;
	s5 =	sadd.s32 $0x1800, s5;
	[dreg:$0x9] =	wrdreg s10  }
0xe: {  	s7 =	sadd.s32 $0x680, s6;
	[dreg:$0x4] =	wrdreg s5  }
0xf: {  	[dreg:$0x8] =	wrdreg s7  }
0x10: {  	s7 =	simm.s32 $0x3;
	s9 =	rddreg [dreg:$0x4]  }
0x11: {  	[tilespmem:s4], [sflag:$0x3] =	stream.strided.gather [hbm4b:s9+s23], $0x380, s8, s23, $0x38;
	[tilespmem:$0xD380] =	vst v63  }
0x12: {  	_ =	swait.ge [sflag:s7], $0x380  }
0x13: {  	[sflag:s7] =	ssyncset.done $0x0  }
0x14: {  	s8 =	simm.s32 $0x68;
	s9 =	simm.s32 $0x380;
	[sflag:s7] =	ssyncadd.s32 $0xFFFFFC80  }
0x15: {  	[tilespmem:s9], [sflag:$0x1] =	stream.indirect.gather [hbm4b:s2+s8], $0x80, s4, s8, $0xb8;
	[tilespmem:$0xD380] =	vst v63  }
0x16: {  	s11 =	simm.s32 $0x1;
	s10 =	simm.s32 $0x6B80  }
0x17: {  	[tilespmem:s10], [sflag:$0x1] =	stream.indirect.gather [hbm4b:s3+s8], $0x80, s4, s8, $0xb8;
	[tilespmem:$0xD380] =	vst v63  }
0x18: {  	_ =	swait.ge [sflag:s11], $0x3400  }
0x19: {  	[sflag:s11] =	ssyncset.done $0x0  }
0x1a: {  	[sflag:s11] =	ssyncadd.s32 $0xFFFFCC00  }
0x1b: {  	_ =	swait.ge [sflag:s11], $0x3400  }
0x1c: {  	[sflag:s11] =	ssyncset.done $0x0  }
0x1d: {  	[sflag:s11] =	ssyncadd.s32 $0xFFFFCC00  }
0x1e: {  	[hbm4b:s17+s4] =	stream.linear.scatter [tilespmem:s9], [sflag:$0x2], $0x3400, $0x38;
	[tilespmem:$0xD380] =	vst v63  }
0x1f: {  	_ = 	snop  }
0x20: {  	[hbm4b:s6+s4] =	stream.linear.scatter [tilespmem:s10], [sflag:$0x2], $0x3400, $0x38;
	[tilespmem:$0xD380] =	vst v63  }
0x21: {  	s12 =	simm.s32 $0x3780  }
0x22: {  	[tilespmem:s12], [sflag:$0x1] =	stream.indirect.gather [hbm4b:s2+s8], $0x80, s8, s8, $0xb8;
	[tilespmem:$0xD380] =	vst v63  }
0x23: {  	s13 =	simm.s32 $0x9F80  }
0x24: {  	[tilespmem:s13], [sflag:$0x1] =	stream.indirect.gather [hbm4b:s3+s8], $0x80, s8, s8, $0xb8;
	[tilespmem:$0xD380] =	vst v63  }
0x25: {  	_ =	swait.ge [sflag:s11], $0x3400  }
0x26: {  	[sflag:s11] =	ssyncset.done $0x0  }
0x27: {  	[sflag:s11] =	ssyncadd.s32 $0xFFFFCC00  }
0x28: {  	_ =	swait.ge [sflag:s11], $0x3400  }
0x29: {  	[sflag:s11] =	ssyncset.done $0x0  }
0x2a: {  	s24 =	rddreg [dreg:$0x7];
	[sflag:s11] =	ssyncadd.s32 $0xFFFFCC00  }
0x2b: {  	[hbm4b:s24+s4] =	stream.linear.scatter [tilespmem:s12], [sflag:$0x2], $0x3400, $0x38;
	[tilespmem:$0xD380] =	vst v63  }
0x2c: {  	s14 =	simm.s32 $0x2;
	s15 =	rddreg [dreg:$0x8]  }
0x2d: {  	[hbm4b:s15+s4] =	stream.linear.scatter [tilespmem:s13], [sflag:$0x2], $0x3400, $0x38;
	[tilespmem:$0xD380] =	vst v63  }
0x2e: {  	_ =	swait.ge [sflag:s14], $0x3400  }
0x2f: {  	[sflag:s14] =	ssyncset.done $0x0  }
0x30: {  	[sflag:s14] =	ssyncadd.s32 $0xFFFFCC00  }
0x31: {  	_ =	swait.ge [sflag:s14], $0x3400  }
0x32: {  	[sflag:s14] =	ssyncset.done $0x0  }
0x33: {  	s25 =	simm.s32 $0xD0;
	[sflag:s14] =	ssyncadd.s32 $0xFFFFCC00  }
0x34: {  	[tilespmem:s9], [sflag:$0x1] =	stream.indirect.gather [hbm4b:s2+s8], $0x80, s25, s8, $0xb8;
	[tilespmem:$0xD380] =	vst v63  }
0x35: {  	_ = 	snop  }
0x36: {  	[tilespmem:s10], [sflag:$0x1] =	stream.indirect.gather [hbm4b:s3+s8], $0x80, s25, s8, $0xb8;
	[tilespmem:$0xD380] =	vst v63  }
0x37: {  	_ =	swait.ge [sflag:s11], $0x3400  }
0x38: {  	[sflag:s11] =	ssyncset.done $0x0  }
0x39: {  	[sflag:s11] =	ssyncadd.s32 $0xFFFFCC00  }
0x3a: {  	_ =	swait.ge [sflag:s11], $0x3400  }
0x3b: {  	[sflag:s11] =	ssyncset.done $0x0  }
0x3c: {  	s15 =	sadd.s32 $0xD00, s6;
	s26 =	rddreg [dreg:$0x9];
	[sflag:s11] =	ssyncadd.s32 $0xFFFFCC00  }
0x3d: {  	[hbm4b:s26+s4] =	stream.linear.scatter [tilespmem:s9], [sflag:$0x2], $0x3400, $0x38;
	[tilespmem:$0xD380] =	vst v63  }
0x3e: {  	[dreg:$0xa] =	wrdreg s15  }
0x3f: {  	[hbm4b:s15+s4] =	stream.linear.scatter [tilespmem:s10], [sflag:$0x2], $0x3400, $0x38;
	[tilespmem:$0xD380] =	vst v63  }
0x40: {  	_ =	swait.ge [sflag:s14], $0x3400  }
0x41: {  	[sflag:s14] =	ssyncset.done $0x0  }
0x42: {  	[sflag:s14] =	ssyncadd.s32 $0xFFFFCC00  }
0x43: {  	_ =	swait.ge [sflag:s14], $0x3400  }
0x44: {  	[sflag:s14] =	ssyncset.done $0x0  }
0x45: {  	s16 =	simm.s32 $0x138;
	[sflag:s14] =	ssyncadd.s32 $0xFFFFCC00  }
0x46: {  	[tilespmem:s12], [sflag:$0x1] =	stream.indirect.gather [hbm4b:s2+s8], $0x80, s16, s8, $0xb8;
	[tilespmem:$0xD380] =	vst v63  }
0x47: {  	_ = 	snop  }
0x48: {  	[tilespmem:s13], [sflag:$0x1] =	stream.indirect.gather [hbm4b:s3+s8], $0x80, s16, s8, $0xb8;
	[tilespmem:$0xD380] =	vst v63  }
0x49: {  	_ =	swait.ge [sflag:s11], $0x3400  }
0x4a: {  	[sflag:s11] =	ssyncset.done $0x0  }
0x4b: {  	[sflag:s11] =	ssyncadd.s32 $0xFFFFCC00  }
0x4c: {  	_ =	swait.ge [sflag:s11], $0x3400  }
0x4d: {  	[sflag:s11] =	ssyncset.done $0x0  }
0x4e: {  	s18 =	sadd.s32 $0x1380, s17;
	[sflag:s11] =	ssyncadd.s32 $0xFFFFCC00  }
0x4f: {  	[hbm4b:s18+s4] =	stream.linear.scatter [tilespmem:s12], [sflag:$0x2], $0x3400, $0x38;
	[tilespmem:$0xD380] =	vst v63  }
0x50: {  	s19 =	sadd.s32 $0x1380, s6  }
0x51: {  	[hbm4b:s19+s4] =	stream.linear.scatter [tilespmem:s13], [sflag:$0x2], $0x3400, $0x38;
	[tilespmem:$0xD380] =	vst v63  }
0x52: {  	_ =	swait.ge [sflag:s14], $0x3400  }
0x53: {  	[sflag:s14] =	ssyncset.done $0x0  }
0x54: {  	[sflag:s14] =	ssyncadd.s32 $0xFFFFCC00  }
0x55: {  	_ =	swait.ge [sflag:s14], $0x3400  }
0x56: {  	[sflag:s14] =	ssyncset.done $0x0  }
0x57: {  	s20 =	simm.s32 $0x1A0;
	[sflag:s14] =	ssyncadd.s32 $0xFFFFCC00  }
0x58: {  	[tilespmem:s9], [sflag:$0x1] =	stream.indirect.gather [hbm4b:s2+s8], $0x80, s20, s8, $0xb8;
	[tilespmem:$0xD380] =	vst v63  }
0x59: {  	_ = 	snop  }
0x5a: {  	[tilespmem:s10], [sflag:$0x1] =	stream.indirect.gather [hbm4b:s3+s8], $0x80, s20, s8, $0xb8;
	[tilespmem:$0xD380] =	vst v63  }
0x5b: {  	_ =	swait.ge [sflag:s11], $0x3400  }
0x5c: {  	[sflag:s11] =	ssyncset.done $0x0  }
0x5d: {  	[sflag:s11] =	ssyncadd.s32 $0xFFFFCC00  }
0x5e: {  	_ =	swait.ge [sflag:s11], $0x3400  }
0x5f: {  	[sflag:s11] =	ssyncset.done $0x0  }
0x60: {  	s21 =	sadd.s32 $0x1A00, s17;
	[sflag:s11] =	ssyncadd.s32 $0xFFFFCC00  }
0x61: {  	[hbm4b:s21+s4] =	stream.linear.scatter [tilespmem:s9], [sflag:$0x2], $0x3400, $0x38;
	[tilespmem:$0xD380] =	vst v63  }
0x62: {  	s22 =	sadd.s32 $0x1A00, s6  }
0x63: {  	[hbm4b:s22+s4] =	stream.linear.scatter [tilespmem:s10], [sflag:$0x2], $0x3400, $0x38;
	[tilespmem:$0xD380] =	vst v63  }
0x64: {  	_ =	swait.ge [sflag:s14], $0x3400  }
0x65: {  	[sflag:s14] =	ssyncset.done $0x0  }
0x66: {  	[sflag:s14] =	ssyncadd.s32 $0xFFFFCC00  }
0x67: {  	_ =	swait.ge [sflag:s14], $0x3400  }
0x68: {  	[sflag:s14] =	ssyncset.done $0x0  }
0x69: {  	s23 =	simm.s32 $0x208;
	[sflag:s14] =	ssyncadd.s32 $0xFFFFCC00  }
0x6a: {  	[tilespmem:s12], [sflag:$0x1] =	stream.indirect.gather [hbm4b:s2+s8], $0x80, s23, s8, $0xb8;
	[tilespmem:$0xD380] =	vst v63  }
0x6b: {  	_ = 	snop  }
0x6c: {  	[tilespmem:s13], [sflag:$0x1] =	stream.indirect.gather [hbm4b:s3+s8], $0x80, s23, s8, $0xb8;
	[tilespmem:$0xD380] =	vst v63  }
0x6d: {  	_ =	swait.ge [sflag:s11], $0x3400  }
0x6e: {  	[sflag:s11] =	ssyncset.done $0x0  }
0x6f: {  	[sflag:s11] =	ssyncadd.s32 $0xFFFFCC00  }
0x70: {  	_ =	swait.ge [sflag:s11], $0x3400  }
0x71: {  	[sflag:s11] =	ssyncset.done $0x0  }
0x72: {  	s24 =	sadd.s32 $0x2080, s17;
	[sflag:s11] =	ssyncadd.s32 $0xFFFFCC00  }
0x73: {  	[hbm4b:s24+s4] =	stream.linear.scatter [tilespmem:s12], [sflag:$0x2], $0x3400, $0x38;
	[tilespmem:$0xD380] =	vst v63  }
0x74: {  	s25 =	sadd.s32 $0x2080, s6  }
0x75: {  	[hbm4b:s25+s4] =	stream.linear.scatter [tilespmem:s13], [sflag:$0x2], $0x3400, $0x38;
	[tilespmem:$0xD380] =	vst v63  }
0x76: {  	_ =	swait.ge [sflag:s14], $0x3400  }
0x77: {  	[sflag:s14] =	ssyncset.done $0x0  }
0x78: {  	[sflag:s14] =	ssyncadd.s32 $0xFFFFCC00  }
0x79: {  	_ =	swait.ge [sflag:s14], $0x3400  }
0x7a: {  	[sflag:s14] =	ssyncset.done $0x0  }
0x7b: {  	s26 =	simm.s32 $0x270;
	[sflag:s14] =	ssyncadd.s32 $0xFFFFCC00  }
0x7c: {  	[tilespmem:s9], [sflag:$0x1] =	stream.indirect.gather [hbm4b:s2+s8], $0x80, s26, s8, $0xb8;
	[tilespmem:$0xD380] =	vst v63  }
0x7d: {  	_ = 	snop  }
0x7e: {  	[tilespmem:s10], [sflag:$0x1] =	stream.indirect.gather [hbm4b:s3+s8], $0x80, s26, s8, $0xb8;
	[tilespmem:$0xD380] =	vst v63  }
0x7f: {  	_ =	swait.ge [sflag:s11], $0x3400  }
0x80: {  	[sflag:s11] =	ssyncset.done $0x0  }
0x81: {  	[sflag:s11] =	ssyncadd.s32 $0xFFFFCC00  }
0x82: {  	_ =	swait.ge [sflag:s11], $0x3400  }
0x83: {  	[sflag:s11] =	ssyncset.done $0x0  }
0x84: {  	s28 =	sadd.s32 $0x2700, s17;
	[sflag:s11] =	ssyncadd.s32 $0xFFFFCC00  }
0x85: {  	[hbm4b:s28+s4] =	stream.linear.scatter [tilespmem:s9], [sflag:$0x2], $0x3400, $0x38;
	[tilespmem:$0xD380] =	vst v63  }
0x86: {  	s29 =	sadd.s32 $0x2700, s6  }
0x87: {  	[hbm4b:s29+s4] =	stream.linear.scatter [tilespmem:s10], [sflag:$0x2], $0x3400, $0x38;
	[tilespmem:$0xD380] =	vst v63  }
0x88: {  	_ =	swait.ge [sflag:s14], $0x3400  }
0x89: {  	[sflag:s14] =	ssyncset.done $0x0  }
0x8a: {  	[sflag:s14] =	ssyncadd.s32 $0xFFFFCC00  }
0x8b: {  	_ =	swait.ge [sflag:s14], $0x3400  }
0x8c: {  	[sflag:s14] =	ssyncset.done $0x0  }
0x8d: {  	s30 =	simm.s32 $0x2D8;
	[sflag:s14] =	ssyncadd.s32 $0xFFFFCC00  }
0x8e: {  	[tilespmem:s12], [sflag:$0x1] =	stream.indirect.gather [hbm4b:s2+s8], $0x80, s30, s8, $0xb8;
	[tilespmem:$0xD380] =	vst v63  }
0x8f: {  	_ = 	snop  }
0x90: {  	[tilespmem:s13], [sflag:$0x1] =	stream.indirect.gather [hbm4b:s3+s8], $0x80, s30, s8, $0xb8;
	[tilespmem:$0xD380] =	vst v63  }
0x91: {  	_ =	swait.ge [sflag:s11], $0x3400  }
0x92: {  	[sflag:s11] =	ssyncset.done $0x0  }
0x93: {  	[sflag:s11] =	ssyncadd.s32 $0xFFFFCC00  }
0x94: {  	_ =	swait.ge [sflag:s11], $0x3400  }
0x95: {  	[sflag:s11] =	ssyncset.done $0x0  }
0x96: {  	s31 =	sadd.s32 $0x2D80, s17;
	[sflag:s11] =	ssyncadd.s32 $0xFFFFCC00  }
0x97: {  	[hbm4b:s31+s4] =	stream.linear.scatter [tilespmem:s12], [sflag:$0x2], $0x3400, $0x38;
	[tilespmem:$0xD380] =	vst v63  }
0x98: {  	s1 =	sadd.s32 $0x2D80, s6  }
0x99: {  	[hbm4b:s1+s4] =	stream.linear.scatter [tilespmem:s13], [sflag:$0x2], $0x3400, $0x38;
	[tilespmem:$0xD380] =	vst v63  }
0x9a: {  	s16 =	smov.u32 s17;
	s17 =	ssub.s32 $0x2, s0;
	_ =	swait.ge [sflag:s14], $0x3400  }
0x9b: {  	s0 =	sshrl.u32 s17, $0x1;
	[sflag:s14] =	ssyncset.done $0x0  }
0x9c: {  	s0 =	ssub.s32 s17, s0;
	[sflag:s14] =	ssyncadd.s32 $0xFFFFCC00  }
0x9d: {  	s0 =	smax.u32 s0, $0x1;
	_ =	swait.ge [sflag:s14], $0x3400  }
0x9e: {  	p0 =	sne.s32 s0, $0x1;
	[sflag:s14] =	ssyncset.done $0x0  }
.Ltmp0:
0x9f: {  	[sflag:s14] =	ssyncadd.s32 $0xFFFFCC00;
	(pc) =	sbr.rel @!p0 .LBB2_3-.Ltmp0, $4  }
0xa0: {  	_ =	swait.ge [sflag:s14], $0x3400  }
0xa1: {  	[sflag:s14] =	ssyncset.done $0x0  }
0xa2: {  	[sflag:s14] =	ssyncadd.s32 $0xFFFFCC00  }
0xa3: {  	s0 =	sadd.s32 $0xFFFFFFFF, s0;
	_ =	swait.ge [sflag:s14], $0x3400  }
0xa4: {  	s17 =	smov.u32 s6  }
.LBB2_2:
0xa5: {  	s5 =	rddreg [dreg:$0x6]  }
0xa6: {  	[sflag:s14] =	ssyncset.done $0x0;
	s6 =	rddreg [dreg:$0x5]  }
0xa7: {  	s15 =	rddreg [dreg:$0x4];
	[sflag:s14] =	ssyncadd.s32 $0xFFFFCC00  }
0xa8: {  	[tilespmem:s4], [sflag:$0x3] =	stream.strided.gather [hbm4b:s15+s6], $0x380, s5, s6, $0x38;
	[tilespmem:$0xD380] =	vst v63  }
0xa9: {  	_ =	swait.ge [sflag:s7], $0x380  }
0xaa: {  	[sflag:s7] =	ssyncset.done $0x0  }
0xab: {  	[sflag:s7] =	ssyncadd.s32 $0xFFFFFC80  }
0xac: {  	[tilespmem:s9], [sflag:$0x1] =	stream.indirect.gather [hbm4b:s2+s8], $0x80, s4, s8, $0xb8;
	[tilespmem:$0xD380] =	vst v63  }
0xad: {  	_ = 	snop  }
0xae: {  	[tilespmem:s10], [sflag:$0x1] =	stream.indirect.gather [hbm4b:s3+s8], $0x80, s4, s8, $0xb8;
	[tilespmem:$0xD380] =	vst v63  }
0xaf: {  	_ =	swait.ge [sflag:s11], $0x3400  }
0xb0: {  	[sflag:s11] =	ssyncset.done $0x0  }
0xb1: {  	[sflag:s11] =	ssyncadd.s32 $0xFFFFCC00  }
0xb2: {  	_ =	swait.ge [sflag:s11], $0x3400  }
0xb3: {  	[sflag:s11] =	ssyncset.done $0x0  }
0xb4: {  	[sflag:s11] =	ssyncadd.s32 $0xFFFFCC00  }
0xb5: {  	[hbm4b:s16+s4] =	stream.linear.scatter [tilespmem:s9], [sflag:$0x2], $0x3400, $0x38;
	[tilespmem:$0xD380] =	vst v63  }
0xb6: {  	_ = 	snop  }
0xb7: {  	[hbm4b:s17+s4] =	stream.linear.scatter [tilespmem:s10], [sflag:$0x2], $0x3400, $0x38;
	[tilespmem:$0xD380] =	vst v63  }
0xb8: {  	_ = 	snop  }
0xb9: {  	[tilespmem:s12], [sflag:$0x1] =	stream.indirect.gather [hbm4b:s2+s8], $0x80, s8, s8, $0xb8;
	[tilespmem:$0xD380] =	vst v63  }
0xba: {  	_ = 	snop  }
0xbb: {  	[tilespmem:s13], [sflag:$0x1] =	stream.indirect.gather [hbm4b:s3+s8], $0x80, s8, s8, $0xb8;
	[tilespmem:$0xD380] =	vst v63  }
0xbc: {  	_ =	swait.ge [sflag:s11], $0x3400  }
0xbd: {  	[sflag:s11] =	ssyncset.done $0x0  }
0xbe: {  	[sflag:s11] =	ssyncadd.s32 $0xFFFFCC00  }
0xbf: {  	_ =	swait.ge [sflag:s11], $0x3400  }
0xc0: {  	[sflag:s11] =	ssyncset.done $0x0  }
0xc1: {  	s6 =	rddreg [dreg:$0x7];
	[sflag:s11] =	ssyncadd.s32 $0xFFFFCC00  }
0xc2: {  	[hbm4b:s6+s4] =	stream.linear.scatter [tilespmem:s12], [sflag:$0x2], $0x3400, $0x38;
	[tilespmem:$0xD380] =	vst v63  }
0xc3: {  	s15 =	rddreg [dreg:$0x8]  }
0xc4: {  	[hbm4b:s15+s4] =	stream.linear.scatter [tilespmem:s13], [sflag:$0x2], $0x3400, $0x38;
	[tilespmem:$0xD380] =	vst v63  }
0xc5: {  	_ =	swait.ge [sflag:s14], $0x3400  }
0xc6: {  	[sflag:s14] =	ssyncset.done $0x0  }
0xc7: {  	[sflag:s14] =	ssyncadd.s32 $0xFFFFCC00  }
0xc8: {  	_ =	swait.ge [sflag:s14], $0x3400  }
0xc9: {  	[sflag:s14] =	ssyncset.done $0x0  }
0xca: {  	s6 =	simm.s32 $0xD0;
	[sflag:s14] =	ssyncadd.s32 $0xFFFFCC00  }
0xcb: {  	[tilespmem:s9], [sflag:$0x1] =	stream.indirect.gather [hbm4b:s2+s8], $0x80, s6, s8, $0xb8;
	[tilespmem:$0xD380] =	vst v63  }
0xcc: {  	_ = 	snop  }
0xcd: {  	[tilespmem:s10], [sflag:$0x1] =	stream.indirect.gather [hbm4b:s3+s8], $0x80, s6, s8, $0xb8;
	[tilespmem:$0xD380] =	vst v63  }
0xce: {  	_ =	swait.ge [sflag:s11], $0x3400  }
0xcf: {  	[sflag:s11] =	ssyncset.done $0x0  }
0xd0: {  	[sflag:s11] =	ssyncadd.s32 $0xFFFFCC00  }
0xd1: {  	_ =	swait.ge [sflag:s11], $0x3400  }
0xd2: {  	[sflag:s11] =	ssyncset.done $0x0  }
0xd3: {  	s15 =	rddreg [dreg:$0x9];
	[sflag:s11] =	ssyncadd.s32 $0xFFFFCC00  }
0xd4: {  	[hbm4b:s15+s4] =	stream.linear.scatter [tilespmem:s9], [sflag:$0x2], $0x3400, $0x38;
	[tilespmem:$0xD380] =	vst v63  }
0xd5: {  	s6 =	rddreg [dreg:$0xa]  }
0xd6: {  	[hbm4b:s6+s4] =	stream.linear.scatter [tilespmem:s10], [sflag:$0x2], $0x3400, $0x38;
	[tilespmem:$0xD380] =	vst v63  }
0xd7: {  	_ =	swait.ge [sflag:s14], $0x3400  }
0xd8: {  	[sflag:s14] =	ssyncset.done $0x0  }
0xd9: {  	[sflag:s14] =	ssyncadd.s32 $0xFFFFCC00  }
0xda: {  	_ =	swait.ge [sflag:s14], $0x3400  }
0xdb: {  	[sflag:s14] =	ssyncset.done $0x0  }
0xdc: {  	s15 =	simm.s32 $0x138;
	[sflag:s14] =	ssyncadd.s32 $0xFFFFCC00  }
0xdd: {  	[tilespmem:s12], [sflag:$0x1] =	stream.indirect.gather [hbm4b:s2+s8], $0x80, s15, s8, $0xb8;
	[tilespmem:$0xD380] =	vst v63  }
0xde: {  	_ = 	snop  }
0xdf: {  	[tilespmem:s13], [sflag:$0x1] =	stream.indirect.gather [hbm4b:s3+s8], $0x80, s15, s8, $0xb8;
	[tilespmem:$0xD380] =	vst v63  }
0xe0: {  	_ =	swait.ge [sflag:s11], $0x3400  }
0xe1: {  	[sflag:s11] =	ssyncset.done $0x0  }
0xe2: {  	[sflag:s11] =	ssyncadd.s32 $0xFFFFCC00  }
0xe3: {  	_ =	swait.ge [sflag:s11], $0x3400  }
0xe4: {  	[sflag:s11] =	ssyncset.done $0x0  }
0xe5: {  	[sflag:s11] =	ssyncadd.s32 $0xFFFFCC00  }
0xe6: {  	[hbm4b:s18+s4] =	stream.linear.scatter [tilespmem:s12], [sflag:$0x2], $0x3400, $0x38;
	[tilespmem:$0xD380] =	vst v63  }
0xe7: {  	_ = 	snop  }
0xe8: {  	[hbm4b:s19+s4] =	stream.linear.scatter [tilespmem:s13], [sflag:$0x2], $0x3400, $0x38;
	[tilespmem:$0xD380] =	vst v63  }
0xe9: {  	_ =	swait.ge [sflag:s14], $0x3400  }
0xea: {  	[sflag:s14] =	ssyncset.done $0x0  }
0xeb: {  	[sflag:s14] =	ssyncadd.s32 $0xFFFFCC00  }
0xec: {  	_ =	swait.ge [sflag:s14], $0x3400  }
0xed: {  	[sflag:s14] =	ssyncset.done $0x0  }
0xee: {  	[sflag:s14] =	ssyncadd.s32 $0xFFFFCC00  }
0xef: {  	[tilespmem:s9], [sflag:$0x1] =	stream.indirect.gather [hbm4b:s2+s8], $0x80, s20, s8, $0xb8;
	[tilespmem:$0xD380] =	vst v63  }
0xf0: {  	_ = 	snop  }
0xf1: {  	[tilespmem:s10], [sflag:$0x1] =	stream.indirect.gather [hbm4b:s3+s8], $0x80, s20, s8, $0xb8;
	[tilespmem:$0xD380] =	vst v63  }
0xf2: {  	_ =	swait.ge [sflag:s11], $0x3400  }
0xf3: {  	[sflag:s11] =	ssyncset.done $0x0  }
0xf4: {  	[sflag:s11] =	ssyncadd.s32 $0xFFFFCC00  }
0xf5: {  	_ =	swait.ge [sflag:s11], $0x3400  }
0xf6: {  	[sflag:s11] =	ssyncset.done $0x0  }
0xf7: {  	[sflag:s11] =	ssyncadd.s32 $0xFFFFCC00  }
0xf8: {  	[hbm4b:s21+s4] =	stream.linear.scatter [tilespmem:s9], [sflag:$0x2], $0x3400, $0x38;
	[tilespmem:$0xD380] =	vst v63  }
0xf9: {  	_ = 	snop  }
0xfa: {  	[hbm4b:s22+s4] =	stream.linear.scatter [tilespmem:s10], [sflag:$0x2], $0x3400, $0x38;
	[tilespmem:$0xD380] =	vst v63  }
0xfb: {  	_ =	swait.ge [sflag:s14], $0x3400  }
0xfc: {  	[sflag:s14] =	ssyncset.done $0x0  }
0xfd: {  	[sflag:s14] =	ssyncadd.s32 $0xFFFFCC00  }
0xfe: {  	_ =	swait.ge [sflag:s14], $0x3400  }
0xff: {  	[sflag:s14] =	ssyncset.done $0x0  }
0x100: {  	[sflag:s14] =	ssyncadd.s32 $0xFFFFCC00  }
0x101: {  	[tilespmem:s12], [sflag:$0x1] =	stream.indirect.gather [hbm4b:s2+s8], $0x80, s23, s8, $0xb8;
	[tilespmem:$0xD380] =	vst v63  }
0x102: {  	_ = 	snop  }
0x103: {  	[tilespmem:s13], [sflag:$0x1] =	stream.indirect.gather [hbm4b:s3+s8], $0x80, s23, s8, $0xb8;
	[tilespmem:$0xD380] =	vst v63  }
0x104: {  	_ =	swait.ge [sflag:s11], $0x3400  }
0x105: {  	[sflag:s11] =	ssyncset.done $0x0  }
0x106: {  	[sflag:s11] =	ssyncadd.s32 $0xFFFFCC00  }
0x107: {  	_ =	swait.ge [sflag:s11], $0x3400  }
0x108: {  	[sflag:s11] =	ssyncset.done $0x0  }
0x109: {  	[sflag:s11] =	ssyncadd.s32 $0xFFFFCC00  }
0x10a: {  	[hbm4b:s24+s4] =	stream.linear.scatter [tilespmem:s12], [sflag:$0x2], $0x3400, $0x38;
	[tilespmem:$0xD380] =	vst v63  }
0x10b: {  	_ = 	snop  }
0x10c: {  	[hbm4b:s25+s4] =	stream.linear.scatter [tilespmem:s13], [sflag:$0x2], $0x3400, $0x38;
	[tilespmem:$0xD380] =	vst v63  }
0x10d: {  	_ =	swait.ge [sflag:s14], $0x3400  }
0x10e: {  	[sflag:s14] =	ssyncset.done $0x0  }
0x10f: {  	[sflag:s14] =	ssyncadd.s32 $0xFFFFCC00  }
0x110: {  	_ =	swait.ge [sflag:s14], $0x3400  }
0x111: {  	[sflag:s14] =	ssyncset.done $0x0  }
0x112: {  	[sflag:s14] =	ssyncadd.s32 $0xFFFFCC00  }
0x113: {  	[tilespmem:s9], [sflag:$0x1] =	stream.indirect.gather [hbm4b:s2+s8], $0x80, s26, s8, $0xb8;
	[tilespmem:$0xD380] =	vst v63  }
0x114: {  	_ = 	snop  }
0x115: {  	[tilespmem:s10], [sflag:$0x1] =	stream.indirect.gather [hbm4b:s3+s8], $0x80, s26, s8, $0xb8;
	[tilespmem:$0xD380] =	vst v63  }
0x116: {  	_ =	swait.ge [sflag:s11], $0x3400  }
0x117: {  	[sflag:s11] =	ssyncset.done $0x0  }
0x118: {  	[sflag:s11] =	ssyncadd.s32 $0xFFFFCC00  }
0x119: {  	_ =	swait.ge [sflag:s11], $0x3400  }
0x11a: {  	[sflag:s11] =	ssyncset.done $0x0  }
0x11b: {  	[sflag:s11] =	ssyncadd.s32 $0xFFFFCC00  }
0x11c: {  	[hbm4b:s28+s4] =	stream.linear.scatter [tilespmem:s9], [sflag:$0x2], $0x3400, $0x38;
	[tilespmem:$0xD380] =	vst v63  }
0x11d: {  	_ = 	snop  }
0x11e: {  	[hbm4b:s29+s4] =	stream.linear.scatter [tilespmem:s10], [sflag:$0x2], $0x3400, $0x38;
	[tilespmem:$0xD380] =	vst v63  }
0x11f: {  	_ =	swait.ge [sflag:s14], $0x3400  }
0x120: {  	[sflag:s14] =	ssyncset.done $0x0  }
0x121: {  	[sflag:s14] =	ssyncadd.s32 $0xFFFFCC00  }
0x122: {  	_ =	swait.ge [sflag:s14], $0x3400  }
0x123: {  	[sflag:s14] =	ssyncset.done $0x0  }
0x124: {  	[sflag:s14] =	ssyncadd.s32 $0xFFFFCC00  }
0x125: {  	[tilespmem:s12], [sflag:$0x1] =	stream.indirect.gather [hbm4b:s2+s8], $0x80, s30, s8, $0xb8;
	[tilespmem:$0xD380] =	vst v63  }
0x126: {  	_ = 	snop  }
0x127: {  	[tilespmem:s13], [sflag:$0x1] =	stream.indirect.gather [hbm4b:s3+s8], $0x80, s30, s8, $0xb8;
	[tilespmem:$0xD380] =	vst v63  }
0x128: {  	_ =	swait.ge [sflag:s11], $0x3400  }
0x129: {  	[sflag:s11] =	ssyncset.done $0x0  }
0x12a: {  	[sflag:s11] =	ssyncadd.s32 $0xFFFFCC00  }
0x12b: {  	_ =	swait.ge [sflag:s11], $0x3400  }
0x12c: {  	[sflag:s11] =	ssyncset.done $0x0  }
0x12d: {  	[sflag:s11] =	ssyncadd.s32 $0xFFFFCC00  }
0x12e: {  	[hbm4b:s31+s4] =	stream.linear.scatter [tilespmem:s12], [sflag:$0x2], $0x3400, $0x38;
	[tilespmem:$0xD380] =	vst v63  }
0x12f: {  	_ = 	snop  }
0x130: {  	[hbm4b:s1+s4] =	stream.linear.scatter [tilespmem:s13], [sflag:$0x2], $0x3400, $0x38;
	[tilespmem:$0xD380] =	vst v63  }
0x131: {  	_ =	swait.ge [sflag:s14], $0x3400  }
0x132: {  	[sflag:s14] =	ssyncset.done $0x0  }
0x133: {  	[sflag:s14] =	ssyncadd.s32 $0xFFFFCC00  }
0x134: {  	_ =	swait.ge [sflag:s14], $0x3400  }
0x135: {  	p0 =	sne.s32 s0, $0x1;
	[sflag:s14] =	ssyncset.done $0x0  }
.Ltmp1:
0x136: {  	[sflag:s14] =	ssyncadd.s32 $0xFFFFCC00;
	(pc) =	sbr.rel @p0 .LBB2_2-.Ltmp1, $4  }
0x137: {  	_ =	swait.ge [sflag:s14], $0x3400  }
0x138: {  	[sflag:s14] =	ssyncset.done $0x0  }
0x139: {  	[sflag:s14] =	ssyncadd.s32 $0xFFFFCC00  }
0x13a: {  	s0 =	sadd.s32 $0xFFFFFFFF, s0;
	_ =	swait.ge [sflag:s14], $0x3400  }
.LBB2_3:
0x13b: {  	[sflag:s14] =	ssyncset.done $0x0  }
0x13c: {  	[sflag:s14] =	ssyncadd.s32 $0xFFFFCC00  }
0x13d: {  	_ =	sfence.sel $0x180000  }
0x13e: {  	[bflag:$0x0] =	sbarrier.arrive $0xFFFF  }
0x13f: {  	_ =	strace $0x90000047  }
0x140: {  	s0 =	stileid.u32;
	[bflag:$0x2] =	sbarrier.arrive $0xFFFF  }
0x141: {  	p0 =	sne.s32 s0, $0x0;
	s0 =	rddreg [dreg:$0x3]  }
0x142: {  	s0 =	sadd.s32 @!p0 $0x100000, s0  }
0x143: {  	[sflag:s0] =	ssyncadd.tile.s32 @!p0 $0x1;
	_ =	shalt  }
.Lfunc_end2:
_tile_overlayer_lowered:
.L_overlay_start_2:
0x144: {  	(tag) =	ssettag $0x2  }
0x145: {  	s0 =	rddreg [dreg:$0x0];
	s2 =	stileid.u32  }
0x146: {  	s1 =	rddreg [dreg:$0x1];
	p0 =	sne.s32 s2, $0x0  }
0x147: {  	s3 =	rddreg [dreg:$0x2];
	[bflag:$0x3] =	sbarrier.arrive $0xFFFF;
	s2 =	simm.s32 @!p0 $0x1C03  }
0x148: {  	[timem:s3], [sflag:s2] =	dma.local @!p0 [hbm:s0], s1  }
0x149: {  	s0 =	simm.s32 @!p0 $0x3  }
0x14a: {  	_ =	swait.ge @!p0 [sflag:s0], s1  }
0x14b: {  	s1 =	ssub.s32 @!p0 $0x0, s1;
	[sflag:s0] =	ssyncset.done @!p0 $0x0  }
0x14c: {  	[sflag:s0] =	ssyncadd.s32 @!p0 s1  }
0x14d: {  	[bflag:$0x3] =	sbarrier.arrive $0xFFFF  }
0x14e: {  	_ =	shalt  }

</sc_bundles>
